<compile_context>
chip_gen: v7x
topology: tpu7x:2x2x1
jax: 0.10.2.dev20260603
libtpu: 0.0.44.dev20260713+nightly
codegen_flags: <defaults>
</compile_context>

<pallas_src>
import functools

import jax
import jax.numpy as jnp
from jax import lax
from jax.experimental import pallas as pl
from jax.experimental.pallas import tpu as pltpu
from jax.experimental.pallas import tpu_sc as plsc

N = 10000
E = 320000
H = 128
F1 = 12
NG = 64
EPS = 1e-5

NC = 2
NS = 16
CH = 80
EPT = E // (NC * NS)
NCHUNK = EPT // CH
NPAD = 10240
RPT = NPAD // NS
RP = CH
NPIECE = RPT // RP


def _pre_body(x_ref, wlin_ref, blin_ref, wf1b_ref, wf1a_ref, x1_ref, wc_ref):
    xw = lax.dot_general(x_ref[...], wlin_ref[...], (((1,), (1,)), ((), ())),
                         preferred_element_type=jnp.float32) + blin_ref[...]
    x1_ref[...] = xw * jax.nn.sigmoid(xw)
    wc_ref[...] = lax.dot_general(wf1b_ref[...], wf1a_ref[...],
                                  (((1,), (0,)), ((), ())),
                                  preferred_element_type=jnp.float32)


_pre = pl.pallas_call(
    _pre_body,
    out_shape=[
        jax.ShapeDtypeStruct((N, H), jnp.float32),
        jax.ShapeDtypeStruct((H, F1), jnp.float32),
    ],
)


_BE = 12800


def _bf16_bits(x):
    u16 = jnp.uint32(16)
    u = lax.bitcast_convert_type(x, jnp.uint32)
    rnd = (lax.shift_right_logical(u, u16) & jnp.uint32(1)) + jnp.uint32(0x7FFF)
    return lax.shift_right_logical(u + rnd, u16)


def _f1_body(feat_ref, wc_ref, f1_ref):
    f1_ref[...] = lax.dot_general(feat_ref[...], wc_ref[...],
                                  (((0,), (1,)), ((), ())),
                                  preferred_element_type=jnp.float32)


_f1 = pl.pallas_call(
    _f1_body,
    grid=(E // _BE,),
    in_specs=[
        pl.BlockSpec((F1, _BE), lambda i: (0, i)),
        pl.BlockSpec((H, F1), lambda i: (0, 0)),
    ],
    out_specs=pl.BlockSpec((_BE, H), lambda i: (i, 0)),
    out_shape=jax.ShapeDtypeStruct((E, H), jnp.float32),
)


NPAIR = NCHUNK // 2


def _sc_body(x1_hbm, f1_hbm, src_hbm, dst_hbm, out_hbm,
             isrc0, idst0, f1b0, xgb0, isrc1, idst1, f1b1, xgb1, acc,
             semA0, semG0, semS0, semA1, semG1, semS1):
    c = lax.axis_index("c")
    s = lax.axis_index("s")
    isrc = (isrc0, isrc1)
    idst = (idst0, idst1)
    f1b = (f1b0, f1b1)
    xgb = (xgb0, xgb1)
    semA = (semA0, semA1)
    semG = (semG0, semG1)
    semS = (semS0, semS1)

    @plsc.parallel_loop(0, RP, 1, unroll=4)
    def _zrow(r):
        for j in range(H // 16):
            xgb0[r, pl.ds(16 * j, 16)] = jnp.zeros((16,), jnp.float32)

    for p in range(NPIECE):
        pltpu.sync_copy(xgb0, acc.at[pl.ds(s * RPT + p * RP, RP)])
    plsc.subcore_barrier()

    e0 = c * (NS * EPT) + s * EPT

    def startA(t, b):
        base = e0 + t * CH
        pltpu.async_copy(src_hbm.at[pl.ds(base, CH)], isrc[b], semA[b])
        pltpu.async_copy(dst_hbm.at[pl.ds(base, CH)], idst[b], semA[b])
        pltpu.async_copy(f1_hbm.at[pl.ds(base, CH)], f1b[b], semA[b])

    def waitA(t, b):
        base = e0 + t * CH
        pltpu.make_async_copy(src_hbm.at[pl.ds(base, CH)], isrc[b], semA[b]).wait()
        pltpu.make_async_copy(dst_hbm.at[pl.ds(base, CH)], idst[b], semA[b]).wait()
        pltpu.make_async_copy(f1_hbm.at[pl.ds(base, CH)], f1b[b], semA[b]).wait()

    def startG(b):
        pltpu.async_copy(x1_hbm.at[isrc[b]], xgb[b], semG[b])

    def waitG(b):
        pltpu.make_async_copy(x1_hbm.at[isrc[b]], xgb[b], semG[b]).wait()

    def startS(b):
        pltpu.async_copy(xgb[b], acc.at[idst[b]], semS[b], add=True)

    def waitS(b):
        pltpu.make_async_copy(xgb[b], acc.at[idst[b]], semS[b]).wait()

    def compute(b):
        fb = f1b[b]
        xb = xgb[b]

        @plsc.parallel_loop(0, CH, 1, unroll=4)
        def _erow(e):
            for j in range(H // 16):
                sl = pl.ds(16 * j, 16)
                xb[e, sl] = xb[e, sl] * fb[e, sl]

    startA(0, 0)
    startA(1, 1)
    waitA(0, 0)
    startG(0)

    def _pair(g, carry):
        c0 = 2 * g
        waitA(c0 + 1, 1)
        startG(1)
        waitG(0)
        compute(0)
        startS(0)
        waitS(0)
        startA(c0 + 2, 0)
        waitG(1)
        compute(1)
        startS(1)
        waitA(c0 + 2, 0)
        startG(0)
        waitS(1)

        @pl.when(g < NPAIR - 1)
        def _():
            startA(c0 + 3, 1)

        return carry

    lax.fori_loop(0, NPAIR, _pair, 0)
    waitG(0)
    compute(0)
    startS(0)
    waitS(0)
    plsc.subcore_barrier()

    for p in range(NPIECE):
        r0 = s * RPT + p * RP
        pltpu.sync_copy(acc.at[pl.ds(r0, RP)], xgb0)
        pltpu.sync_copy(xgb0, out_hbm.at[pl.ds(c * NPAD + r0, RP)])


@functools.cache
def _make_sc_agg():
    return pl.kernel(
        _sc_body,
        out_type=jax.ShapeDtypeStruct((NC * NPAD, H), jnp.float32),
        mesh=plsc.VectorSubcoreMesh(core_axis_name="c", subcore_axis_name="s"),
        scratch_types=[
            pltpu.VMEM((CH,), jnp.int32),
            pltpu.VMEM((CH,), jnp.int32),
            pltpu.VMEM((CH, H), jnp.float32),
            pltpu.VMEM((CH, H), jnp.float32),
            pltpu.VMEM((CH,), jnp.int32),
            pltpu.VMEM((CH,), jnp.int32),
            pltpu.VMEM((CH, H), jnp.float32),
            pltpu.VMEM((CH, H), jnp.float32),
            pltpu.VMEM_SHARED((NPAD, H), jnp.float32),
            pltpu.SemaphoreType.DMA,
            pltpu.SemaphoreType.DMA,
            pltpu.SemaphoreType.DMA,
            pltpu.SemaphoreType.DMA,
            pltpu.SemaphoreType.DMA,
            pltpu.SemaphoreType.DMA,
        ],
    )


def _post_body(agg2_ref, x1_ref, batch_ref, wrel_ref, wroot_ref, bconv_ref,
               wlin1_ref, blin1_ref, wlins_ref, blins_ref, gnw_ref, gnb_ref,
               gna_ref, wfin_ref, bfin_ref, out_ref):
    def dgT(a, w):
        return lax.dot_general(a, w, (((1,), (1,)), ((), ())),
                               preferred_element_type=jnp.float32)

    x1 = x1_ref[...]
    a2 = agg2_ref[...]
    agg = a2[:N] + a2[NPAD:NPAD + N]
    h1 = dgT(agg, wrel_ref[...]) + dgT(x1, wroot_ref[...]) + bconv_ref[...]
    t = dgT(h1, wlin1_ref[...]) + blin1_ref[...]
    h = t * jax.nn.sigmoid(t) + x1
    for i in range(3):
        t = dgT(h, wlins_ref[i]) + blins_ref[i]
        h = t * jax.nn.sigmoid(t) + h

    bt = batch_ref[...]
    gids = lax.broadcasted_iota(jnp.int32, (NG, N), 0)
    oh = (bt == gids).astype(jnp.float32)
    cnt = jnp.maximum(jnp.sum(oh, axis=1, keepdims=True), 1.0)
    mean = lax.dot_general(oh, h, (((1,), (0,)), ((), ())),
                           preferred_element_type=jnp.float32) / cnt
    meann = lax.dot_general(oh, mean, (((0,), (0,)), ((), ())),
                            preferred_element_type=jnp.float32)
    cen = h - gna_ref[...] * meann
    var = lax.dot_general(oh, cen * cen, (((1,), (0,)), ((), ())),
                          preferred_element_type=jnp.float32) / cnt
    varn = lax.dot_general(oh, var, (((0,), (0,)), ((), ())),
                           preferred_element_type=jnp.float32)
    hn = gnw_ref[...] * cen * lax.rsqrt(varn + EPS) + gnb_ref[...]
    out_ref[...] = dgT(hn, wfin_ref[...]) + bfin_ref[...]


_post = pl.pallas_call(
    _post_body,
    out_shape=jax.ShapeDtypeStruct((N, H), jnp.float32),
)


def kernel(x, feature1, edge_index, batch, W_lin, b_lin, Wf1a, Wf1b, W_rel,
           W_root, b_conv, W_lin1, b_lin1, W_lins, b_lins, gn_w, gn_b, gn_a,
           W_final, b_final):
    x1, wc = _pre(x, W_lin, b_lin.reshape(1, H), Wf1b, Wf1a)
    f1 = _f1(feature1.T, wc)
    agg2 = _make_sc_agg()(x1, f1, edge_index[0], edge_index[1])
    return _post(agg2, x1, batch.reshape(1, N), W_rel, W_root,
                 b_conv.reshape(1, H), W_lin1, b_lin1.reshape(1, H), W_lins,
                 b_lins.reshape(3, 1, H), gn_w.reshape(1, H),
                 gn_b.reshape(1, H), gn_a.reshape(1, H), W_final,
                 b_final.reshape(1, H))

# --- scband reference (transcript-rebuilt; emitter-appended) ---
"""Pipeline reference for scband-xas3-dabs-77584289235596 (READ-ONLY COPY).

The authoritative reference and input builder live on the scoring server;
editing this copy changes nothing except your own understanding.
"""

import jax, jax.numpy as jnp
import numpy as np

NG = 64
EPS = 1e-5

def swish(x):
    return x * jax.nn.sigmoid(x)

def setup_inputs(seed: int = 0):
    key = jax.random.key(seed)
    ks = jax.random.split(key, 16)
    N, E, F1, H = 10000, 320000, 12, 128
    s = 0.05
    inp = {}
    inp['x'] = jax.random.normal(ks[0], (N, H), dtype=jnp.float32)
    inp['feature1'] = jax.random.normal(ks[1], (E, F1), dtype=jnp.float32)
    inp['edge_index'] = jax.random.randint(ks[2], (2, E), 0, N, dtype=jnp.int32)
    inp['batch'] = jnp.sort(jax.random.randint(ks[3], (N,), 0, NG, dtype=jnp.int32))
    inp['W_lin'] = jax.random.normal(ks[4], (H, H), dtype=jnp.float32) * s
    inp['b_lin'] = jnp.zeros((H,), dtype=jnp.float32)
    inp['Wf1a'] = jax.random.normal(ks[5], (H, F1), dtype=jnp.float32) * s
    inp['Wf1b'] = jax.random.normal(ks[6], (H, H), dtype=jnp.float32) * s
    inp['W_rel'] = jax.random.normal(ks[7], (H, H), dtype=jnp.float32) * s
    inp['W_root'] = jax.random.normal(ks[8], (H, H), dtype=jnp.float32) * s
    inp['b_conv'] = jnp.zeros((H,), dtype=jnp.float32)
    inp['W_lin1'] = jax.random.normal(ks[9], (H, H), dtype=jnp.float32) * s
    inp['b_lin1'] = jnp.zeros((H,), dtype=jnp.float32)
    inp['W_lins'] = jax.random.normal(ks[10], (3, H, H), dtype=jnp.float32) * s
    inp['b_lins'] = jnp.zeros((3, H), dtype=jnp.float32)
    inp['gn_w'] = jnp.ones((H,), dtype=jnp.float32)
    inp['gn_b'] = jnp.zeros((H,), dtype=jnp.float32)
    inp['gn_a'] = jnp.ones((H,), dtype=jnp.float32)
    inp['W_final'] = jax.random.normal(ks[11], (H, H), dtype=jnp.float32) * s
    inp['b_final'] = jnp.zeros((H,), dtype=jnp.float32)
    return inp

def reference(x, feature1, edge_index, batch, W_lin, b_lin, Wf1a, Wf1b, W_rel, W_root, b_conv, W_lin1, b_lin1, W_lins, b_lins, gn_w, gn_b, gn_a, W_final, b_final):
    N = x.shape[0]
    # x = act(self.lin(x))
    x = swish(x @ W_lin.T + b_lin)
    # feature1 = self.lin_feature1(feature1)  (TwoLayerLinear, no bias, no act)
    f1 = (feature1 @ Wf1a.T) @ Wf1b.T
    # EdgeGraphConv: message = edge_weight * x_j; aggr = add; out = lin_rel(aggr) + lin_root(x)
    src = edge_index[0]
    dst = edge_index[1]
    m = f1 * x[src]
    agg = jax.ops.segment_sum(m, dst, num_segments=N)
    h1 = agg @ W_rel.T + x @ W_root.T + b_conv
    h1 = swish(h1 @ W_lin1.T + b_lin1)
    h = h1 + x
    for i in range(W_lins.shape[0]):
        h = swish(h @ W_lins[i].T + b_lins[i]) + h
    # GraphNorm over batch segments
    cnt = jnp.maximum(jax.ops.segment_sum(jnp.ones((N, 1), dtype=x.dtype), batch, num_segments=NG), 1.0)
    mean = jax.ops.segment_sum(h, batch, num_segments=NG) / cnt
    centered = h - gn_a * mean[batch]
    var = jax.ops.segment_sum(centered ** 2, batch, num_segments=NG) / cnt
    h = gn_w * centered / jnp.sqrt(var[batch] + EPS) + gn_b
    return h @ W_final.T + b_final

if __name__ == "__main__":
    import jax
    _d = setup_inputs()
    print(jax.jit(kernel)(*tuple(_d.values())))

</pallas_src>

<mosaic_0001>
#map = affine_map<(d0, d1) -> (0, 0)>
#map1 = affine_map<(d0, d1) -> (0)>
module attributes {stable_mosaic.version = 14 : i64} {
  func.func @_sc_body(%arg0: i32, %arg1: i32, %arg2: memref<10000x128xf32, #tpu.memory_space<hbm>>, %arg3: memref<320000x128xf32, #tpu.memory_space<hbm>>, %arg4: memref<320000xi32, #tpu.memory_space<hbm>>, %arg5: memref<320000xi32, #tpu.memory_space<hbm>>, %arg6: memref<20480x128xf32, #tpu.memory_space<hbm>>, %arg7: memref<80xi32, #tpu.memory_space<vmem>>, %arg8: memref<80xi32, #tpu.memory_space<vmem>>, %arg9: memref<80x128xf32, #tpu.memory_space<vmem>>, %arg10: memref<80x128xf32, #tpu.memory_space<vmem>>, %arg11: memref<80xi32, #tpu.memory_space<vmem>>, %arg12: memref<80xi32, #tpu.memory_space<vmem>>, %arg13: memref<80x128xf32, #tpu.memory_space<vmem>>, %arg14: memref<80x128xf32, #tpu.memory_space<vmem>>, %arg15: memref<10240x128xf32, #tpu.memory_space<vmem_shared>>, %arg16: memref<!tpu.dma_semaphore, #tpu.memory_space<semaphore_mem>>, %arg17: memref<!tpu.dma_semaphore, #tpu.memory_space<semaphore_mem>>, %arg18: memref<!tpu.dma_semaphore, #tpu.memory_space<semaphore_mem>>, %arg19: memref<!tpu.dma_semaphore, #tpu.memory_space<semaphore_mem>>, %arg20: memref<!tpu.dma_semaphore, #tpu.memory_space<semaphore_mem>>, %arg21: memref<!tpu.dma_semaphore, #tpu.memory_space<semaphore_mem>>) attributes {dimension_semantics = [#tpu.dimension_semantics<core_parallel>, #tpu.dimension_semantics<subcore_parallel>], iteration_bounds = array<i64: 2, 16>, scalar_prefetch = 0 : i64, scratch_operands = 15 : i64, tpu.core_type = #tpu.core_type<sc_vector_subcore>, window_params = [{transform_indices = #map}, {transform_indices = #map}, {transform_indices = #map1}, {transform_indices = #map1}, {transform_indices = #map}]} {
    %parallel_loop3A = arith.constant 0 : i32
    %parallel_loop3A_0 = arith.constant 80 : i32
    %parallel_loop3A_1 = arith.constant 1 : i32
    scf.for %parallel_loop3A_142 = %parallel_loop3A to %parallel_loop3A_0 step %parallel_loop3A_1  : i32 {
      %parallel_loop3A_143 = arith.constant 0.000000e+00 : f32
      %parallel_loop3A_144 = vector.broadcast %parallel_loop3A_143 : f32 to vector<16xf32>
      %parallel_loop3A_145 = arith.index_cast %parallel_loop3A_142 : i32 to index
      %parallel_loop3A_146 = arith.constant 0 : index
      %parallel_loop3A_147 = tpu.vector_load %arg10[%parallel_loop3A_145, %parallel_loop3A_146] {strides = array<i32>} : memref<80x128xf32, #tpu.memory_space<vmem>>, vector<1x16xf32>,
      %parallel_loop3A_148 = vector.shape_cast %parallel_loop3A_147 : vector<1x16xf32> to vector<16xf32>
      %parallel_loop3A_149 = vector.shape_cast %parallel_loop3A_144 : vector<16xf32> to vector<1x16xf32>
      tpu.vector_store %arg10[%parallel_loop3A_145, %parallel_loop3A_146], %parallel_loop3A_149 {strides = array<i32>} : memref<80x128xf32, #tpu.memory_space<vmem>>, vector<1x16xf32>,
      %parallel_loop3A_150 = arith.constant 0.000000e+00 : f32
      %parallel_loop3A_151 = vector.broadcast %parallel_loop3A_150 : f32 to vector<16xf32>
      %parallel_loop3A_152 = arith.index_cast %parallel_loop3A_142 : i32 to index
      %parallel_loop3A_153 = arith.constant 16 : index
      %parallel_loop3A_154 = tpu.vector_load %arg10[%parallel_loop3A_152, %parallel_loop3A_153] {strides = array<i32>} : memref<80x128xf32, #tpu.memory_space<vmem>>, vector<1x16xf32>,
      %parallel_loop3A_155 = vector.shape_cast %parallel_loop3A_154 : vector<1x16xf32> to vector<16xf32>
      %parallel_loop3A_156 = vector.shape_cast %parallel_loop3A_151 : vector<16xf32> to vector<1x16xf32>
      tpu.vector_store %arg10[%parallel_loop3A_152, %parallel_loop3A_153], %parallel_loop3A_156 {strides = array<i32>} : memref<80x128xf32, #tpu.memory_space<vmem>>, vector<1x16xf32>,
      %parallel_loop3A_157 = arith.constant 0.000000e+00 : f32
      %parallel_loop3A_158 = vector.broadcast %parallel_loop3A_157 : f32 to vector<16xf32>
      %parallel_loop3A_159 = arith.index_cast %parallel_loop3A_142 : i32 to index
      %parallel_loop3A_160 = arith.constant 32 : index
      %parallel_loop3A_161 = tpu.vector_load %arg10[%parallel_loop3A_159, %parallel_loop3A_160] {strides = array<i32>} : memref<80x128xf32, #tpu.memory_space<vmem>>, vector<1x16xf32>,
      %parallel_loop3A_162 = vector.shape_cast %parallel_loop3A_161 : vector<1x16xf32> to vector<16xf32>
      %parallel_loop3A_163 = vector.shape_cast %parallel_loop3A_158 : vector<16xf32> to vector<1x16xf32>
      tpu.vector_store %arg10[%parallel_loop3A_159, %parallel_loop3A_160], %parallel_loop3A_163 {strides = array<i32>} : memref<80x128xf32, #tpu.memory_space<vmem>>, vector<1x16xf32>,
      %parallel_loop3A_164 = arith.constant 0.000000e+00 : f32
      %parallel_loop3A_165 = vector.broadcast %parallel_loop3A_164 : f32 to vector<16xf32>
      %parallel_loop3A_166 = arith.index_cast %parallel_loop3A_142 : i32 to index
      %parallel_loop3A_167 = arith.constant 48 : index
      %parallel_loop3A_168 = tpu.vector_load %arg10[%parallel_loop3A_166, %parallel_loop3A_167] {strides = array<i32>} : memref<80x128xf32, #tpu.memory_space<vmem>>, vector<1x16xf32>,
      %parallel_loop3A_169 = vector.shape_cast %parallel_loop3A_168 : vector<1x16xf32> to vector<16xf32>
      %parallel_loop3A_170 = vector.shape_cast %parallel_loop3A_165 : vector<16xf32> to vector<1x16xf32>
      tpu.vector_store %arg10[%parallel_loop3A_166, %parallel_loop3A_167], %parallel_loop3A_170 {strides = array<i32>} : memref<80x128xf32, #tpu.memory_space<vmem>>, vector<1x16xf32>,
      %parallel_loop3A_171 = arith.constant 0.000000e+00 : f32
      %parallel_loop3A_172 = vector.broadcast %parallel_loop3A_171 : f32 to vector<16xf32>
      %parallel_loop3A_173 = arith.index_cast %parallel_loop3A_142 : i32 to index
      %parallel_loop3A_174 = arith.constant 64 : index
      %parallel_loop3A_175 = tpu.vector_load %arg10[%parallel_loop3A_173, %parallel_loop3A_174] {strides = array<i32>} : memref<80x128xf32, #tpu.memory_space<vmem>>, vector<1x16xf32>,
      %parallel_loop3A_176 = vector.shape_cast %parallel_loop3A_175 : vector<1x16xf32> to vector<16xf32>
      %parallel_loop3A_177 = vector.shape_cast %parallel_loop3A_172 : vector<16xf32> to vector<1x16xf32>
      tpu.vector_store %arg10[%parallel_loop3A_173, %parallel_loop3A_174], %parallel_loop3A_177 {strides = array<i32>} : memref<80x128xf32, #tpu.memory_space<vmem>>, vector<1x16xf32>,
      %parallel_loop3A_178 = arith.constant 0.000000e+00 : f32
      %parallel_loop3A_179 = vector.broadcast %parallel_loop3A_178 : f32 to vector<16xf32>
      %parallel_loop3A_180 = arith.index_cast %parallel_loop3A_142 : i32 to index
      %parallel_loop3A_181 = arith.constant 80 : index
      %parallel_loop3A_182 = tpu.vector_load %arg10[%parallel_loop3A_180, %parallel_loop3A_181] {strides = array<i32>} : memref<80x128xf32, #tpu.memory_space<vmem>>, vector<1x16xf32>,
      %parallel_loop3A_183 = vector.shape_cast %parallel_loop3A_182 : vector<1x16xf32> to vector<16xf32>
      %parallel_loop3A_184 = vector.shape_cast %parallel_loop3A_179 : vector<16xf32> to vector<1x16xf32>
      tpu.vector_store %arg10[%parallel_loop3A_180, %parallel_loop3A_181], %parallel_loop3A_184 {strides = array<i32>} : memref<80x128xf32, #tpu.memory_space<vmem>>, vector<1x16xf32>,
      %parallel_loop3A_185 = arith.constant 0.000000e+00 : f32
      %parallel_loop3A_186 = vector.broadcast %parallel_loop3A_185 : f32 to vector<16xf32>
      %parallel_loop3A_187 = arith.index_cast %parallel_loop3A_142 : i32 to index
      %parallel_loop3A_188 = arith.constant 96 : index
      %parallel_loop3A_189 = tpu.vector_load %arg10[%parallel_loop3A_187, %parallel_loop3A_188] {strides = array<i32>} : memref<80x128xf32, #tpu.memory_space<vmem>>, vector<1x16xf32>,
      %parallel_loop3A_190 = vector.shape_cast %parallel_loop3A_189 : vector<1x16xf32> to vector<16xf32>
      %parallel_loop3A_191 = vector.shape_cast %parallel_loop3A_186 : vector<16xf32> to vector<1x16xf32>
      tpu.vector_store %arg10[%parallel_loop3A_187, %parallel_loop3A_188], %parallel_loop3A_191 {strides = array<i32>} : memref<80x128xf32, #tpu.memory_space<vmem>>, vector<1x16xf32>,
      %parallel_loop3A_192 = arith.constant 0.000000e+00 : f32
      %parallel_loop3A_193 = vector.broadcast %parallel_loop3A_192 : f32 to vector<16xf32>
      %parallel_loop3A_194 = arith.index_cast %parallel_loop3A_142 : i32 to index
      %parallel_loop3A_195 = arith.constant 112 : index
      %parallel_loop3A_196 = tpu.vector_load %arg10[%parallel_loop3A_194, %parallel_loop3A_195] {strides = array<i32>} : memref<80x128xf32, #tpu.memory_space<vmem>>, vector<1x16xf32>,
      %parallel_loop3A_197 = vector.shape_cast %parallel_loop3A_196 : vector<1x16xf32> to vector<16xf32>
      %parallel_loop3A_198 = vector.shape_cast %parallel_loop3A_193 : vector<16xf32> to vector<1x16xf32>
      tpu.vector_store %arg10[%parallel_loop3A_194, %parallel_loop3A_195], %parallel_loop3A_198 {strides = array<i32>} : memref<80x128xf32, #tpu.memory_space<vmem>>, vector<1x16xf32>,
    } {sc.loop_unroll_factor = 4 : i64, sc.parallel_access}
    %mul3A = arith.constant 640 : i32
    %mul3A_2 = arith.muli %arg1, %mul3A : i32
    %add3A = arith.constant 0 : i32
    %add3A_3 = arith.addi %mul3A_2, %add3A : i32
    "tpu.region"() ({
      %run_scoped3A = tpu.sem_alloc : memref<!tpu.dma_semaphore, #tpu.memory_space<semaphore_mem>>
      %dma_start3A_142 = arith.constant 0 : i32
      %dma_start3A_143 = tpu.memref_slice %arg15[%add3A_3, %dma_start3A_142] : memref<10240x128xf32, #tpu.memory_space<vmem_shared>> -> memref<80x128xf32, #tpu.memory_space<vmem_shared>>
      %dma_start3A_144 = arith.constant 0 : i32
      %dma_start3A_145 = tpu.memref_slice %arg15[%add3A_3, %dma_start3A_144] : memref<10240x128xf32, #tpu.memory_space<vmem_shared>> -> memref<80x128xf32, #tpu.memory_space<vmem_shared>>
      tpu.enqueue_dma source(%arg10 : memref<80x128xf32, #tpu.memory_space<vmem>>) target(%dma_start3A_145 : memref<80x128xf32, #tpu.memory_space<vmem_shared>>) target_semaphore(%run_scoped3A : memref<!tpu.dma_semaphore, #tpu.memory_space<semaphore_mem>>)
      %dma_wait3A_146 = arith.constant 0 : i32
      %dma_wait3A_147 = tpu.memref_slice %arg15[%add3A_3, %dma_wait3A_146] : memref<10240x128xf32, #tpu.memory_space<vmem_shared>> -> memref<80x128xf32, #tpu.memory_space<vmem_shared>>
      %dma_wait3A_148 = arith.constant 0 : i32
      %dma_wait3A_149 = tpu.memref_slice %arg15[%add3A_3, %dma_wait3A_148] : memref<10240x128xf32, #tpu.memory_space<vmem_shared>> -> memref<80x128xf32, #tpu.memory_space<vmem_shared>>
      tpu.wait_dma2 semaphore(%run_scoped3A : memref<!tpu.dma_semaphore, #tpu.memory_space<semaphore_mem>>) src(%arg10 : memref<80x128xf32, #tpu.memory_space<vmem>>) dst(%dma_wait3A_149 : memref<80x128xf32, #tpu.memory_space<vmem_shared>>)
      tpu.yield
    }) : () -> ()
    %mul3A_4 = arith.constant 640 : i32
    %mul3A_5 = arith.muli %arg1, %mul3A_4 : i32
    %add3A_6 = arith.constant 80 : i32
    %add3A_7 = arith.addi %mul3A_5, %add3A_6 : i32
    "tpu.region"() ({
      %run_scoped3A = tpu.sem_alloc : memref<!tpu.dma_semaphore, #tpu.memory_space<semaphore_mem>>
      %dma_start3A_142 = arith.constant 0 : i32
      %dma_start3A_143 = tpu.memref_slice %arg15[%add3A_7, %dma_start3A_142] : memref<10240x128xf32, #tpu.memory_space<vmem_shared>> -> memref<80x128xf32, #tpu.memory_space<vmem_shared>>
      %dma_start3A_144 = arith.constant 0 : i32
      %dma_start3A_145 = tpu.memref_slice %arg15[%add3A_7, %dma_start3A_144] : memref<10240x128xf32, #tpu.memory_space<vmem_shared>> -> memref<80x128xf32, #tpu.memory_space<vmem_shared>>
      tpu.enqueue_dma source(%arg10 : memref<80x128xf32, #tpu.memory_space<vmem>>) target(%dma_start3A_145 : memref<80x128xf32, #tpu.memory_space<vmem_shared>>) target_semaphore(%run_scoped3A : memref<!tpu.dma_semaphore, #tpu.memory_space<semaphore_mem>>)
      %dma_wait3A_146 = arith.constant 0 : i32
      %dma_wait3A_147 = tpu.memref_slice %arg15[%add3A_7, %dma_wait3A_146] : memref<10240x128xf32, #tpu.memory_space<vmem_shared>> -> memref<80x128xf32, #tpu.memory_space<vmem_shared>>
      %dma_wait3A_148 = arith.constant 0 : i32
      %dma_wait3A_149 = tpu.memref_slice %arg15[%add3A_7, %dma_wait3A_148] : memref<10240x128xf32, #tpu.memory_space<vmem_shared>> -> memref<80x128xf32, #tpu.memory_space<vmem_shared>>
      tpu.wait_dma2 semaphore(%run_scoped3A : memref<!tpu.dma_semaphore, #tpu.memory_space<semaphore_mem>>) src(%arg10 : memref<80x128xf32, #tpu.memory_space<vmem>>) dst(%dma_wait3A_149 : memref<80x128xf32, #tpu.memory_space<vmem_shared>>)
      tpu.yield
    }) : () -> ()
    %mul3A_8 = arith.constant 640 : i32
    %mul3A_9 = arith.muli %arg1, %mul3A_8 : i32
    %add3A_10 = arith.constant 160 : i32
    %add3A_11 = arith.addi %mul3A_9, %add3A_10 : i32
    "tpu.region"() ({
      %run_scoped3A = tpu.sem_alloc : memref<!tpu.dma_semaphore, #tpu.memory_space<semaphore_mem>>
      %dma_start3A_142 = arith.constant 0 : i32
      %dma_start3A_143 = tpu.memref_slice %arg15[%add3A_11, %dma_start3A_142] : memref<10240x128xf32, #tpu.memory_space<vmem_shared>> -> memref<80x128xf32, #tpu.memory_space<vmem_shared>>
      %dma_start3A_144 = arith.constant 0 : i32
      %dma_start3A_145 = tpu.memref_slice %arg15[%add3A_11, %dma_start3A_144] : memref<10240x128xf32, #tpu.memory_space<vmem_shared>> -> memref<80x128xf32, #tpu.memory_space<vmem_shared>>
      tpu.enqueue_dma source(%arg10 : memref<80x128xf32, #tpu.memory_space<vmem>>) target(%dma_start3A_145 : memref<80x128xf32, #tpu.memory_space<vmem_shared>>) target_semaphore(%run_scoped3A : memref<!tpu.dma_semaphore, #tpu.memory_space<semaphore_mem>>)
      %dma_wait3A_146 = arith.constant 0 : i32
      %dma_wait3A_147 = tpu.memref_slice %arg15[%add3A_11, %dma_wait3A_146] : memref<10240x128xf32, #tpu.memory_space<vmem_shared>> -> memref<80x128xf32, #tpu.memory_space<vmem_shared>>
      %dma_wait3A_148 = arith.constant 0 : i32
      %dma_wait3A_149 = tpu.memref_slice %arg15[%add3A_11, %dma_wait3A_148] : memref<10240x128xf32, #tpu.memory_space<vmem_shared>> -> memref<80x128xf32, #tpu.memory_space<vmem_shared>>
      tpu.wait_dma2 semaphore(%run_scoped3A : memref<!tpu.dma_semaphore, #tpu.memory_space<semaphore_mem>>) src(%arg10 : memref<80x128xf32, #tpu.memory_space<vmem>>) dst(%dma_wait3A_149 : memref<80x128xf32, #tpu.memory_space<vmem_shared>>)
      tpu.yield
    }) : () -> ()
    %mul3A_12 = arith.constant 640 : i32
    %mul3A_13 = arith.muli %arg1, %mul3A_12 : i32
    %add3A_14 = arith.constant 240 : i32
    %add3A_15 = arith.addi %mul3A_13, %add3A_14 : i32
    "tpu.region"() ({
      %run_scoped3A = tpu.sem_alloc : memref<!tpu.dma_semaphore, #tpu.memory_space<semaphore_mem>>
      %dma_start3A_142 = arith.constant 0 : i32
      %dma_start3A_143 = tpu.memref_slice %arg15[%add3A_15, %dma_start3A_142] : memref<10240x128xf32, #tpu.memory_space<vmem_shared>> -> memref<80x128xf32, #tpu.memory_space<vmem_shared>>
      %dma_start3A_144 = arith.constant 0 : i32
      %dma_start3A_145 = tpu.memref_slice %arg15[%add3A_15, %dma_start3A_144] : memref<10240x128xf32, #tpu.memory_space<vmem_shared>> -> memref<80x128xf32, #tpu.memory_space<vmem_shared>>
      tpu.enqueue_dma source(%arg10 : memref<80x128xf32, #tpu.memory_space<vmem>>) target(%dma_start3A_145 : memref<80x128xf32, #tpu.memory_space<vmem_shared>>) target_semaphore(%run_scoped3A : memref<!tpu.dma_semaphore, #tpu.memory_space<semaphore_mem>>)
      %dma_wait3A_146 = arith.constant 0 : i32
      %dma_wait3A_147 = tpu.memref_slice %arg15[%add3A_15, %dma_wait3A_146] : memref<10240x128xf32, #tpu.memory_space<vmem_shared>> -> memref<80x128xf32, #tpu.memory_space<vmem_shared>>
      %dma_wait3A_148 = arith.constant 0 : i32
      %dma_wait3A_149 = tpu.memref_slice %arg15[%add3A_15, %dma_wait3A_148] : memref<10240x128xf32, #tpu.memory_space<vmem_shared>> -> memref<80x128xf32, #tpu.memory_space<vmem_shared>>
      tpu.wait_dma2 semaphore(%run_scoped3A : memref<!tpu.dma_semaphore, #tpu.memory_space<semaphore_mem>>) src(%arg10 : memref<80x128xf32, #tpu.memory_space<vmem>>) dst(%dma_wait3A_149 : memref<80x128xf32, #tpu.memory_space<vmem_shared>>)
      tpu.yield
    }) : () -> ()
    %mul3A_16 = arith.constant 640 : i32
    %mul3A_17 = arith.muli %arg1, %mul3A_16 : i32
    %add3A_18 = arith.constant 320 : i32
    %add3A_19 = arith.addi %mul3A_17, %add3A_18 : i32
    "tpu.region"() ({
      %run_scoped3A = tpu.sem_alloc : memref<!tpu.dma_semaphore, #tpu.memory_space<semaphore_mem>>
      %dma_start3A_142 = arith.constant 0 : i32
      %dma_start3A_143 = tpu.memref_slice %arg15[%add3A_19, %dma_start3A_142] : memref<10240x128xf32, #tpu.memory_space<vmem_shared>> -> memref<80x128xf32, #tpu.memory_space<vmem_shared>>
      %dma_start3A_144 = arith.constant 0 : i32
      %dma_start3A_145 = tpu.memref_slice %arg15[%add3A_19, %dma_start3A_144] : memref<10240x128xf32, #tpu.memory_space<vmem_shared>> -> memref<80x128xf32, #tpu.memory_space<vmem_shared>>
      tpu.enqueue_dma source(%arg10 : memref<80x128xf32, #tpu.memory_space<vmem>>) target(%dma_start3A_145 : memref<80x128xf32, #tpu.memory_space<vmem_shared>>) target_semaphore(%run_scoped3A : memref<!tpu.dma_semaphore, #tpu.memory_space<semaphore_mem>>)
      %dma_wait3A_146 = arith.constant 0 : i32
      %dma_wait3A_147 = tpu.memref_slice %arg15[%add3A_19, %dma_wait3A_146] : memref<10240x128xf32, #tpu.memory_space<vmem_shared>> -> memref<80x128xf32, #tpu.memory_space<vmem_shared>>
      %dma_wait3A_148 = arith.constant 0 : i32
      %dma_wait3A_149 = tpu.memref_slice %arg15[%add3A_19, %dma_wait3A_148] : memref<10240x128xf32, #tpu.memory_space<vmem_shared>> -> memref<80x128xf32, #tpu.memory_space<vmem_shared>>
      tpu.wait_dma2 semaphore(%run_scoped3A : memref<!tpu.dma_semaphore, #tpu.memory_space<semaphore_mem>>) src(%arg10 : memref<80x128xf32, #tpu.memory_space<vmem>>) dst(%dma_wait3A_149 : memref<80x128xf32, #tpu.memory_space<vmem_shared>>)
      tpu.yield
    }) : () -> ()
    %mul3A_20 = arith.constant 640 : i32
    %mul3A_21 = arith.muli %arg1, %mul3A_20 : i32
    %add3A_22 = arith.constant 400 : i32
    %add3A_23 = arith.addi %mul3A_21, %add3A_22 : i32
    "tpu.region"() ({
      %run_scoped3A = tpu.sem_alloc : memref<!tpu.dma_semaphore, #tpu.memory_space<semaphore_mem>>
      %dma_start3A_142 = arith.constant 0 : i32
      %dma_start3A_143 = tpu.memref_slice %arg15[%add3A_23, %dma_start3A_142] : memref<10240x128xf32, #tpu.memory_space<vmem_shared>> -> memref<80x128xf32, #tpu.memory_space<vmem_shared>>
      %dma_start3A_144 = arith.constant 0 : i32
      %dma_start3A_145 = tpu.memref_slice %arg15[%add3A_23, %dma_start3A_144] : memref<10240x128xf32, #tpu.memory_space<vmem_shared>> -> memref<80x128xf32, #tpu.memory_space<vmem_shared>>
      tpu.enqueue_dma source(%arg10 : memref<80x128xf32, #tpu.memory_space<vmem>>) target(%dma_start3A_145 : memref<80x128xf32, #tpu.memory_space<vmem_shared>>) target_semaphore(%run_scoped3A : memref<!tpu.dma_semaphore, #tpu.memory_space<semaphore_mem>>)
      %dma_wait3A_146 = arith.constant 0 : i32
      %dma_wait3A_147 = tpu.memref_slice %arg15[%add3A_23, %dma_wait3A_146] : memref<10240x128xf32, #tpu.memory_space<vmem_shared>> -> memref<80x128xf32, #tpu.memory_space<vmem_shared>>
      %dma_wait3A_148 = arith.constant 0 : i32
      %dma_wait3A_149 = tpu.memref_slice %arg15[%add3A_23, %dma_wait3A_148] : memref<10240x128xf32, #tpu.memory_space<vmem_shared>> -> memref<80x128xf32, #tpu.memory_space<vmem_shared>>
      tpu.wait_dma2 semaphore(%run_scoped3A : memref<!tpu.dma_semaphore, #tpu.memory_space<semaphore_mem>>) src(%arg10 : memref<80x128xf32, #tpu.memory_space<vmem>>) dst(%dma_wait3A_149 : memref<80x128xf32, #tpu.memory_space<vmem_shared>>)
      tpu.yield
    }) : () -> ()
    %mul3A_24 = arith.constant 640 : i32
    %mul3A_25 = arith.muli %arg1, %mul3A_24 : i32
    %add3A_26 = arith.constant 480 : i32
    %add3A_27 = arith.addi %mul3A_25, %add3A_26 : i32
    "tpu.region"() ({
      %run_scoped3A = tpu.sem_alloc : memref<!tpu.dma_semaphore, #tpu.memory_space<semaphore_mem>>
      %dma_start3A_142 = arith.constant 0 : i32
      %dma_start3A_143 = tpu.memref_slice %arg15[%add3A_27, %dma_start3A_142] : memref<10240x128xf32, #tpu.memory_space<vmem_shared>> -> memref<80x128xf32, #tpu.memory_space<vmem_shared>>
      %dma_start3A_144 = arith.constant 0 : i32
      %dma_start3A_145 = tpu.memref_slice %arg15[%add3A_27, %dma_start3A_144] : memref<10240x128xf32, #tpu.memory_space<vmem_shared>> -> memref<80x128xf32, #tpu.memory_space<vmem_shared>>
      tpu.enqueue_dma source(%arg10 : memref<80x128xf32, #tpu.memory_space<vmem>>) target(%dma_start3A_145 : memref<80x128xf32, #tpu.memory_space<vmem_shared>>) target_semaphore(%run_scoped3A : memref<!tpu.dma_semaphore, #tpu.memory_space<semaphore_mem>>)
      %dma_wait3A_146 = arith.constant 0 : i32
      %dma_wait3A_147 = tpu.memref_slice %arg15[%add3A_27, %dma_wait3A_146] : memref<10240x128xf32, #tpu.memory_space<vmem_shared>> -> memref<80x128xf32, #tpu.memory_space<vmem_shared>>
      %dma_wait3A_148 = arith.constant 0 : i32
      %dma_wait3A_149 = tpu.memref_slice %arg15[%add3A_27, %dma_wait3A_148] : memref<10240x128xf32, #tpu.memory_space<vmem_shared>> -> memref<80x128xf32, #tpu.memory_space<vmem_shared>>
      tpu.wait_dma2 semaphore(%run_scoped3A : memref<!tpu.dma_semaphore, #tpu.memory_space<semaphore_mem>>) src(%arg10 : memref<80x128xf32, #tpu.memory_space<vmem>>) dst(%dma_wait3A_149 : memref<80x128xf32, #tpu.memory_space<vmem_shared>>)
      tpu.yield
    }) : () -> ()
    %mul3A_28 = arith.constant 640 : i32
    %mul3A_29 = arith.muli %arg1, %mul3A_28 : i32
    %add3A_30 = arith.constant 560 : i32
    %add3A_31 = arith.addi %mul3A_29, %add3A_30 : i32
    "tpu.region"() ({
      %run_scoped3A = tpu.sem_alloc : memref<!tpu.dma_semaphore, #tpu.memory_space<semaphore_mem>>
      %dma_start3A_142 = arith.constant 0 : i32
      %dma_start3A_143 = tpu.memref_slice %arg15[%add3A_31, %dma_start3A_142] : memref<10240x128xf32, #tpu.memory_space<vmem_shared>> -> memref<80x128xf32, #tpu.memory_space<vmem_shared>>
      %dma_start3A_144 = arith.constant 0 : i32
      %dma_start3A_145 = tpu.memref_slice %arg15[%add3A_31, %dma_start3A_144] : memref<10240x128xf32, #tpu.memory_space<vmem_shared>> -> memref<80x128xf32, #tpu.memory_space<vmem_shared>>
      tpu.enqueue_dma source(%arg10 : memref<80x128xf32, #tpu.memory_space<vmem>>) target(%dma_start3A_145 : memref<80x128xf32, #tpu.memory_space<vmem_shared>>) target_semaphore(%run_scoped3A : memref<!tpu.dma_semaphore, #tpu.memory_space<semaphore_mem>>)
      %dma_wait3A_146 = arith.constant 0 : i32
      %dma_wait3A_147 = tpu.memref_slice %arg15[%add3A_31, %dma_wait3A_146] : memref<10240x128xf32, #tpu.memory_space<vmem_shared>> -> memref<80x128xf32, #tpu.memory_space<vmem_shared>>
      %dma_wait3A_148 = arith.constant 0 : i32
      %dma_wait3A_149 = tpu.memref_slice %arg15[%add3A_31, %dma_wait3A_148] : memref<10240x128xf32, #tpu.memory_space<vmem_shared>> -> memref<80x128xf32, #tpu.memory_space<vmem_shared>>
      tpu.wait_dma2 semaphore(%run_scoped3A : memref<!tpu.dma_semaphore, #tpu.memory_space<semaphore_mem>>) src(%arg10 : memref<80x128xf32, #tpu.memory_space<vmem>>) dst(%dma_wait3A_149 : memref<80x128xf32, #tpu.memory_space<vmem_shared>>)
      tpu.yield
    }) : () -> ()
    %barrier3A = arith.constant 0 : index
    tpu.barrier barrier_id(%barrier3A)
    %mul3A_32 = arith.constant 160000 : i32
    %mul3A_33 = arith.muli %arg0, %mul3A_32 : i32
    %mul3A_34 = arith.constant 10000 : i32
    %mul3A_35 = arith.muli %arg1, %mul3A_34 : i32
    %add3A_36 = arith.addi %mul3A_33, %mul3A_35 : i32
    %add3A_37 = arith.constant 0 : i32
    %add3A_38 = arith.addi %add3A_36, %add3A_37 : i32
    %dma_start3A = tpu.memref_slice %arg4[%add3A_38] : memref<320000xi32, #tpu.memory_space<hbm>> -> memref<80xi32, #tpu.memory_space<hbm>>
    %dma_start3A_39 = tpu.memref_slice %arg4[%add3A_38] : memref<320000xi32, #tpu.memory_space<hbm>> -> memref<80xi32, #tpu.memory_space<hbm>>
    tpu.enqueue_dma source(%dma_start3A_39 : memref<80xi32, #tpu.memory_space<hbm>>) target(%arg7 : memref<80xi32, #tpu.memory_space<vmem>>) target_semaphore(%arg16 : memref<!tpu.dma_semaphore, #tpu.memory_space<semaphore_mem>>)
    %dma_start3A_40 = tpu.memref_slice %arg5[%add3A_38] : memref<320000xi32, #tpu.memory_space<hbm>> -> memref<80xi32, #tpu.memory_space<hbm>>
    %dma_start3A_41 = tpu.memref_slice %arg5[%add3A_38] : memref<320000xi32, #tpu.memory_space<hbm>> -> memref<80xi32, #tpu.memory_space<hbm>>
    tpu.enqueue_dma source(%dma_start3A_41 : memref<80xi32, #tpu.memory_space<hbm>>) target(%arg8 : memref<80xi32, #tpu.memory_space<vmem>>) target_semaphore(%arg16 : memref<!tpu.dma_semaphore, #tpu.memory_space<semaphore_mem>>)
    %dma_start3A_42 = arith.constant 0 : i32
    %dma_start3A_43 = tpu.memref_slice %arg3[%add3A_38, %dma_start3A_42] : memref<320000x128xf32, #tpu.memory_space<hbm>> -> memref<80x128xf32, #tpu.memory_space<hbm>>
    %dma_start3A_44 = arith.constant 0 : i32
    %dma_start3A_45 = tpu.memref_slice %arg3[%add3A_38, %dma_start3A_44] : memref<320000x128xf32, #tpu.memory_space<hbm>> -> memref<80x128xf32, #tpu.memory_space<hbm>>
    tpu.enqueue_dma source(%dma_start3A_45 : memref<80x128xf32, #tpu.memory_space<hbm>>) target(%arg9 : memref<80x128xf32, #tpu.memory_space<vmem>>) target_semaphore(%arg16 : memref<!tpu.dma_semaphore, #tpu.memory_space<semaphore_mem>>)
    %add3A_46 = arith.constant 80 : i32
    %add3A_47 = arith.addi %add3A_36, %add3A_46 : i32
    %dma_start3A_48 = tpu.memref_slice %arg4[%add3A_47] : memref<320000xi32, #tpu.memory_space<hbm>> -> memref<80xi32, #tpu.memory_space<hbm>>
    %dma_start3A_49 = tpu.memref_slice %arg4[%add3A_47] : memref<320000xi32, #tpu.memory_space<hbm>> -> memref<80xi32, #tpu.memory_space<hbm>>
    tpu.enqueue_dma source(%dma_start3A_49 : memref<80xi32, #tpu.memory_space<hbm>>) target(%arg11 : memref<80xi32, #tpu.memory_space<vmem>>) target_semaphore(%arg19 : memref<!tpu.dma_semaphore, #tpu.memory_space<semaphore_mem>>)
    %dma_start3A_50 = tpu.memref_slice %arg5[%add3A_47] : memref<320000xi32, #tpu.memory_space<hbm>> -> memref<80xi32, #tpu.memory_space<hbm>>
    %dma_start3A_51 = tpu.memref_slice %arg5[%add3A_47] : memref<320000xi32, #tpu.memory_space<hbm>> -> memref<80xi32, #tpu.memory_space<hbm>>
    tpu.enqueue_dma source(%dma_start3A_51 : memref<80xi32, #tpu.memory_space<hbm>>) target(%arg12 : memref<80xi32, #tpu.memory_space<vmem>>) target_semaphore(%arg19 : memref<!tpu.dma_semaphore, #tpu.memory_space<semaphore_mem>>)
    %dma_start3A_52 = arith.constant 0 : i32
    %dma_start3A_53 = tpu.memref_slice %arg3[%add3A_47, %dma_start3A_52] : memref<320000x128xf32, #tpu.memory_space<hbm>> -> memref<80x128xf32, #tpu.memory_space<hbm>>
    %dma_start3A_54 = arith.constant 0 : i32
    %dma_start3A_55 = tpu.memref_slice %arg3[%add3A_47, %dma_start3A_54] : memref<320000x128xf32, #tpu.memory_space<hbm>> -> memref<80x128xf32, #tpu.memory_space<hbm>>
    tpu.enqueue_dma source(%dma_start3A_55 : memref<80x128xf32, #tpu.memory_space<hbm>>) target(%arg13 : memref<80x128xf32, #tpu.memory_space<vmem>>) target_semaphore(%arg19 : memref<!tpu.dma_semaphore, #tpu.memory_space<semaphore_mem>>)
    %add3A_56 = arith.constant 0 : i32
    %add3A_57 = arith.addi %add3A_36, %add3A_56 : i32
    %dma_wait3A = tpu.memref_slice %arg4[%add3A_57] : memref<320000xi32, #tpu.memory_space<hbm>> -> memref<80xi32, #tpu.memory_space<hbm>>
    %dma_wait3A_58 = tpu.memref_slice %arg4[%add3A_57] : memref<320000xi32, #tpu.memory_space<hbm>> -> memref<80xi32, #tpu.memory_space<hbm>>
    tpu.wait_dma2 semaphore(%arg16 : memref<!tpu.dma_semaphore, #tpu.memory_space<semaphore_mem>>) src(%dma_wait3A_58 : memref<80xi32, #tpu.memory_space<hbm>>) dst(%arg7 : memref<80xi32, #tpu.memory_space<vmem>>)
    %dma_wait3A_59 = tpu.memref_slice %arg5[%add3A_57] : memref<320000xi32, #tpu.memory_space<hbm>> -> memref<80xi32, #tpu.memory_space<hbm>>
    %dma_wait3A_60 = tpu.memref_slice %arg5[%add3A_57] : memref<320000xi32, #tpu.memory_space<hbm>> -> memref<80xi32, #tpu.memory_space<hbm>>
    tpu.wait_dma2 semaphore(%arg16 : memref<!tpu.dma_semaphore, #tpu.memory_space<semaphore_mem>>) src(%dma_wait3A_60 : memref<80xi32, #tpu.memory_space<hbm>>) dst(%arg8 : memref<80xi32, #tpu.memory_space<vmem>>)
    %dma_wait3A_61 = arith.constant 0 : i32
    %dma_wait3A_62 = tpu.memref_slice %arg3[%add3A_57, %dma_wait3A_61] : memref<320000x128xf32, #tpu.memory_space<hbm>> -> memref<80x128xf32, #tpu.memory_space<hbm>>
    %dma_wait3A_63 = arith.constant 0 : i32
    %dma_wait3A_64 = tpu.memref_slice %arg3[%add3A_57, %dma_wait3A_63] : memref<320000x128xf32, #tpu.memory_space<hbm>> -> memref<80x128xf32, #tpu.memory_space<hbm>>
    tpu.wait_dma2 semaphore(%arg16 : memref<!tpu.dma_semaphore, #tpu.memory_space<semaphore_mem>>) src(%dma_wait3A_64 : memref<80x128xf32, #tpu.memory_space<hbm>>) dst(%arg9 : memref<80x128xf32, #tpu.memory_space<vmem>>)
    %dma_start3A_65 = arith.constant 0 : i32
    %dma_start3A_66 = arith.constant 0 : i32
    %dma_start3A_67 = tpu.memref_slice %arg2[%dma_start3A_65, %dma_start3A_66] : memref<10000x128xf32, #tpu.memory_space<hbm>> -> memref<10000x128xf32, #tpu.memory_space<hbm>>
    tpu.enqueue_indirect_dma source(%dma_start3A_67 : memref<10000x128xf32, #tpu.memory_space<hbm>>) target(%arg10 : memref<80x128xf32, #tpu.memory_space<vmem>>) offsets(%arg7 : memref<80xi32, #tpu.memory_space<vmem>>) semaphore(%arg17 : memref<!tpu.dma_semaphore, #tpu.memory_space<semaphore_mem>>)
    %scan3A = arith.constant 0 : i32
    %scan3A_68 = arith.constant 0 : i32
    %scan3A_69 = arith.constant 62 : i32
    %scan3A_70 = arith.addi %scan3A_68, %scan3A_69 : i32
    %scan3A_71 = arith.constant 1 : i32
    scf.for %scan3A_142 = %scan3A_68 to %scan3A_70 step %scan3A_71  : i32 {
      %mul3A_143 = arith.constant 2 : i32
      %mul3A_144 = arith.muli %mul3A_143, %scan3A_142 : i32
      %add3A_145 = arith.constant 1 : i32
      %add3A_146 = arith.addi %mul3A_144, %add3A_145 : i32
      %mul3A_147 = arith.constant 80 : i32
      %mul3A_148 = arith.muli %add3A_146, %mul3A_147 : i32
      %add3A_149 = arith.addi %add3A_36, %mul3A_148 : i32
      %dma_wait3A_150 = tpu.memref_slice %arg4[%add3A_149] : memref<320000xi32, #tpu.memory_space<hbm>> -> memref<80xi32, #tpu.memory_space<hbm>>
      %dma_wait3A_151 = tpu.memref_slice %arg4[%add3A_149] : memref<320000xi32, #tpu.memory_space<hbm>> -> memref<80xi32, #tpu.memory_space<hbm>>
      tpu.wait_dma2 semaphore(%arg19 : memref<!tpu.dma_semaphore, #tpu.memory_space<semaphore_mem>>) src(%dma_wait3A_151 : memref<80xi32, #tpu.memory_space<hbm>>) dst(%arg11 : memref<80xi32, #tpu.memory_space<vmem>>)
      %dma_wait3A_152 = tpu.memref_slice %arg5[%add3A_149] : memref<320000xi32, #tpu.memory_space<hbm>> -> memref<80xi32, #tpu.memory_space<hbm>>
      %dma_wait3A_153 = tpu.memref_slice %arg5[%add3A_149] : memref<320000xi32, #tpu.memory_space<hbm>> -> memref<80xi32, #tpu.memory_space<hbm>>
      tpu.wait_dma2 semaphore(%arg19 : memref<!tpu.dma_semaphore, #tpu.memory_space<semaphore_mem>>) src(%dma_wait3A_153 : memref<80xi32, #tpu.memory_space<hbm>>) dst(%arg12 : memref<80xi32, #tpu.memory_space<vmem>>)
      %dma_wait3A_154 = arith.constant 0 : i32
      %dma_wait3A_155 = tpu.memref_slice %arg3[%add3A_149, %dma_wait3A_154] : memref<320000x128xf32, #tpu.memory_space<hbm>> -> memref<80x128xf32, #tpu.memory_space<hbm>>
      %dma_wait3A_156 = arith.constant 0 : i32
      %dma_wait3A_157 = tpu.memref_slice %arg3[%add3A_149, %dma_wait3A_156] : memref<320000x128xf32, #tpu.memory_space<hbm>> -> memref<80x128xf32, #tpu.memory_space<hbm>>
      tpu.wait_dma2 semaphore(%arg19 : memref<!tpu.dma_semaphore, #tpu.memory_space<semaphore_mem>>) src(%dma_wait3A_157 : memref<80x128xf32, #tpu.memory_space<hbm>>) dst(%arg13 : memref<80x128xf32, #tpu.memory_space<vmem>>)
      %dma_start3A_158 = arith.constant 0 : i32
      %dma_start3A_159 = arith.constant 0 : i32
      %dma_start3A_160 = tpu.memref_slice %arg2[%dma_start3A_158, %dma_start3A_159] : memref<10000x128xf32, #tpu.memory_space<hbm>> -> memref<10000x128xf32, #tpu.memory_space<hbm>>
      tpu.enqueue_indirect_dma source(%dma_start3A_160 : memref<10000x128xf32, #tpu.memory_space<hbm>>) target(%arg14 : memref<80x128xf32, #tpu.memory_space<vmem>>) offsets(%arg11 : memref<80xi32, #tpu.memory_space<vmem>>) semaphore(%arg20 : memref<!tpu.dma_semaphore, #tpu.memory_space<semaphore_mem>>)
      %dma_wait3A_161 = arith.constant 0 : i32
      %dma_wait3A_162 = arith.constant 0 : i32
      %dma_wait3A_163 = tpu.memref_slice %arg2[%dma_wait3A_161, %dma_wait3A_162] : memref<10000x128xf32, #tpu.memory_space<hbm>> -> memref<10000x128xf32, #tpu.memory_space<hbm>>
      tpu.wait_indirect_dma semaphore(%arg17 : memref<!tpu.dma_semaphore, #tpu.memory_space<semaphore_mem>>) src(%dma_wait3A_163 : memref<10000x128xf32, #tpu.memory_space<hbm>>) dst(%arg10 : memref<80x128xf32, #tpu.memory_space<vmem>>)
      %parallel_loop3A_164 = arith.constant 0 : i32
      %parallel_loop3A_165 = arith.constant 80 : i32
      %parallel_loop3A_166 = arith.constant 1 : i32
      scf.for %parallel_loop3A_216 = %parallel_loop3A_164 to %parallel_loop3A_165 step %parallel_loop3A_166  : i32 {
        %parallel_loop3A_217 = arith.index_cast %parallel_loop3A_216 : i32 to index
        %parallel_loop3A_218 = arith.constant 0 : index
        %parallel_loop3A_219 = tpu.vector_load %arg10[%parallel_loop3A_217, %parallel_loop3A_218] {strides = array<i32>} : memref<80x128xf32, #tpu.memory_space<vmem>>, vector<1x16xf32>,
        %parallel_loop3A_220 = vector.shape_cast %parallel_loop3A_219 : vector<1x16xf32> to vector<16xf32>
        %parallel_loop3A_221 = arith.index_cast %parallel_loop3A_216 : i32 to index
        %parallel_loop3A_222 = arith.constant 0 : index
        %parallel_loop3A_223 = tpu.vector_load %arg9[%parallel_loop3A_221, %parallel_loop3A_222] {strides = array<i32>} : memref<80x128xf32, #tpu.memory_space<vmem>>, vector<1x16xf32>,
        %parallel_loop3A_224 = vector.shape_cast %parallel_loop3A_223 : vector<1x16xf32> to vector<16xf32>
        %parallel_loop3A_225 = arith.mulf %parallel_loop3A_220, %parallel_loop3A_224 : vector<16xf32>
        %parallel_loop3A_226 = arith.index_cast %parallel_loop3A_216 : i32 to index
        %parallel_loop3A_227 = arith.constant 0 : index
        %parallel_loop3A_228 = tpu.vector_load %arg10[%parallel_loop3A_226, %parallel_loop3A_227] {strides = array<i32>} : memref<80x128xf32, #tpu.memory_space<vmem>>, vector<1x16xf32>,
        %parallel_loop3A_229 = vector.shape_cast %parallel_loop3A_228 : vector<1x16xf32> to vector<16xf32>
        %parallel_loop3A_230 = vector.shape_cast %parallel_loop3A_225 : vector<16xf32> to vector<1x16xf32>
        tpu.vector_store %arg10[%parallel_loop3A_226, %parallel_loop3A_227], %parallel_loop3A_230 {strides = array<i32>} : memref<80x128xf32, #tpu.memory_space<vmem>>, vector<1x16xf32>,
        %parallel_loop3A_231 = arith.index_cast %parallel_loop3A_216 : i32 to index
        %parallel_loop3A_232 = arith.constant 16 : index
        %parallel_loop3A_233 = tpu.vector_load %arg10[%parallel_loop3A_231, %parallel_loop3A_232] {strides = array<i32>} : memref<80x128xf32, #tpu.memory_space<vmem>>, vector<1x16xf32>,
        %parallel_loop3A_234 = vector.shape_cast %parallel_loop3A_233 : vector<1x16xf32> to vector<16xf32>
        %parallel_loop3A_235 = arith.index_cast %parallel_loop3A_216 : i32 to index
        %parallel_loop3A_236 = arith.constant 16 : index
        %parallel_loop3A_237 = tpu.vector_load %arg9[%parallel_loop3A_235, %parallel_loop3A_236] {strides = array<i32>} : memref<80x128xf32, #tpu.memory_space<vmem>>, vector<1x16xf32>,
        %parallel_loop3A_238 = vector.shape_cast %parallel_loop3A_237 : vector<1x16xf32> to vector<16xf32>
        %parallel_loop3A_239 = arith.mulf %parallel_loop3A_234, %parallel_loop3A_238 : vector<16xf32>
        %parallel_loop3A_240 = arith.index_cast %parallel_loop3A_216 : i32 to index
        %parallel_loop3A_241 = arith.constant 16 : index
        %parallel_loop3A_242 = tpu.vector_load %arg10[%parallel_loop3A_240, %parallel_loop3A_241] {strides = array<i32>} : memref<80x128xf32, #tpu.memory_space<vmem>>, vector<1x16xf32>,
        %parallel_loop3A_243 = vector.shape_cast %parallel_loop3A_242 : vector<1x16xf32> to vector<16xf32>
        %parallel_loop3A_244 = vector.shape_cast %parallel_loop3A_239 : vector<16xf32> to vector<1x16xf32>
        tpu.vector_store %arg10[%parallel_loop3A_240, %parallel_loop3A_241], %parallel_loop3A_244 {strides = array<i32>} : memref<80x128xf32, #tpu.memory_space<vmem>>, vector<1x16xf32>,
        %parallel_loop3A_245 = arith.index_cast %parallel_loop3A_216 : i32 to index
        %parallel_loop3A_246 = arith.constant 32 : index
        %parallel_loop3A_247 = tpu.vector_load %arg10[%parallel_loop3A_245, %parallel_loop3A_246] {strides = array<i32>} : memref<80x128xf32, #tpu.memory_space<vmem>>, vector<1x16xf32>,
        %parallel_loop3A_248 = vector.shape_cast %parallel_loop3A_247 : vector<1x16xf32> to vector<16xf32>
        %parallel_loop3A_249 = arith.index_cast %parallel_loop3A_216 : i32 to index
        %parallel_loop3A_250 = arith.constant 32 : index
        %parallel_loop3A_251 = tpu.vector_load %arg9[%parallel_loop3A_249, %parallel_loop3A_250] {strides = array<i32>} : memref<80x128xf32, #tpu.memory_space<vmem>>, vector<1x16xf32>,
        %parallel_loop3A_252 = vector.shape_cast %parallel_loop3A_251 : vector<1x16xf32> to vector<16xf32>
        %parallel_loop3A_253 = arith.mulf %parallel_loop3A_248, %parallel_loop3A_252 : vector<16xf32>
        %parallel_loop3A_254 = arith.index_cast %parallel_loop3A_216 : i32 to index
        %parallel_loop3A_255 = arith.constant 32 : index
        %parallel_loop3A_256 = tpu.vector_load %arg10[%parallel_loop3A_254, %parallel_loop3A_255] {strides = array<i32>} : memref<80x128xf32, #tpu.memory_space<vmem>>, vector<1x16xf32>,
        %parallel_loop3A_257 = vector.shape_cast %parallel_loop3A_256 : vector<1x16xf32> to vector<16xf32>
        %parallel_loop3A_258 = vector.shape_cast %parallel_loop3A_253 : vector<16xf32> to vector<1x16xf32>
        tpu.vector_store %arg10[%parallel_loop3A_254, %parallel_loop3A_255], %parallel_loop3A_258 {strides = array<i32>} : memref<80x128xf32, #tpu.memory_space<vmem>>, vector<1x16xf32>,
        %parallel_loop3A_259 = arith.index_cast %parallel_loop3A_216 : i32 to index
        %parallel_loop3A_260 = arith.constant 48 : index
        %parallel_loop3A_261 = tpu.vector_load %arg10[%parallel_loop3A_259, %parallel_loop3A_260] {strides = array<i32>} : memref<80x128xf32, #tpu.memory_space<vmem>>, vector<1x16xf32>,
        %parallel_loop3A_262 = vector.shape_cast %parallel_loop3A_261 : vector<1x16xf32> to vector<16xf32>
        %parallel_loop3A_263 = arith.index_cast %parallel_loop3A_216 : i32 to index
        %parallel_loop3A_264 = arith.constant 48 : index
        %parallel_loop3A_265 = tpu.vector_load %arg9[%parallel_loop3A_263, %parallel_loop3A_264] {strides = array<i32>} : memref<80x128xf32, #tpu.memory_space<vmem>>, vector<1x16xf32>,
        %parallel_loop3A_266 = vector.shape_cast %parallel_loop3A_265 : vector<1x16xf32> to vector<16xf32>
        %parallel_loop3A_267 = arith.mulf %parallel_loop3A_262, %parallel_loop3A_266 : vector<16xf32>
        %parallel_loop3A_268 = arith.index_cast %parallel_loop3A_216 : i32 to index
        %parallel_loop3A_269 = arith.constant 48 : index
        %parallel_loop3A_270 = tpu.vector_load %arg10[%parallel_loop3A_268, %parallel_loop3A_269] {strides = array<i32>} : memref<80x128xf32, #tpu.memory_space<vmem>>, vector<1x16xf32>,
        %parallel_loop3A_271 = vector.shape_cast %parallel_loop3A_270 : vector<1x16xf32> to vector<16xf32>
        %parallel_loop3A_272 = vector.shape_cast %parallel_loop3A_267 : vector<16xf32> to vector<1x16xf32>
        tpu.vector_store %arg10[%parallel_loop3A_268, %parallel_loop3A_269], %parallel_loop3A_272 {strides = array<i32>} : memref<80x128xf32, #tpu.memory_space<vmem>>, vector<1x16xf32>,
        %parallel_loop3A_273 = arith.index_cast %parallel_loop3A_216 : i32 to index
        %parallel_loop3A_274 = arith.constant 64 : index
        %parallel_loop3A_275 = tpu.vector_load %arg10[%parallel_loop3A_273, %parallel_loop3A_274] {strides = array<i32>} : memref<80x128xf32, #tpu.memory_space<vmem>>, vector<1x16xf32>,
        %parallel_loop3A_276 = vector.shape_cast %parallel_loop3A_275 : vector<1x16xf32> to vector<16xf32>
        %parallel_loop3A_277 = arith.index_cast %parallel_loop3A_216 : i32 to index
        %parallel_loop3A_278 = arith.constant 64 : index
        %parallel_loop3A_279 = tpu.vector_load %arg9[%parallel_loop3A_277, %parallel_loop3A_278] {strides = array<i32>} : memref<80x128xf32, #tpu.memory_space<vmem>>, vector<1x16xf32>,
        %parallel_loop3A_280 = vector.shape_cast %parallel_loop3A_279 : vector<1x16xf32> to vector<16xf32>
        %parallel_loop3A_281 = arith.mulf %parallel_loop3A_276, %parallel_loop3A_280 : vector<16xf32>
        %parallel_loop3A_282 = arith.index_cast %parallel_loop3A_216 : i32 to index
        %parallel_loop3A_283 = arith.constant 64 : index
        %parallel_loop3A_284 = tpu.vector_load %arg10[%parallel_loop3A_282, %parallel_loop3A_283] {strides = array<i32>} : memref<80x128xf32, #tpu.memory_space<vmem>>, vector<1x16xf32>,
        %parallel_loop3A_285 = vector.shape_cast %parallel_loop3A_284 : vector<1x16xf32> to vector<16xf32>
        %parallel_loop3A_286 = vector.shape_cast %parallel_loop3A_281 : vector<16xf32> to vector<1x16xf32>
        tpu.vector_store %arg10[%parallel_loop3A_282, %parallel_loop3A_283], %parallel_loop3A_286 {strides = array<i32>} : memref<80x128xf32, #tpu.memory_space<vmem>>, vector<1x16xf32>,
        %parallel_loop3A_287 = arith.index_cast %parallel_loop3A_216 : i32 to index
        %parallel_loop3A_288 = arith.constant 80 : index
        %parallel_loop3A_289 = tpu.vector_load %arg10[%parallel_loop3A_287, %parallel_loop3A_288] {strides = array<i32>} : memref<80x128xf32, #tpu.memory_space<vmem>>, vector<1x16xf32>,
        %parallel_loop3A_290 = vector.shape_cast %parallel_loop3A_289 : vector<1x16xf32> to vector<16xf32>
        %parallel_loop3A_291 = arith.index_cast %parallel_loop3A_216 : i32 to index
        %parallel_loop3A_292 = arith.constant 80 : index
        %parallel_loop3A_293 = tpu.vector_load %arg9[%parallel_loop3A_291, %parallel_loop3A_292] {strides = array<i32>} : memref<80x128xf32, #tpu.memory_space<vmem>>, vector<1x16xf32>,
        %parallel_loop3A_294 = vector.shape_cast %parallel_loop3A_293 : vector<1x16xf32> to vector<16xf32>
        %parallel_loop3A_295 = arith.mulf %parallel_loop3A_290, %parallel_loop3A_294 : vector<16xf32>
        %parallel_loop3A_296 = arith.index_cast %parallel_loop3A_216 : i32 to index
        %parallel_loop3A_297 = arith.constant 80 : index
        %parallel_loop3A_298 = tpu.vector_load %arg10[%parallel_loop3A_296, %parallel_loop3A_297] {strides = array<i32>} : memref<80x128xf32, #tpu.memory_space<vmem>>, vector<1x16xf32>,
        %parallel_loop3A_299 = vector.shape_cast %parallel_loop3A_298 : vector<1x16xf32> to vector<16xf32>
        %parallel_loop3A_300 = vector.shape_cast %parallel_loop3A_295 : vector<16xf32> to vector<1x16xf32>
        tpu.vector_store %arg10[%parallel_loop3A_296, %parallel_loop3A_297], %parallel_loop3A_300 {strides = array<i32>} : memref<80x128xf32, #tpu.memory_space<vmem>>, vector<1x16xf32>,
        %parallel_loop3A_301 = arith.index_cast %parallel_loop3A_216 : i32 to index
        %parallel_loop3A_302 = arith.constant 96 : index
        %parallel_loop3A_303 = tpu.vector_load %arg10[%parallel_loop3A_301, %parallel_loop3A_302] {strides = array<i32>} : memref<80x128xf32, #tpu.memory_space<vmem>>, vector<1x16xf32>,
        %parallel_loop3A_304 = vector.shape_cast %parallel_loop3A_303 : vector<1x16xf32> to vector<16xf32>
        %parallel_loop3A_305 = arith.index_cast %parallel_loop3A_216 : i32 to index
        %parallel_loop3A_306 = arith.constant 96 : index
        %parallel_loop3A_307 = tpu.vector_load %arg9[%parallel_loop3A_305, %parallel_loop3A_306] {strides = array<i32>} : memref<80x128xf32, #tpu.memory_space<vmem>>, vector<1x16xf32>,
        %parallel_loop3A_308 = vector.shape_cast %parallel_loop3A_307 : vector<1x16xf32> to vector<16xf32>
        %parallel_loop3A_309 = arith.mulf %parallel_loop3A_304, %parallel_loop3A_308 : vector<16xf32>
        %parallel_loop3A_310 = arith.index_cast %parallel_loop3A_216 : i32 to index
        %parallel_loop3A_311 = arith.constant 96 : index
        %parallel_loop3A_312 = tpu.vector_load %arg10[%parallel_loop3A_310, %parallel_loop3A_311] {strides = array<i32>} : memref<80x128xf32, #tpu.memory_space<vmem>>, vector<1x16xf32>,
        %parallel_loop3A_313 = vector.shape_cast %parallel_loop3A_312 : vector<1x16xf32> to vector<16xf32>
        %parallel_loop3A_314 = vector.shape_cast %parallel_loop3A_309 : vector<16xf32> to vector<1x16xf32>
        tpu.vector_store %arg10[%parallel_loop3A_310, %parallel_loop3A_311], %parallel_loop3A_314 {strides = array<i32>} : memref<80x128xf32, #tpu.memory_space<vmem>>, vector<1x16xf32>,
        %parallel_loop3A_315 = arith.index_cast %parallel_loop3A_216 : i32 to index
        %parallel_loop3A_316 = arith.constant 112 : index
        %parallel_loop3A_317 = tpu.vector_load %arg10[%parallel_loop3A_315, %parallel_loop3A_316] {strides = array<i32>} : memref<80x128xf32, #tpu.memory_space<vmem>>, vector<1x16xf32>,
        %parallel_loop3A_318 = vector.shape_cast %parallel_loop3A_317 : vector<1x16xf32> to vector<16xf32>
        %parallel_loop3A_319 = arith.index_cast %parallel_loop3A_216 : i32 to index
        %parallel_loop3A_320 = arith.constant 112 : index
        %parallel_loop3A_321 = tpu.vector_load %arg9[%parallel_loop3A_319, %parallel_loop3A_320] {strides = array<i32>} : memref<80x128xf32, #tpu.memory_space<vmem>>, vector<1x16xf32>,
        %parallel_loop3A_322 = vector.shape_cast %parallel_loop3A_321 : vector<1x16xf32> to vector<16xf32>
        %parallel_loop3A_323 = arith.mulf %parallel_loop3A_318, %parallel_loop3A_322 : vector<16xf32>
        %parallel_loop3A_324 = arith.index_cast %parallel_loop3A_216 : i32 to index
        %parallel_loop3A_325 = arith.constant 112 : index
        %parallel_loop3A_326 = tpu.vector_load %arg10[%parallel_loop3A_324, %parallel_loop3A_325] {strides = array<i32>} : memref<80x128xf32, #tpu.memory_space<vmem>>, vector<1x16xf32>,
        %parallel_loop3A_327 = vector.shape_cast %parallel_loop3A_326 : vector<1x16xf32> to vector<16xf32>
        %parallel_loop3A_328 = vector.shape_cast %parallel_loop3A_323 : vector<16xf32> to vector<1x16xf32>
        tpu.vector_store %arg10[%parallel_loop3A_324, %parallel_loop3A_325], %parallel_loop3A_328 {strides = array<i32>} : memref<80x128xf32, #tpu.memory_space<vmem>>, vector<1x16xf32>,
      } {sc.loop_unroll_factor = 4 : i64, sc.parallel_access}
      %dma_start3A_167 = arith.constant 0 : i32
      %dma_start3A_168 = arith.constant 0 : i32
      %dma_start3A_169 = tpu.memref_slice %arg15[%dma_start3A_167, %dma_start3A_168] : memref<10240x128xf32, #tpu.memory_space<vmem_shared>> -> memref<10240x128xf32, #tpu.memory_space<vmem_shared>>
      tpu.enqueue_indirect_dma source(%arg10 : memref<80x128xf32, #tpu.memory_space<vmem>>) target(%dma_start3A_169 : memref<10240x128xf32, #tpu.memory_space<vmem_shared>>) offsets(%arg8 : memref<80xi32, #tpu.memory_space<vmem>>) semaphore(%arg18 : memref<!tpu.dma_semaphore, #tpu.memory_space<semaphore_mem>>) {add = true}
      %dma_wait3A_170 = arith.constant 0 : i32
      %dma_wait3A_171 = arith.constant 0 : i32
      %dma_wait3A_172 = tpu.memref_slice %arg15[%dma_wait3A_170, %dma_wait3A_171] : memref<10240x128xf32, #tpu.memory_space<vmem_shared>> -> memref<10240x128xf32, #tpu.memory_space<vmem_shared>>
      tpu.wait_indirect_dma semaphore(%arg18 : memref<!tpu.dma_semaphore, #tpu.memory_space<semaphore_mem>>) src(%arg10 : memref<80x128xf32, #tpu.memory_space<vmem>>) dst(%dma_wait3A_172 : memref<10240x128xf32, #tpu.memory_space<vmem_shared>>)
      %add3A_173 = arith.constant 2 : i32
      %add3A_174 = arith.addi %mul3A_144, %add3A_173 : i32
      %mul3A_175 = arith.constant 80 : i32
      %mul3A_176 = arith.muli %add3A_174, %mul3A_175 : i32
      %add3A_177 = arith.addi %add3A_36, %mul3A_176 : i32
      %dma_start3A_178 = tpu.memref_slice %arg4[%add3A_177] : memref<320000xi32, #tpu.memory_space<hbm>> -> memref<80xi32, #tpu.memory_space<hbm>>
      %dma_start3A_179 = tpu.memref_slice %arg4[%add3A_177] : memref<320000xi32, #tpu.memory_space<hbm>> -> memref<80xi32, #tpu.memory_space<hbm>>
      tpu.enqueue_dma source(%dma_start3A_179 : memref<80xi32, #tpu.memory_space<hbm>>) target(%arg7 : memref<80xi32, #tpu.memory_space<vmem>>) target_semaphore(%arg16 : memref<!tpu.dma_semaphore, #tpu.memory_space<semaphore_mem>>)
      %dma_start3A_180 = tpu.memref_slice %arg5[%add3A_177] : memref<320000xi32, #tpu.memory_space<hbm>> -> memref<80xi32, #tpu.memory_space<hbm>>
      %dma_start3A_181 = tpu.memref_slice %arg5[%add3A_177] : memref<320000xi32, #tpu.memory_space<hbm>> -> memref<80xi32, #tpu.memory_space<hbm>>
      tpu.enqueue_dma source(%dma_start3A_181 : memref<80xi32, #tpu.memory_space<hbm>>) target(%arg8 : memref<80xi32, #tpu.memory_space<vmem>>) target_semaphore(%arg16 : memref<!tpu.dma_semaphore, #tpu.memory_space<semaphore_mem>>)
      %dma_start3A_182 = arith.constant 0 : i32
      %dma_start3A_183 = tpu.memref_slice %arg3[%add3A_177, %dma_start3A_182] : memref<320000x128xf32, #tpu.memory_space<hbm>> -> memref<80x128xf32, #tpu.memory_space<hbm>>
      %dma_start3A_184 = arith.constant 0 : i32
      %dma_start3A_185 = tpu.memref_slice %arg3[%add3A_177, %dma_start3A_184] : memref<320000x128xf32, #tpu.memory_space<hbm>> -> memref<80x128xf32, #tpu.memory_space<hbm>>
      tpu.enqueue_dma source(%dma_start3A_185 : memref<80x128xf32, #tpu.memory_space<hbm>>) target(%arg9 : memref<80x128xf32, #tpu.memory_space<vmem>>) target_semaphore(%arg16 : memref<!tpu.dma_semaphore, #tpu.memory_space<semaphore_mem>>)
      %dma_wait3A_186 = arith.constant 0 : i32
      %dma_wait3A_187 = arith.constant 0 : i32
      %dma_wait3A_188 = tpu.memref_slice %arg2[%dma_wait3A_186, %dma_wait3A_187] : memref<10000x128xf32, #tpu.memory_space<hbm>> -> memref<10000x128xf32, #tpu.memory_space<hbm>>
      tpu.wait_indirect_dma semaphore(%arg20 : memref<!tpu.dma_semaphore, #tpu.memory_space<semaphore_mem>>) src(%dma_wait3A_188 : memref<10000x128xf32, #tpu.memory_space<hbm>>) dst(%arg14 : memref<80x128xf32, #tpu.memory_space<vmem>>)
      %parallel_loop3A_189 = arith.constant 0 : i32
      %parallel_loop3A_190 = arith.constant 80 : i32
      %parallel_loop3A_191 = arith.constant 1 : i32
      scf.for %parallel_loop3A_216 = %parallel_loop3A_189 to %parallel_loop3A_190 step %parallel_loop3A_191  : i32 {
        %parallel_loop3A_217 = arith.index_cast %parallel_loop3A_216 : i32 to index
        %parallel_loop3A_218 = arith.constant 0 : index
        %parallel_loop3A_219 = tpu.vector_load %arg14[%parallel_loop3A_217, %parallel_loop3A_218] {strides = array<i32>} : memref<80x128xf32, #tpu.memory_space<vmem>>, vector<1x16xf32>,
        %parallel_loop3A_220 = vector.shape_cast %parallel_loop3A_219 : vector<1x16xf32> to vector<16xf32>
        %parallel_loop3A_221 = arith.index_cast %parallel_loop3A_216 : i32 to index
        %parallel_loop3A_222 = arith.constant 0 : index
        %parallel_loop3A_223 = tpu.vector_load %arg13[%parallel_loop3A_221, %parallel_loop3A_222] {strides = array<i32>} : memref<80x128xf32, #tpu.memory_space<vmem>>, vector<1x16xf32>,
        %parallel_loop3A_224 = vector.shape_cast %parallel_loop3A_223 : vector<1x16xf32> to vector<16xf32>
        %parallel_loop3A_225 = arith.mulf %parallel_loop3A_220, %parallel_loop3A_224 : vector<16xf32>
        %parallel_loop3A_226 = arith.index_cast %parallel_loop3A_216 : i32 to index
        %parallel_loop3A_227 = arith.constant 0 : index
        %parallel_loop3A_228 = tpu.vector_load %arg14[%parallel_loop3A_226, %parallel_loop3A_227] {strides = array<i32>} : memref<80x128xf32, #tpu.memory_space<vmem>>, vector<1x16xf32>,
        %parallel_loop3A_229 = vector.shape_cast %parallel_loop3A_228 : vector<1x16xf32> to vector<16xf32>
        %parallel_loop3A_230 = vector.shape_cast %parallel_loop3A_225 : vector<16xf32> to vector<1x16xf32>
        tpu.vector_store %arg14[%parallel_loop3A_226, %parallel_loop3A_227], %parallel_loop3A_230 {strides = array<i32>} : memref<80x128xf32, #tpu.memory_space<vmem>>, vector<1x16xf32>,
        %parallel_loop3A_231 = arith.index_cast %parallel_loop3A_216 : i32 to index
        %parallel_loop3A_232 = arith.constant 16 : index
        %parallel_loop3A_233 = tpu.vector_load %arg14[%parallel_loop3A_231, %parallel_loop3A_232] {strides = array<i32>} : memref<80x128xf32, #tpu.memory_space<vmem>>, vector<1x16xf32>,
        %parallel_loop3A_234 = vector.shape_cast %parallel_loop3A_233 : vector<1x16xf32> to vector<16xf32>
        %parallel_loop3A_235 = arith.index_cast %parallel_loop3A_216 : i32 to index
        %parallel_loop3A_236 = arith.constant 16 : index
        %parallel_loop3A_237 = tpu.vector_load %arg13[%parallel_loop3A_235, %parallel_loop3A_236] {strides = array<i32>} : memref<80x128xf32, #tpu.memory_space<vmem>>, vector<1x16xf32>,
        %parallel_loop3A_238 = vector.shape_cast %parallel_loop3A_237 : vector<1x16xf32> to vector<16xf32>
        %parallel_loop3A_239 = arith.mulf %parallel_loop3A_234, %parallel_loop3A_238 : vector<16xf32>
        %parallel_loop3A_240 = arith.index_cast %parallel_loop3A_216 : i32 to index
        %parallel_loop3A_241 = arith.constant 16 : index
        %parallel_loop3A_242 = tpu.vector_load %arg14[%parallel_loop3A_240, %parallel_loop3A_241] {strides = array<i32>} : memref<80x128xf32, #tpu.memory_space<vmem>>, vector<1x16xf32>,
        %parallel_loop3A_243 = vector.shape_cast %parallel_loop3A_242 : vector<1x16xf32> to vector<16xf32>
        %parallel_loop3A_244 = vector.shape_cast %parallel_loop3A_239 : vector<16xf32> to vector<1x16xf32>
        tpu.vector_store %arg14[%parallel_loop3A_240, %parallel_loop3A_241], %parallel_loop3A_244 {strides = array<i32>} : memref<80x128xf32, #tpu.memory_space<vmem>>, vector<1x16xf32>,
        %parallel_loop3A_245 = arith.index_cast %parallel_loop3A_216 : i32 to index
        %parallel_loop3A_246 = arith.constant 32 : index
        %parallel_loop3A_247 = tpu.vector_load %arg14[%parallel_loop3A_245, %parallel_loop3A_246] {strides = array<i32>} : memref<80x128xf32, #tpu.memory_space<vmem>>, vector<1x16xf32>,
        %parallel_loop3A_248 = vector.shape_cast %parallel_loop3A_247 : vector<1x16xf32> to vector<16xf32>
        %parallel_loop3A_249 = arith.index_cast %parallel_loop3A_216 : i32 to index
        %parallel_loop3A_250 = arith.constant 32 : index
        %parallel_loop3A_251 = tpu.vector_load %arg13[%parallel_loop3A_249, %parallel_loop3A_250] {strides = array<i32>} : memref<80x128xf32, #tpu.memory_space<vmem>>, vector<1x16xf32>,
        %parallel_loop3A_252 = vector.shape_cast %parallel_loop3A_251 : vector<1x16xf32> to vector<16xf32>
        %parallel_loop3A_253 = arith.mulf %parallel_loop3A_248, %parallel_loop3A_252 : vector<16xf32>
        %parallel_loop3A_254 = arith.index_cast %parallel_loop3A_216 : i32 to index
        %parallel_loop3A_255 = arith.constant 32 : index
        %parallel_loop3A_256 = tpu.vector_load %arg14[%parallel_loop3A_254, %parallel_loop3A_255] {strides = array<i32>} : memref<80x128xf32, #tpu.memory_space<vmem>>, vector<1x16xf32>,
        %parallel_loop3A_257 = vector.shape_cast %parallel_loop3A_256 : vector<1x16xf32> to vector<16xf32>
        %parallel_loop3A_258 = vector.shape_cast %parallel_loop3A_253 : vector<16xf32> to vector<1x16xf32>
        tpu.vector_store %arg14[%parallel_loop3A_254, %parallel_loop3A_255], %parallel_loop3A_258 {strides = array<i32>} : memref<80x128xf32, #tpu.memory_space<vmem>>, vector<1x16xf32>,
        %parallel_loop3A_259 = arith.index_cast %parallel_loop3A_216 : i32 to index
        %parallel_loop3A_260 = arith.constant 48 : index
        %parallel_loop3A_261 = tpu.vector_load %arg14[%parallel_loop3A_259, %parallel_loop3A_260] {strides = array<i32>} : memref<80x128xf32, #tpu.memory_space<vmem>>, vector<1x16xf32>,
        %parallel_loop3A_262 = vector.shape_cast %parallel_loop3A_261 : vector<1x16xf32> to vector<16xf32>
        %parallel_loop3A_263 = arith.index_cast %parallel_loop3A_216 : i32 to index
        %parallel_loop3A_264 = arith.constant 48 : index
        %parallel_loop3A_265 = tpu.vector_load %arg13[%parallel_loop3A_263, %parallel_loop3A_264] {strides = array<i32>} : memref<80x128xf32, #tpu.memory_space<vmem>>, vector<1x16xf32>,
        %parallel_loop3A_266 = vector.shape_cast %parallel_loop3A_265 : vector<1x16xf32> to vector<16xf32>
        %parallel_loop3A_267 = arith.mulf %parallel_loop3A_262, %parallel_loop3A_266 : vector<16xf32>
        %parallel_loop3A_268 = arith.index_cast %parallel_loop3A_216 : i32 to index
        %parallel_loop3A_269 = arith.constant 48 : index
        %parallel_loop3A_270 = tpu.vector_load %arg14[%parallel_loop3A_268, %parallel_loop3A_269] {strides = array<i32>} : memref<80x128xf32, #tpu.memory_space<vmem>>, vector<1x16xf32>,
        %parallel_loop3A_271 = vector.shape_cast %parallel_loop3A_270 : vector<1x16xf32> to vector<16xf32>
        %parallel_loop3A_272 = vector.shape_cast %parallel_loop3A_267 : vector<16xf32> to vector<1x16xf32>
        tpu.vector_store %arg14[%parallel_loop3A_268, %parallel_loop3A_269], %parallel_loop3A_272 {strides = array<i32>} : memref<80x128xf32, #tpu.memory_space<vmem>>, vector<1x16xf32>,
        %parallel_loop3A_273 = arith.index_cast %parallel_loop3A_216 : i32 to index
        %parallel_loop3A_274 = arith.constant 64 : index
        %parallel_loop3A_275 = tpu.vector_load %arg14[%parallel_loop3A_273, %parallel_loop3A_274] {strides = array<i32>} : memref<80x128xf32, #tpu.memory_space<vmem>>, vector<1x16xf32>,
        %parallel_loop3A_276 = vector.shape_cast %parallel_loop3A_275 : vector<1x16xf32> to vector<16xf32>
        %parallel_loop3A_277 = arith.index_cast %parallel_loop3A_216 : i32 to index
        %parallel_loop3A_278 = arith.constant 64 : index
        %parallel_loop3A_279 = tpu.vector_load %arg13[%parallel_loop3A_277, %parallel_loop3A_278] {strides = array<i32>} : memref<80x128xf32, #tpu.memory_space<vmem>>, vector<1x16xf32>,
        %parallel_loop3A_280 = vector.shape_cast %parallel_loop3A_279 : vector<1x16xf32> to vector<16xf32>
        %parallel_loop3A_281 = arith.mulf %parallel_loop3A_276, %parallel_loop3A_280 : vector<16xf32>
        %parallel_loop3A_282 = arith.index_cast %parallel_loop3A_216 : i32 to index
        %parallel_loop3A_283 = arith.constant 64 : index
        %parallel_loop3A_284 = tpu.vector_load %arg14[%parallel_loop3A_282, %parallel_loop3A_283] {strides = array<i32>} : memref<80x128xf32, #tpu.memory_space<vmem>>, vector<1x16xf32>,
        %parallel_loop3A_285 = vector.shape_cast %parallel_loop3A_284 : vector<1x16xf32> to vector<16xf32>
        %parallel_loop3A_286 = vector.shape_cast %parallel_loop3A_281 : vector<16xf32> to vector<1x16xf32>
        tpu.vector_store %arg14[%parallel_loop3A_282, %parallel_loop3A_283], %parallel_loop3A_286 {strides = array<i32>} : memref<80x128xf32, #tpu.memory_space<vmem>>, vector<1x16xf32>,
        %parallel_loop3A_287 = arith.index_cast %parallel_loop3A_216 : i32 to index
        %parallel_loop3A_288 = arith.constant 80 : index
        %parallel_loop3A_289 = tpu.vector_load %arg14[%parallel_loop3A_287, %parallel_loop3A_288] {strides = array<i32>} : memref<80x128xf32, #tpu.memory_space<vmem>>, vector<1x16xf32>,
        %parallel_loop3A_290 = vector.shape_cast %parallel_loop3A_289 : vector<1x16xf32> to vector<16xf32>
        %parallel_loop3A_291 = arith.index_cast %parallel_loop3A_216 : i32 to index
        %parallel_loop3A_292 = arith.constant 80 : index
        %parallel_loop3A_293 = tpu.vector_load %arg13[%parallel_loop3A_291, %parallel_loop3A_292] {strides = array<i32>} : memref<80x128xf32, #tpu.memory_space<vmem>>, vector<1x16xf32>,
        %parallel_loop3A_294 = vector.shape_cast %parallel_loop3A_293 : vector<1x16xf32> to vector<16xf32>
        %parallel_loop3A_295 = arith.mulf %parallel_loop3A_290, %parallel_loop3A_294 : vector<16xf32>
        %parallel_loop3A_296 = arith.index_cast %parallel_loop3A_216 : i32 to index
        %parallel_loop3A_297 = arith.constant 80 : index
        %parallel_loop3A_298 = tpu.vector_load %arg14[%parallel_loop3A_296, %parallel_loop3A_297] {strides = array<i32>} : memref<80x128xf32, #tpu.memory_space<vmem>>, vector<1x16xf32>,
        %parallel_loop3A_299 = vector.shape_cast %parallel_loop3A_298 : vector<1x16xf32> to vector<16xf32>
        %parallel_loop3A_300 = vector.shape_cast %parallel_loop3A_295 : vector<16xf32> to vector<1x16xf32>
        tpu.vector_store %arg14[%parallel_loop3A_296, %parallel_loop3A_297], %parallel_loop3A_300 {strides = array<i32>} : memref<80x128xf32, #tpu.memory_space<vmem>>, vector<1x16xf32>,
        %parallel_loop3A_301 = arith.index_cast %parallel_loop3A_216 : i32 to index
        %parallel_loop3A_302 = arith.constant 96 : index
        %parallel_loop3A_303 = tpu.vector_load %arg14[%parallel_loop3A_301, %parallel_loop3A_302] {strides = array<i32>} : memref<80x128xf32, #tpu.memory_space<vmem>>, vector<1x16xf32>,
        %parallel_loop3A_304 = vector.shape_cast %parallel_loop3A_303 : vector<1x16xf32> to vector<16xf32>
        %parallel_loop3A_305 = arith.index_cast %parallel_loop3A_216 : i32 to index
        %parallel_loop3A_306 = arith.constant 96 : index
        %parallel_loop3A_307 = tpu.vector_load %arg13[%parallel_loop3A_305, %parallel_loop3A_306] {strides = array<i32>} : memref<80x128xf32, #tpu.memory_space<vmem>>, vector<1x16xf32>,
        %parallel_loop3A_308 = vector.shape_cast %parallel_loop3A_307 : vector<1x16xf32> to vector<16xf32>
        %parallel_loop3A_309 = arith.mulf %parallel_loop3A_304, %parallel_loop3A_308 : vector<16xf32>
        %parallel_loop3A_310 = arith.index_cast %parallel_loop3A_216 : i32 to index
        %parallel_loop3A_311 = arith.constant 96 : index
        %parallel_loop3A_312 = tpu.vector_load %arg14[%parallel_loop3A_310, %parallel_loop3A_311] {strides = array<i32>} : memref<80x128xf32, #tpu.memory_space<vmem>>, vector<1x16xf32>,
        %parallel_loop3A_313 = vector.shape_cast %parallel_loop3A_312 : vector<1x16xf32> to vector<16xf32>
        %parallel_loop3A_314 = vector.shape_cast %parallel_loop3A_309 : vector<16xf32> to vector<1x16xf32>
        tpu.vector_store %arg14[%parallel_loop3A_310, %parallel_loop3A_311], %parallel_loop3A_314 {strides = array<i32>} : memref<80x128xf32, #tpu.memory_space<vmem>>, vector<1x16xf32>,
        %parallel_loop3A_315 = arith.index_cast %parallel_loop3A_216 : i32 to index
        %parallel_loop3A_316 = arith.constant 112 : index
        %parallel_loop3A_317 = tpu.vector_load %arg14[%parallel_loop3A_315, %parallel_loop3A_316] {strides = array<i32>} : memref<80x128xf32, #tpu.memory_space<vmem>>, vector<1x16xf32>,
        %parallel_loop3A_318 = vector.shape_cast %parallel_loop3A_317 : vector<1x16xf32> to vector<16xf32>
        %parallel_loop3A_319 = arith.index_cast %parallel_loop3A_216 : i32 to index
        %parallel_loop3A_320 = arith.constant 112 : index
        %parallel_loop3A_321 = tpu.vector_load %arg13[%parallel_loop3A_319, %parallel_loop3A_320] {strides = array<i32>} : memref<80x128xf32, #tpu.memory_space<vmem>>, vector<1x16xf32>,
        %parallel_loop3A_322 = vector.shape_cast %parallel_loop3A_321 : vector<1x16xf32> to vector<16xf32>
        %parallel_loop3A_323 = arith.mulf %parallel_loop3A_318, %parallel_loop3A_322 : vector<16xf32>
        %parallel_loop3A_324 = arith.index_cast %parallel_loop3A_216 : i32 to index
        %parallel_loop3A_325 = arith.constant 112 : index
        %parallel_loop3A_326 = tpu.vector_load %arg14[%parallel_loop3A_324, %parallel_loop3A_325] {strides = array<i32>} : memref<80x128xf32, #tpu.memory_space<vmem>>, vector<1x16xf32>,
        %parallel_loop3A_327 = vector.shape_cast %parallel_loop3A_326 : vector<1x16xf32> to vector<16xf32>
        %parallel_loop3A_328 = vector.shape_cast %parallel_loop3A_323 : vector<16xf32> to vector<1x16xf32>
        tpu.vector_store %arg14[%parallel_loop3A_324, %parallel_loop3A_325], %parallel_loop3A_328 {strides = array<i32>} : memref<80x128xf32, #tpu.memory_space<vmem>>, vector<1x16xf32>,
      } {sc.loop_unroll_factor = 4 : i64, sc.parallel_access}
      %dma_start3A_192 = arith.constant 0 : i32
      %dma_start3A_193 = arith.constant 0 : i32
      %dma_start3A_194 = tpu.memref_slice %arg15[%dma_start3A_192, %dma_start3A_193] : memref<10240x128xf32, #tpu.memory_space<vmem_shared>> -> memref<10240x128xf32, #tpu.memory_space<vmem_shared>>
      tpu.enqueue_indirect_dma source(%arg14 : memref<80x128xf32, #tpu.memory_space<vmem>>) target(%dma_start3A_194 : memref<10240x128xf32, #tpu.memory_space<vmem_shared>>) offsets(%arg12 : memref<80xi32, #tpu.memory_space<vmem>>) semaphore(%arg21 : memref<!tpu.dma_semaphore, #tpu.memory_space<semaphore_mem>>) {add = true}
      %add3A_195 = arith.constant 2 : i32
      %add3A_196 = arith.addi %mul3A_144, %add3A_195 : i32
      %mul3A_197 = arith.constant 80 : i32
      %mul3A_198 = arith.muli %add3A_196, %mul3A_197 : i32
      %add3A_199 = arith.addi %add3A_36, %mul3A_198 : i32
      %dma_wait3A_200 = tpu.memref_slice %arg4[%add3A_199] : memref<320000xi32, #tpu.memory_space<hbm>> -> memref<80xi32, #tpu.memory_space<hbm>>
      %dma_wait3A_201 = tpu.memref_slice %arg4[%add3A_199] : memref<320000xi32, #tpu.memory_space<hbm>> -> memref<80xi32, #tpu.memory_space<hbm>>
      tpu.wait_dma2 semaphore(%arg16 : memref<!tpu.dma_semaphore, #tpu.memory_space<semaphore_mem>>) src(%dma_wait3A_201 : memref<80xi32, #tpu.memory_space<hbm>>) dst(%arg7 : memref<80xi32, #tpu.memory_space<vmem>>)
      %dma_wait3A_202 = tpu.memref_slice %arg5[%add3A_199] : memref<320000xi32, #tpu.memory_space<hbm>> -> memref<80xi32, #tpu.memory_space<hbm>>
      %dma_wait3A_203 = tpu.memref_slice %arg5[%add3A_199] : memref<320000xi32, #tpu.memory_space<hbm>> -> memref<80xi32, #tpu.memory_space<hbm>>
      tpu.wait_dma2 semaphore(%arg16 : memref<!tpu.dma_semaphore, #tpu.memory_space<semaphore_mem>>) src(%dma_wait3A_203 : memref<80xi32, #tpu.memory_space<hbm>>) dst(%arg8 : memref<80xi32, #tpu.memory_space<vmem>>)
      %dma_wait3A_204 = arith.constant 0 : i32
      %dma_wait3A_205 = tpu.memref_slice %arg3[%add3A_199, %dma_wait3A_204] : memref<320000x128xf32, #tpu.memory_space<hbm>> -> memref<80x128xf32, #tpu.memory_space<hbm>>
      %dma_wait3A_206 = arith.constant 0 : i32
      %dma_wait3A_207 = tpu.memref_slice %arg3[%add3A_199, %dma_wait3A_206] : memref<320000x128xf32, #tpu.memory_space<hbm>> -> memref<80x128xf32, #tpu.memory_space<hbm>>
      tpu.wait_dma2 semaphore(%arg16 : memref<!tpu.dma_semaphore, #tpu.memory_space<semaphore_mem>>) src(%dma_wait3A_207 : memref<80x128xf32, #tpu.memory_space<hbm>>) dst(%arg9 : memref<80x128xf32, #tpu.memory_space<vmem>>)
      %dma_start3A_208 = arith.constant 0 : i32
      %dma_start3A_209 = arith.constant 0 : i32
      %dma_start3A_210 = tpu.memref_slice %arg2[%dma_start3A_208, %dma_start3A_209] : memref<10000x128xf32, #tpu.memory_space<hbm>> -> memref<10000x128xf32, #tpu.memory_space<hbm>>
      tpu.enqueue_indirect_dma source(%dma_start3A_210 : memref<10000x128xf32, #tpu.memory_space<hbm>>) target(%arg10 : memref<80x128xf32, #tpu.memory_space<vmem>>) offsets(%arg7 : memref<80xi32, #tpu.memory_space<vmem>>) semaphore(%arg17 : memref<!tpu.dma_semaphore, #tpu.memory_space<semaphore_mem>>)
      %dma_wait3A_211 = arith.constant 0 : i32
      %dma_wait3A_212 = arith.constant 0 : i32
      %dma_wait3A_213 = tpu.memref_slice %arg15[%dma_wait3A_211, %dma_wait3A_212] : memref<10240x128xf32, #tpu.memory_space<vmem_shared>> -> memref<10240x128xf32, #tpu.memory_space<vmem_shared>>
      tpu.wait_indirect_dma semaphore(%arg21 : memref<!tpu.dma_semaphore, #tpu.memory_space<semaphore_mem>>) src(%arg14 : memref<80x128xf32, #tpu.memory_space<vmem>>) dst(%dma_wait3A_213 : memref<10240x128xf32, #tpu.memory_space<vmem_shared>>)
      %lt3A = arith.constant 61 : i32
      %lt3A_214 = arith.cmpi slt, %scan3A_142, %lt3A : i32
      %convert_element_type3A = arith.extui %lt3A_214 : i1 to i32
      %cond3A = arith.constant 0 : i32
      %cond3A_215 = arith.cmpi ne, %convert_element_type3A, %cond3A : i32
      scf.if %cond3A_215 {
        %add3A_216 = arith.constant 3 : i32
        %add3A_217 = arith.addi %mul3A_144, %add3A_216 : i32
        %mul3A_218 = arith.constant 80 : i32
        %mul3A_219 = arith.muli %add3A_217, %mul3A_218 : i32
        %add3A_220 = arith.addi %add3A_36, %mul3A_219 : i32
        %dma_start3A_221 = tpu.memref_slice %arg4[%add3A_220] : memref<320000xi32, #tpu.memory_space<hbm>> -> memref<80xi32, #tpu.memory_space<hbm>>
        %dma_start3A_222 = tpu.memref_slice %arg4[%add3A_220] : memref<320000xi32, #tpu.memory_space<hbm>> -> memref<80xi32, #tpu.memory_space<hbm>>
        tpu.enqueue_dma source(%dma_start3A_222 : memref<80xi32, #tpu.memory_space<hbm>>) target(%arg11 : memref<80xi32, #tpu.memory_space<vmem>>) target_semaphore(%arg19 : memref<!tpu.dma_semaphore, #tpu.memory_space<semaphore_mem>>)
        %dma_start3A_223 = tpu.memref_slice %arg5[%add3A_220] : memref<320000xi32, #tpu.memory_space<hbm>> -> memref<80xi32, #tpu.memory_space<hbm>>
        %dma_start3A_224 = tpu.memref_slice %arg5[%add3A_220] : memref<320000xi32, #tpu.memory_space<hbm>> -> memref<80xi32, #tpu.memory_space<hbm>>
        tpu.enqueue_dma source(%dma_start3A_224 : memref<80xi32, #tpu.memory_space<hbm>>) target(%arg12 : memref<80xi32, #tpu.memory_space<vmem>>) target_semaphore(%arg19 : memref<!tpu.dma_semaphore, #tpu.memory_space<semaphore_mem>>)
        %dma_start3A_225 = arith.constant 0 : i32
        %dma_start3A_226 = tpu.memref_slice %arg3[%add3A_220, %dma_start3A_225] : memref<320000x128xf32, #tpu.memory_space<hbm>> -> memref<80x128xf32, #tpu.memory_space<hbm>>
        %dma_start3A_227 = arith.constant 0 : i32
        %dma_start3A_228 = tpu.memref_slice %arg3[%add3A_220, %dma_start3A_227] : memref<320000x128xf32, #tpu.memory_space<hbm>> -> memref<80x128xf32, #tpu.memory_space<hbm>>
        tpu.enqueue_dma source(%dma_start3A_228 : memref<80x128xf32, #tpu.memory_space<hbm>>) target(%arg13 : memref<80x128xf32, #tpu.memory_space<vmem>>) target_semaphore(%arg19 : memref<!tpu.dma_semaphore, #tpu.memory_space<semaphore_mem>>)
      } else {
      }
    }
    %scan3A_72 = arith.constant 62 : i32
    %dma_wait3A_73 = arith.constant 0 : i32
    %dma_wait3A_74 = arith.constant 0 : i32
    %dma_wait3A_75 = tpu.memref_slice %arg2[%dma_wait3A_73, %dma_wait3A_74] : memref<10000x128xf32, #tpu.memory_space<hbm>> -> memref<10000x128xf32, #tpu.memory_space<hbm>>
    tpu.wait_indirect_dma semaphore(%arg17 : memref<!tpu.dma_semaphore, #tpu.memory_space<semaphore_mem>>) src(%dma_wait3A_75 : memref<10000x128xf32, #tpu.memory_space<hbm>>) dst(%arg10 : memref<80x128xf32, #tpu.memory_space<vmem>>)
    %parallel_loop3A_76 = arith.constant 0 : i32
    %parallel_loop3A_77 = arith.constant 80 : i32
    %parallel_loop3A_78 = arith.constant 1 : i32
    scf.for %parallel_loop3A_142 = %parallel_loop3A_76 to %parallel_loop3A_77 step %parallel_loop3A_78  : i32 {
      %parallel_loop3A_143 = arith.index_cast %parallel_loop3A_142 : i32 to index
      %parallel_loop3A_144 = arith.constant 0 : index
      %parallel_loop3A_145 = tpu.vector_load %arg10[%parallel_loop3A_143, %parallel_loop3A_144] {strides = array<i32>} : memref<80x128xf32, #tpu.memory_space<vmem>>, vector<1x16xf32>,
      %parallel_loop3A_146 = vector.shape_cast %parallel_loop3A_145 : vector<1x16xf32> to vector<16xf32>
      %parallel_loop3A_147 = arith.index_cast %parallel_loop3A_142 : i32 to index
      %parallel_loop3A_148 = arith.constant 0 : index
      %parallel_loop3A_149 = tpu.vector_load %arg9[%parallel_loop3A_147, %parallel_loop3A_148] {strides = array<i32>} : memref<80x128xf32, #tpu.memory_space<vmem>>, vector<1x16xf32>,
      %parallel_loop3A_150 = vector.shape_cast %parallel_loop3A_149 : vector<1x16xf32> to vector<16xf32>
      %parallel_loop3A_151 = arith.mulf %parallel_loop3A_146, %parallel_loop3A_150 : vector<16xf32>
      %parallel_loop3A_152 = arith.index_cast %parallel_loop3A_142 : i32 to index
      %parallel_loop3A_153 = arith.constant 0 : index
      %parallel_loop3A_154 = tpu.vector_load %arg10[%parallel_loop3A_152, %parallel_loop3A_153] {strides = array<i32>} : memref<80x128xf32, #tpu.memory_space<vmem>>, vector<1x16xf32>,
      %parallel_loop3A_155 = vector.shape_cast %parallel_loop3A_154 : vector<1x16xf32> to vector<16xf32>
      %parallel_loop3A_156 = vector.shape_cast %parallel_loop3A_151 : vector<16xf32> to vector<1x16xf32>
      tpu.vector_store %arg10[%parallel_loop3A_152, %parallel_loop3A_153], %parallel_loop3A_156 {strides = array<i32>} : memref<80x128xf32, #tpu.memory_space<vmem>>, vector<1x16xf32>,
      %parallel_loop3A_157 = arith.index_cast %parallel_loop3A_142 : i32 to index
      %parallel_loop3A_158 = arith.constant 16 : index
      %parallel_loop3A_159 = tpu.vector_load %arg10[%parallel_loop3A_157, %parallel_loop3A_158] {strides = array<i32>} : memref<80x128xf32, #tpu.memory_space<vmem>>, vector<1x16xf32>,
      %parallel_loop3A_160 = vector.shape_cast %parallel_loop3A_159 : vector<1x16xf32> to vector<16xf32>
      %parallel_loop3A_161 = arith.index_cast %parallel_loop3A_142 : i32 to index
      %parallel_loop3A_162 = arith.constant 16 : index
      %parallel_loop3A_163 = tpu.vector_load %arg9[%parallel_loop3A_161, %parallel_loop3A_162] {strides = array<i32>} : memref<80x128xf32, #tpu.memory_space<vmem>>, vector<1x16xf32>,
      %parallel_loop3A_164 = vector.shape_cast %parallel_loop3A_163 : vector<1x16xf32> to vector<16xf32>
      %parallel_loop3A_165 = arith.mulf %parallel_loop3A_160, %parallel_loop3A_164 : vector<16xf32>
      %parallel_loop3A_166 = arith.index_cast %parallel_loop3A_142 : i32 to index
      %parallel_loop3A_167 = arith.constant 16 : index
      %parallel_loop3A_168 = tpu.vector_load %arg10[%parallel_loop3A_166, %parallel_loop3A_167] {strides = array<i32>} : memref<80x128xf32, #tpu.memory_space<vmem>>, vector<1x16xf32>,
      %parallel_loop3A_169 = vector.shape_cast %parallel_loop3A_168 : vector<1x16xf32> to vector<16xf32>
      %parallel_loop3A_170 = vector.shape_cast %parallel_loop3A_165 : vector<16xf32> to vector<1x16xf32>
      tpu.vector_store %arg10[%parallel_loop3A_166, %parallel_loop3A_167], %parallel_loop3A_170 {strides = array<i32>} : memref<80x128xf32, #tpu.memory_space<vmem>>, vector<1x16xf32>,
      %parallel_loop3A_171 = arith.index_cast %parallel_loop3A_142 : i32 to index
      %parallel_loop3A_172 = arith.constant 32 : index
      %parallel_loop3A_173 = tpu.vector_load %arg10[%parallel_loop3A_171, %parallel_loop3A_172] {strides = array<i32>} : memref<80x128xf32, #tpu.memory_space<vmem>>, vector<1x16xf32>,
      %parallel_loop3A_174 = vector.shape_cast %parallel_loop3A_173 : vector<1x16xf32> to vector<16xf32>
      %parallel_loop3A_175 = arith.index_cast %parallel_loop3A_142 : i32 to index
      %parallel_loop3A_176 = arith.constant 32 : index
      %parallel_loop3A_177 = tpu.vector_load %arg9[%parallel_loop3A_175, %parallel_loop3A_176] {strides = array<i32>} : memref<80x128xf32, #tpu.memory_space<vmem>>, vector<1x16xf32>,
      %parallel_loop3A_178 = vector.shape_cast %parallel_loop3A_177 : vector<1x16xf32> to vector<16xf32>
      %parallel_loop3A_179 = arith.mulf %parallel_loop3A_174, %parallel_loop3A_178 : vector<16xf32>
      %parallel_loop3A_180 = arith.index_cast %parallel_loop3A_142 : i32 to index
      %parallel_loop3A_181 = arith.constant 32 : index
      %parallel_loop3A_182 = tpu.vector_load %arg10[%parallel_loop3A_180, %parallel_loop3A_181] {strides = array<i32>} : memref<80x128xf32, #tpu.memory_space<vmem>>, vector<1x16xf32>,
      %parallel_loop3A_183 = vector.shape_cast %parallel_loop3A_182 : vector<1x16xf32> to vector<16xf32>
      %parallel_loop3A_184 = vector.shape_cast %parallel_loop3A_179 : vector<16xf32> to vector<1x16xf32>
      tpu.vector_store %arg10[%parallel_loop3A_180, %parallel_loop3A_181], %parallel_loop3A_184 {strides = array<i32>} : memref<80x128xf32, #tpu.memory_space<vmem>>, vector<1x16xf32>,
      %parallel_loop3A_185 = arith.index_cast %parallel_loop3A_142 : i32 to index
      %parallel_loop3A_186 = arith.constant 48 : index
      %parallel_loop3A_187 = tpu.vector_load %arg10[%parallel_loop3A_185, %parallel_loop3A_186] {strides = array<i32>} : memref<80x128xf32, #tpu.memory_space<vmem>>, vector<1x16xf32>,
      %parallel_loop3A_188 = vector.shape_cast %parallel_loop3A_187 : vector<1x16xf32> to vector<16xf32>
      %parallel_loop3A_189 = arith.index_cast %parallel_loop3A_142 : i32 to index
      %parallel_loop3A_190 = arith.constant 48 : index
      %parallel_loop3A_191 = tpu.vector_load %arg9[%parallel_loop3A_189, %parallel_loop3A_190] {strides = array<i32>} : memref<80x128xf32, #tpu.memory_space<vmem>>, vector<1x16xf32>,
      %parallel_loop3A_192 = vector.shape_cast %parallel_loop3A_191 : vector<1x16xf32> to vector<16xf32>
      %parallel_loop3A_193 = arith.mulf %parallel_loop3A_188, %parallel_loop3A_192 : vector<16xf32>
      %parallel_loop3A_194 = arith.index_cast %parallel_loop3A_142 : i32 to index
      %parallel_loop3A_195 = arith.constant 48 : index
      %parallel_loop3A_196 = tpu.vector_load %arg10[%parallel_loop3A_194, %parallel_loop3A_195] {strides = array<i32>} : memref<80x128xf32, #tpu.memory_space<vmem>>, vector<1x16xf32>,
      %parallel_loop3A_197 = vector.shape_cast %parallel_loop3A_196 : vector<1x16xf32> to vector<16xf32>
      %parallel_loop3A_198 = vector.shape_cast %parallel_loop3A_193 : vector<16xf32> to vector<1x16xf32>
      tpu.vector_store %arg10[%parallel_loop3A_194, %parallel_loop3A_195], %parallel_loop3A_198 {strides = array<i32>} : memref<80x128xf32, #tpu.memory_space<vmem>>, vector<1x16xf32>,
      %parallel_loop3A_199 = arith.index_cast %parallel_loop3A_142 : i32 to index
      %parallel_loop3A_200 = arith.constant 64 : index
      %parallel_loop3A_201 = tpu.vector_load %arg10[%parallel_loop3A_199, %parallel_loop3A_200] {strides = array<i32>} : memref<80x128xf32, #tpu.memory_space<vmem>>, vector<1x16xf32>,
      %parallel_loop3A_202 = vector.shape_cast %parallel_loop3A_201 : vector<1x16xf32> to vector<16xf32>
      %parallel_loop3A_203 = arith.index_cast %parallel_loop3A_142 : i32 to index
      %parallel_loop3A_204 = arith.constant 64 : index
      %parallel_loop3A_205 = tpu.vector_load %arg9[%parallel_loop3A_203, %parallel_loop3A_204] {strides = array<i32>} : memref<80x128xf32, #tpu.memory_space<vmem>>, vector<1x16xf32>,
      %parallel_loop3A_206 = vector.shape_cast %parallel_loop3A_205 : vector<1x16xf32> to vector<16xf32>
      %parallel_loop3A_207 = arith.mulf %parallel_loop3A_202, %parallel_loop3A_206 : vector<16xf32>
      %parallel_loop3A_208 = arith.index_cast %parallel_loop3A_142 : i32 to index
      %parallel_loop3A_209 = arith.constant 64 : index
      %parallel_loop3A_210 = tpu.vector_load %arg10[%parallel_loop3A_208, %parallel_loop3A_209] {strides = array<i32>} : memref<80x128xf32, #tpu.memory_space<vmem>>, vector<1x16xf32>,
      %parallel_loop3A_211 = vector.shape_cast %parallel_loop3A_210 : vector<1x16xf32> to vector<16xf32>
      %parallel_loop3A_212 = vector.shape_cast %parallel_loop3A_207 : vector<16xf32> to vector<1x16xf32>
      tpu.vector_store %arg10[%parallel_loop3A_208, %parallel_loop3A_209], %parallel_loop3A_212 {strides = array<i32>} : memref<80x128xf32, #tpu.memory_space<vmem>>, vector<1x16xf32>,
      %parallel_loop3A_213 = arith.index_cast %parallel_loop3A_142 : i32 to index
      %parallel_loop3A_214 = arith.constant 80 : index
      %parallel_loop3A_215 = tpu.vector_load %arg10[%parallel_loop3A_213, %parallel_loop3A_214] {strides = array<i32>} : memref<80x128xf32, #tpu.memory_space<vmem>>, vector<1x16xf32>,
      %parallel_loop3A_216 = vector.shape_cast %parallel_loop3A_215 : vector<1x16xf32> to vector<16xf32>
      %parallel_loop3A_217 = arith.index_cast %parallel_loop3A_142 : i32 to index
      %parallel_loop3A_218 = arith.constant 80 : index
      %parallel_loop3A_219 = tpu.vector_load %arg9[%parallel_loop3A_217, %parallel_loop3A_218] {strides = array<i32>} : memref<80x128xf32, #tpu.memory_space<vmem>>, vector<1x16xf32>,
      %parallel_loop3A_220 = vector.shape_cast %parallel_loop3A_219 : vector<1x16xf32> to vector<16xf32>
      %parallel_loop3A_221 = arith.mulf %parallel_loop3A_216, %parallel_loop3A_220 : vector<16xf32>
      %parallel_loop3A_222 = arith.index_cast %parallel_loop3A_142 : i32 to index
      %parallel_loop3A_223 = arith.constant 80 : index
      %parallel_loop3A_224 = tpu.vector_load %arg10[%parallel_loop3A_222, %parallel_loop3A_223] {strides = array<i32>} : memref<80x128xf32, #tpu.memory_space<vmem>>, vector<1x16xf32>,
      %parallel_loop3A_225 = vector.shape_cast %parallel_loop3A_224 : vector<1x16xf32> to vector<16xf32>
      %parallel_loop3A_226 = vector.shape_cast %parallel_loop3A_221 : vector<16xf32> to vector<1x16xf32>
      tpu.vector_store %arg10[%parallel_loop3A_222, %parallel_loop3A_223], %parallel_loop3A_226 {strides = array<i32>} : memref<80x128xf32, #tpu.memory_space<vmem>>, vector<1x16xf32>,
      %parallel_loop3A_227 = arith.index_cast %parallel_loop3A_142 : i32 to index
      %parallel_loop3A_228 = arith.constant 96 : index
      %parallel_loop3A_229 = tpu.vector_load %arg10[%parallel_loop3A_227, %parallel_loop3A_228] {strides = array<i32>} : memref<80x128xf32, #tpu.memory_space<vmem>>, vector<1x16xf32>,
      %parallel_loop3A_230 = vector.shape_cast %parallel_loop3A_229 : vector<1x16xf32> to vector<16xf32>
      %parallel_loop3A_231 = arith.index_cast %parallel_loop3A_142 : i32 to index
      %parallel_loop3A_232 = arith.constant 96 : index
      %parallel_loop3A_233 = tpu.vector_load %arg9[%parallel_loop3A_231, %parallel_loop3A_232] {strides = array<i32>} : memref<80x128xf32, #tpu.memory_space<vmem>>, vector<1x16xf32>,
      %parallel_loop3A_234 = vector.shape_cast %parallel_loop3A_233 : vector<1x16xf32> to vector<16xf32>
      %parallel_loop3A_235 = arith.mulf %parallel_loop3A_230, %parallel_loop3A_234 : vector<16xf32>
      %parallel_loop3A_236 = arith.index_cast %parallel_loop3A_142 : i32 to index
      %parallel_loop3A_237 = arith.constant 96 : index
      %parallel_loop3A_238 = tpu.vector_load %arg10[%parallel_loop3A_236, %parallel_loop3A_237] {strides = array<i32>} : memref<80x128xf32, #tpu.memory_space<vmem>>, vector<1x16xf32>,
      %parallel_loop3A_239 = vector.shape_cast %parallel_loop3A_238 : vector<1x16xf32> to vector<16xf32>
      %parallel_loop3A_240 = vector.shape_cast %parallel_loop3A_235 : vector<16xf32> to vector<1x16xf32>
      tpu.vector_store %arg10[%parallel_loop3A_236, %parallel_loop3A_237], %parallel_loop3A_240 {strides = array<i32>} : memref<80x128xf32, #tpu.memory_space<vmem>>, vector<1x16xf32>,
      %parallel_loop3A_241 = arith.index_cast %parallel_loop3A_142 : i32 to index
      %parallel_loop3A_242 = arith.constant 112 : index
      %parallel_loop3A_243 = tpu.vector_load %arg10[%parallel_loop3A_241, %parallel_loop3A_242] {strides = array<i32>} : memref<80x128xf32, #tpu.memory_space<vmem>>, vector<1x16xf32>,
      %parallel_loop3A_244 = vector.shape_cast %parallel_loop3A_243 : vector<1x16xf32> to vector<16xf32>
      %parallel_loop3A_245 = arith.index_cast %parallel_loop3A_142 : i32 to index
      %parallel_loop3A_246 = arith.constant 112 : index
      %parallel_loop3A_247 = tpu.vector_load %arg9[%parallel_loop3A_245, %parallel_loop3A_246] {strides = array<i32>} : memref<80x128xf32, #tpu.memory_space<vmem>>, vector<1x16xf32>,
      %parallel_loop3A_248 = vector.shape_cast %parallel_loop3A_247 : vector<1x16xf32> to vector<16xf32>
      %parallel_loop3A_249 = arith.mulf %parallel_loop3A_244, %parallel_loop3A_248 : vector<16xf32>
      %parallel_loop3A_250 = arith.index_cast %parallel_loop3A_142 : i32 to index
      %parallel_loop3A_251 = arith.constant 112 : index
      %parallel_loop3A_252 = tpu.vector_load %arg10[%parallel_loop3A_250, %parallel_loop3A_251] {strides = array<i32>} : memref<80x128xf32, #tpu.memory_space<vmem>>, vector<1x16xf32>,
      %parallel_loop3A_253 = vector.shape_cast %parallel_loop3A_252 : vector<1x16xf32> to vector<16xf32>
      %parallel_loop3A_254 = vector.shape_cast %parallel_loop3A_249 : vector<16xf32> to vector<1x16xf32>
      tpu.vector_store %arg10[%parallel_loop3A_250, %parallel_loop3A_251], %parallel_loop3A_254 {strides = array<i32>} : memref<80x128xf32, #tpu.memory_space<vmem>>, vector<1x16xf32>,
    } {sc.loop_unroll_factor = 4 : i64, sc.parallel_access}
    %dma_start3A_79 = arith.constant 0 : i32
    %dma_start3A_80 = arith.constant 0 : i32
    %dma_start3A_81 = tpu.memref_slice %arg15[%dma_start3A_79, %dma_start3A_80] : memref<10240x128xf32, #tpu.memory_space<vmem_shared>> -> memref<10240x128xf32, #tpu.memory_space<vmem_shared>>
    tpu.enqueue_indirect_dma source(%arg10 : memref<80x128xf32, #tpu.memory_space<vmem>>) target(%dma_start3A_81 : memref<10240x128xf32, #tpu.memory_space<vmem_shared>>) offsets(%arg8 : memref<80xi32, #tpu.memory_space<vmem>>) semaphore(%arg18 : memref<!tpu.dma_semaphore, #tpu.memory_space<semaphore_mem>>) {add = true}
    %dma_wait3A_82 = arith.constant 0 : i32
    %dma_wait3A_83 = arith.constant 0 : i32
    %dma_wait3A_84 = tpu.memref_slice %arg15[%dma_wait3A_82, %dma_wait3A_83] : memref<10240x128xf32, #tpu.memory_space<vmem_shared>> -> memref<10240x128xf32, #tpu.memory_space<vmem_shared>>
    tpu.wait_indirect_dma semaphore(%arg18 : memref<!tpu.dma_semaphore, #tpu.memory_space<semaphore_mem>>) src(%arg10 : memref<80x128xf32, #tpu.memory_space<vmem>>) dst(%dma_wait3A_84 : memref<10240x128xf32, #tpu.memory_space<vmem_shared>>)
    %barrier3A_85 = arith.constant 0 : index
    tpu.barrier barrier_id(%barrier3A_85)
    %mul3A_86 = arith.constant 640 : i32
    %mul3A_87 = arith.muli %arg1, %mul3A_86 : i32
    %add3A_88 = arith.constant 0 : i32
    %add3A_89 = arith.addi %mul3A_87, %add3A_88 : i32
    "tpu.region"() ({
      %run_scoped3A = tpu.sem_alloc : memref<!tpu.dma_semaphore, #tpu.memory_space<semaphore_mem>>
      %dma_start3A_142 = arith.constant 0 : i32
      %dma_start3A_143 = tpu.memref_slice %arg15[%add3A_89, %dma_start3A_142] : memref<10240x128xf32, #tpu.memory_space<vmem_shared>> -> memref<80x128xf32, #tpu.memory_space<vmem_shared>>
      %dma_start3A_144 = arith.constant 0 : i32
      %dma_start3A_145 = tpu.memref_slice %arg15[%add3A_89, %dma_start3A_144] : memref<10240x128xf32, #tpu.memory_space<vmem_shared>> -> memref<80x128xf32, #tpu.memory_space<vmem_shared>>
      tpu.enqueue_dma source(%dma_start3A_145 : memref<80x128xf32, #tpu.memory_space<vmem_shared>>) target(%arg10 : memref<80x128xf32, #tpu.memory_space<vmem>>) target_semaphore(%run_scoped3A : memref<!tpu.dma_semaphore, #tpu.memory_space<semaphore_mem>>)
      %dma_wait3A_146 = arith.constant 0 : i32
      %dma_wait3A_147 = tpu.memref_slice %arg15[%add3A_89, %dma_wait3A_146] : memref<10240x128xf32, #tpu.memory_space<vmem_shared>> -> memref<80x128xf32, #tpu.memory_space<vmem_shared>>
      %dma_wait3A_148 = arith.constant 0 : i32
      %dma_wait3A_149 = tpu.memref_slice %arg15[%add3A_89, %dma_wait3A_148] : memref<10240x128xf32, #tpu.memory_space<vmem_shared>> -> memref<80x128xf32, #tpu.memory_space<vmem_shared>>
      tpu.wait_dma2 semaphore(%run_scoped3A : memref<!tpu.dma_semaphore, #tpu.memory_space<semaphore_mem>>) src(%dma_wait3A_149 : memref<80x128xf32, #tpu.memory_space<vmem_shared>>) dst(%arg10 : memref<80x128xf32, #tpu.memory_space<vmem>>)
      tpu.yield
    }) : () -> ()
    %mul3A_90 = arith.constant 10240 : i32
    %mul3A_91 = arith.muli %arg0, %mul3A_90 : i32
    %add3A_92 = arith.addi %mul3A_91, %add3A_89 : i32
    "tpu.region"() ({
      %run_scoped3A = tpu.sem_alloc : memref<!tpu.dma_semaphore, #tpu.memory_space<semaphore_mem>>
      %dma_start3A_142 = arith.constant 0 : i32
      %dma_start3A_143 = tpu.memref_slice %arg6[%add3A_92, %dma_start3A_142] : memref<20480x128xf32, #tpu.memory_space<hbm>> -> memref<80x128xf32, #tpu.memory_space<hbm>>
      %dma_start3A_144 = arith.constant 0 : i32
      %dma_start3A_145 = tpu.memref_slice %arg6[%add3A_92, %dma_start3A_144] : memref<20480x128xf32, #tpu.memory_space<hbm>> -> memref<80x128xf32, #tpu.memory_space<hbm>>
      tpu.enqueue_dma source(%arg10 : memref<80x128xf32, #tpu.memory_space<vmem>>) target(%dma_start3A_145 : memref<80x128xf32, #tpu.memory_space<hbm>>) target_semaphore(%run_scoped3A : memref<!tpu.dma_semaphore, #tpu.memory_space<semaphore_mem>>)
      %dma_wait3A_146 = arith.constant 0 : i32
      %dma_wait3A_147 = tpu.memref_slice %arg6[%add3A_92, %dma_wait3A_146] : memref<20480x128xf32, #tpu.memory_space<hbm>> -> memref<80x128xf32, #tpu.memory_space<hbm>>
      %dma_wait3A_148 = arith.constant 0 : i32
      %dma_wait3A_149 = tpu.memref_slice %arg6[%add3A_92, %dma_wait3A_148] : memref<20480x128xf32, #tpu.memory_space<hbm>> -> memref<80x128xf32, #tpu.memory_space<hbm>>
      tpu.wait_dma2 semaphore(%run_scoped3A : memref<!tpu.dma_semaphore, #tpu.memory_space<semaphore_mem>>) src(%arg10 : memref<80x128xf32, #tpu.memory_space<vmem>>) dst(%dma_wait3A_149 : memref<80x128xf32, #tpu.memory_space<hbm>>)
      tpu.yield
    }) : () -> ()
    %mul3A_93 = arith.constant 640 : i32
    %mul3A_94 = arith.muli %arg1, %mul3A_93 : i32
    %add3A_95 = arith.constant 80 : i32
    %add3A_96 = arith.addi %mul3A_94, %add3A_95 : i32
    "tpu.region"() ({
      %run_scoped3A = tpu.sem_alloc : memref<!tpu.dma_semaphore, #tpu.memory_space<semaphore_mem>>
      %dma_start3A_142 = arith.constant 0 : i32
      %dma_start3A_143 = tpu.memref_slice %arg15[%add3A_96, %dma_start3A_142] : memref<10240x128xf32, #tpu.memory_space<vmem_shared>> -> memref<80x128xf32, #tpu.memory_space<vmem_shared>>
      %dma_start3A_144 = arith.constant 0 : i32
      %dma_start3A_145 = tpu.memref_slice %arg15[%add3A_96, %dma_start3A_144] : memref<10240x128xf32, #tpu.memory_space<vmem_shared>> -> memref<80x128xf32, #tpu.memory_space<vmem_shared>>
      tpu.enqueue_dma source(%dma_start3A_145 : memref<80x128xf32, #tpu.memory_space<vmem_shared>>) target(%arg10 : memref<80x128xf32, #tpu.memory_space<vmem>>) target_semaphore(%run_scoped3A : memref<!tpu.dma_semaphore, #tpu.memory_space<semaphore_mem>>)
      %dma_wait3A_146 = arith.constant 0 : i32
      %dma_wait3A_147 = tpu.memref_slice %arg15[%add3A_96, %dma_wait3A_146] : memref<10240x128xf32, #tpu.memory_space<vmem_shared>> -> memref<80x128xf32, #tpu.memory_space<vmem_shared>>
      %dma_wait3A_148 = arith.constant 0 : i32
      %dma_wait3A_149 = tpu.memref_slice %arg15[%add3A_96, %dma_wait3A_148] : memref<10240x128xf32, #tpu.memory_space<vmem_shared>> -> memref<80x128xf32, #tpu.memory_space<vmem_shared>>
      tpu.wait_dma2 semaphore(%run_scoped3A : memref<!tpu.dma_semaphore, #tpu.memory_space<semaphore_mem>>) src(%dma_wait3A_149 : memref<80x128xf32, #tpu.memory_space<vmem_shared>>) dst(%arg10 : memref<80x128xf32, #tpu.memory_space<vmem>>)
      tpu.yield
    }) : () -> ()
    %mul3A_97 = arith.constant 10240 : i32
    %mul3A_98 = arith.muli %arg0, %mul3A_97 : i32
    %add3A_99 = arith.addi %mul3A_98, %add3A_96 : i32
    "tpu.region"() ({
      %run_scoped3A = tpu.sem_alloc : memref<!tpu.dma_semaphore, #tpu.memory_space<semaphore_mem>>
      %dma_start3A_142 = arith.constant 0 : i32
      %dma_start3A_143 = tpu.memref_slice %arg6[%add3A_99, %dma_start3A_142] : memref<20480x128xf32, #tpu.memory_space<hbm>> -> memref<80x128xf32, #tpu.memory_space<hbm>>
      %dma_start3A_144 = arith.constant 0 : i32
      %dma_start3A_145 = tpu.memref_slice %arg6[%add3A_99, %dma_start3A_144] : memref<20480x128xf32, #tpu.memory_space<hbm>> -> memref<80x128xf32, #tpu.memory_space<hbm>>
      tpu.enqueue_dma source(%arg10 : memref<80x128xf32, #tpu.memory_space<vmem>>) target(%dma_start3A_145 : memref<80x128xf32, #tpu.memory_space<hbm>>) target_semaphore(%run_scoped3A : memref<!tpu.dma_semaphore, #tpu.memory_space<semaphore_mem>>)
      %dma_wait3A_146 = arith.constant 0 : i32
      %dma_wait3A_147 = tpu.memref_slice %arg6[%add3A_99, %dma_wait3A_146] : memref<20480x128xf32, #tpu.memory_space<hbm>> -> memref<80x128xf32, #tpu.memory_space<hbm>>
      %dma_wait3A_148 = arith.constant 0 : i32
      %dma_wait3A_149 = tpu.memref_slice %arg6[%add3A_99, %dma_wait3A_148] : memref<20480x128xf32, #tpu.memory_space<hbm>> -> memref<80x128xf32, #tpu.memory_space<hbm>>
      tpu.wait_dma2 semaphore(%run_scoped3A : memref<!tpu.dma_semaphore, #tpu.memory_space<semaphore_mem>>) src(%arg10 : memref<80x128xf32, #tpu.memory_space<vmem>>) dst(%dma_wait3A_149 : memref<80x128xf32, #tpu.memory_space<hbm>>)
      tpu.yield
    }) : () -> ()
    %mul3A_100 = arith.constant 640 : i32
    %mul3A_101 = arith.muli %arg1, %mul3A_100 : i32
    %add3A_102 = arith.constant 160 : i32
    %add3A_103 = arith.addi %mul3A_101, %add3A_102 : i32
    "tpu.region"() ({
      %run_scoped3A = tpu.sem_alloc : memref<!tpu.dma_semaphore, #tpu.memory_space<semaphore_mem>>
      %dma_start3A_142 = arith.constant 0 : i32
      %dma_start3A_143 = tpu.memref_slice %arg15[%add3A_103, %dma_start3A_142] : memref<10240x128xf32, #tpu.memory_space<vmem_shared>> -> memref<80x128xf32, #tpu.memory_space<vmem_shared>>
      %dma_start3A_144 = arith.constant 0 : i32
      %dma_start3A_145 = tpu.memref_slice %arg15[%add3A_103, %dma_start3A_144] : memref<10240x128xf32, #tpu.memory_space<vmem_shared>> -> memref<80x128xf32, #tpu.memory_space<vmem_shared>>
      tpu.enqueue_dma source(%dma_start3A_145 : memref<80x128xf32, #tpu.memory_space<vmem_shared>>) target(%arg10 : memref<80x128xf32, #tpu.memory_space<vmem>>) target_semaphore(%run_scoped3A : memref<!tpu.dma_semaphore, #tpu.memory_space<semaphore_mem>>)
      %dma_wait3A_146 = arith.constant 0 : i32
      %dma_wait3A_147 = tpu.memref_slice %arg15[%add3A_103, %dma_wait3A_146] : memref<10240x128xf32, #tpu.memory_space<vmem_shared>> -> memref<80x128xf32, #tpu.memory_space<vmem_shared>>
      %dma_wait3A_148 = arith.constant 0 : i32
      %dma_wait3A_149 = tpu.memref_slice %arg15[%add3A_103, %dma_wait3A_148] : memref<10240x128xf32, #tpu.memory_space<vmem_shared>> -> memref<80x128xf32, #tpu.memory_space<vmem_shared>>
      tpu.wait_dma2 semaphore(%run_scoped3A : memref<!tpu.dma_semaphore, #tpu.memory_space<semaphore_mem>>) src(%dma_wait3A_149 : memref<80x128xf32, #tpu.memory_space<vmem_shared>>) dst(%arg10 : memref<80x128xf32, #tpu.memory_space<vmem>>)
      tpu.yield
    }) : () -> ()
    %mul3A_104 = arith.constant 10240 : i32
    %mul3A_105 = arith.muli %arg0, %mul3A_104 : i32
    %add3A_106 = arith.addi %mul3A_105, %add3A_103 : i32
    "tpu.region"() ({
      %run_scoped3A = tpu.sem_alloc : memref<!tpu.dma_semaphore, #tpu.memory_space<semaphore_mem>>
      %dma_start3A_142 = arith.constant 0 : i32
      %dma_start3A_143 = tpu.memref_slice %arg6[%add3A_106, %dma_start3A_142] : memref<20480x128xf32, #tpu.memory_space<hbm>> -> memref<80x128xf32, #tpu.memory_space<hbm>>
      %dma_start3A_144 = arith.constant 0 : i32
      %dma_start3A_145 = tpu.memref_slice %arg6[%add3A_106, %dma_start3A_144] : memref<20480x128xf32, #tpu.memory_space<hbm>> -> memref<80x128xf32, #tpu.memory_space<hbm>>
      tpu.enqueue_dma source(%arg10 : memref<80x128xf32, #tpu.memory_space<vmem>>) target(%dma_start3A_145 : memref<80x128xf32, #tpu.memory_space<hbm>>) target_semaphore(%run_scoped3A : memref<!tpu.dma_semaphore, #tpu.memory_space<semaphore_mem>>)
      %dma_wait3A_146 = arith.constant 0 : i32
      %dma_wait3A_147 = tpu.memref_slice %arg6[%add3A_106, %dma_wait3A_146] : memref<20480x128xf32, #tpu.memory_space<hbm>> -> memref<80x128xf32, #tpu.memory_space<hbm>>
      %dma_wait3A_148 = arith.constant 0 : i32
      %dma_wait3A_149 = tpu.memref_slice %arg6[%add3A_106, %dma_wait3A_148] : memref<20480x128xf32, #tpu.memory_space<hbm>> -> memref<80x128xf32, #tpu.memory_space<hbm>>
      tpu.wait_dma2 semaphore(%run_scoped3A : memref<!tpu.dma_semaphore, #tpu.memory_space<semaphore_mem>>) src(%arg10 : memref<80x128xf32, #tpu.memory_space<vmem>>) dst(%dma_wait3A_149 : memref<80x128xf32, #tpu.memory_space<hbm>>)
      tpu.yield
    }) : () -> ()
    %mul3A_107 = arith.constant 640 : i32
    %mul3A_108 = arith.muli %arg1, %mul3A_107 : i32
    %add3A_109 = arith.constant 240 : i32
    %add3A_110 = arith.addi %mul3A_108, %add3A_109 : i32
    "tpu.region"() ({
      %run_scoped3A = tpu.sem_alloc : memref<!tpu.dma_semaphore, #tpu.memory_space<semaphore_mem>>
      %dma_start3A_142 = arith.constant 0 : i32
      %dma_start3A_143 = tpu.memref_slice %arg15[%add3A_110, %dma_start3A_142] : memref<10240x128xf32, #tpu.memory_space<vmem_shared>> -> memref<80x128xf32, #tpu.memory_space<vmem_shared>>
      %dma_start3A_144 = arith.constant 0 : i32
      %dma_start3A_145 = tpu.memref_slice %arg15[%add3A_110, %dma_start3A_144] : memref<10240x128xf32, #tpu.memory_space<vmem_shared>> -> memref<80x128xf32, #tpu.memory_space<vmem_shared>>
      tpu.enqueue_dma source(%dma_start3A_145 : memref<80x128xf32, #tpu.memory_space<vmem_shared>>) target(%arg10 : memref<80x128xf32, #tpu.memory_space<vmem>>) target_semaphore(%run_scoped3A : memref<!tpu.dma_semaphore, #tpu.memory_space<semaphore_mem>>)
      %dma_wait3A_146 = arith.constant 0 : i32
      %dma_wait3A_147 = tpu.memref_slice %arg15[%add3A_110, %dma_wait3A_146] : memref<10240x128xf32, #tpu.memory_space<vmem_shared>> -> memref<80x128xf32, #tpu.memory_space<vmem_shared>>
      %dma_wait3A_148 = arith.constant 0 : i32
      %dma_wait3A_149 = tpu.memref_slice %arg15[%add3A_110, %dma_wait3A_148] : memref<10240x128xf32, #tpu.memory_space<vmem_shared>> -> memref<80x128xf32, #tpu.memory_space<vmem_shared>>
      tpu.wait_dma2 semaphore(%run_scoped3A : memref<!tpu.dma_semaphore, #tpu.memory_space<semaphore_mem>>) src(%dma_wait3A_149 : memref<80x128xf32, #tpu.memory_space<vmem_shared>>) dst(%arg10 : memref<80x128xf32, #tpu.memory_space<vmem>>)
      tpu.yield
    }) : () -> ()
    %mul3A_111 = arith.constant 10240 : i32
    %mul3A_112 = arith.muli %arg0, %mul3A_111 : i32
    %add3A_113 = arith.addi %mul3A_112, %add3A_110 : i32
    "tpu.region"() ({
      %run_scoped3A = tpu.sem_alloc : memref<!tpu.dma_semaphore, #tpu.memory_space<semaphore_mem>>
      %dma_start3A_142 = arith.constant 0 : i32
      %dma_start3A_143 = tpu.memref_slice %arg6[%add3A_113, %dma_start3A_142] : memref<20480x128xf32, #tpu.memory_space<hbm>> -> memref<80x128xf32, #tpu.memory_space<hbm>>
      %dma_start3A_144 = arith.constant 0 : i32
      %dma_start3A_145 = tpu.memref_slice %arg6[%add3A_113, %dma_start3A_144] : memref<20480x128xf32, #tpu.memory_space<hbm>> -> memref<80x128xf32, #tpu.memory_space<hbm>>
      tpu.enqueue_dma source(%arg10 : memref<80x128xf32, #tpu.memory_space<vmem>>) target(%dma_start3A_145 : memref<80x128xf32, #tpu.memory_space<hbm>>) target_semaphore(%run_scoped3A : memref<!tpu.dma_semaphore, #tpu.memory_space<semaphore_mem>>)
      %dma_wait3A_146 = arith.constant 0 : i32
      %dma_wait3A_147 = tpu.memref_slice %arg6[%add3A_113, %dma_wait3A_146] : memref<20480x128xf32, #tpu.memory_space<hbm>> -> memref<80x128xf32, #tpu.memory_space<hbm>>
      %dma_wait3A_148 = arith.constant 0 : i32
      %dma_wait3A_149 = tpu.memref_slice %arg6[%add3A_113, %dma_wait3A_148] : memref<20480x128xf32, #tpu.memory_space<hbm>> -> memref<80x128xf32, #tpu.memory_space<hbm>>
      tpu.wait_dma2 semaphore(%run_scoped3A : memref<!tpu.dma_semaphore, #tpu.memory_space<semaphore_mem>>) src(%arg10 : memref<80x128xf32, #tpu.memory_space<vmem>>) dst(%dma_wait3A_149 : memref<80x128xf32, #tpu.memory_space<hbm>>)
      tpu.yield
    }) : () -> ()
    %mul3A_114 = arith.constant 640 : i32
    %mul3A_115 = arith.muli %arg1, %mul3A_114 : i32
    %add3A_116 = arith.constant 320 : i32
    %add3A_117 = arith.addi %mul3A_115, %add3A_116 : i32
    "tpu.region"() ({
      %run_scoped3A = tpu.sem_alloc : memref<!tpu.dma_semaphore, #tpu.memory_space<semaphore_mem>>
      %dma_start3A_142 = arith.constant 0 : i32
      %dma_start3A_143 = tpu.memref_slice %arg15[%add3A_117, %dma_start3A_142] : memref<10240x128xf32, #tpu.memory_space<vmem_shared>> -> memref<80x128xf32, #tpu.memory_space<vmem_shared>>
      %dma_start3A_144 = arith.constant 0 : i32
      %dma_start3A_145 = tpu.memref_slice %arg15[%add3A_117, %dma_start3A_144] : memref<10240x128xf32, #tpu.memory_space<vmem_shared>> -> memref<80x128xf32, #tpu.memory_space<vmem_shared>>
      tpu.enqueue_dma source(%dma_start3A_145 : memref<80x128xf32, #tpu.memory_space<vmem_shared>>) target(%arg10 : memref<80x128xf32, #tpu.memory_space<vmem>>) target_semaphore(%run_scoped3A : memref<!tpu.dma_semaphore, #tpu.memory_space<semaphore_mem>>)
      %dma_wait3A_146 = arith.constant 0 : i32
      %dma_wait3A_147 = tpu.memref_slice %arg15[%add3A_117, %dma_wait3A_146] : memref<10240x128xf32, #tpu.memory_space<vmem_shared>> -> memref<80x128xf32, #tpu.memory_space<vmem_shared>>
      %dma_wait3A_148 = arith.constant 0 : i32
      %dma_wait3A_149 = tpu.memref_slice %arg15[%add3A_117, %dma_wait3A_148] : memref<10240x128xf32, #tpu.memory_space<vmem_shared>> -> memref<80x128xf32, #tpu.memory_space<vmem_shared>>
      tpu.wait_dma2 semaphore(%run_scoped3A : memref<!tpu.dma_semaphore, #tpu.memory_space<semaphore_mem>>) src(%dma_wait3A_149 : memref<80x128xf32, #tpu.memory_space<vmem_shared>>) dst(%arg10 : memref<80x128xf32, #tpu.memory_space<vmem>>)
      tpu.yield
    }) : () -> ()
    %mul3A_118 = arith.constant 10240 : i32
    %mul3A_119 = arith.muli %arg0, %mul3A_118 : i32
    %add3A_120 = arith.addi %mul3A_119, %add3A_117 : i32
    "tpu.region"() ({
      %run_scoped3A = tpu.sem_alloc : memref<!tpu.dma_semaphore, #tpu.memory_space<semaphore_mem>>
      %dma_start3A_142 = arith.constant 0 : i32
      %dma_start3A_143 = tpu.memref_slice %arg6[%add3A_120, %dma_start3A_142] : memref<20480x128xf32, #tpu.memory_space<hbm>> -> memref<80x128xf32, #tpu.memory_space<hbm>>
      %dma_start3A_144 = arith.constant 0 : i32
      %dma_start3A_145 = tpu.memref_slice %arg6[%add3A_120, %dma_start3A_144] : memref<20480x128xf32, #tpu.memory_space<hbm>> -> memref<80x128xf32, #tpu.memory_space<hbm>>
      tpu.enqueue_dma source(%arg10 : memref<80x128xf32, #tpu.memory_space<vmem>>) target(%dma_start3A_145 : memref<80x128xf32, #tpu.memory_space<hbm>>) target_semaphore(%run_scoped3A : memref<!tpu.dma_semaphore, #tpu.memory_space<semaphore_mem>>)
      %dma_wait3A_146 = arith.constant 0 : i32
      %dma_wait3A_147 = tpu.memref_slice %arg6[%add3A_120, %dma_wait3A_146] : memref<20480x128xf32, #tpu.memory_space<hbm>> -> memref<80x128xf32, #tpu.memory_space<hbm>>
      %dma_wait3A_148 = arith.constant 0 : i32
      %dma_wait3A_149 = tpu.memref_slice %arg6[%add3A_120, %dma_wait3A_148] : memref<20480x128xf32, #tpu.memory_space<hbm>> -> memref<80x128xf32, #tpu.memory_space<hbm>>
      tpu.wait_dma2 semaphore(%run_scoped3A : memref<!tpu.dma_semaphore, #tpu.memory_space<semaphore_mem>>) src(%arg10 : memref<80x128xf32, #tpu.memory_space<vmem>>) dst(%dma_wait3A_149 : memref<80x128xf32, #tpu.memory_space<hbm>>)
      tpu.yield
    }) : () -> ()
    %mul3A_121 = arith.constant 640 : i32
    %mul3A_122 = arith.muli %arg1, %mul3A_121 : i32
    %add3A_123 = arith.constant 400 : i32
    %add3A_124 = arith.addi %mul3A_122, %add3A_123 : i32
    "tpu.region"() ({
      %run_scoped3A = tpu.sem_alloc : memref<!tpu.dma_semaphore, #tpu.memory_space<semaphore_mem>>
      %dma_start3A_142 = arith.constant 0 : i32
      %dma_start3A_143 = tpu.memref_slice %arg15[%add3A_124, %dma_start3A_142] : memref<10240x128xf32, #tpu.memory_space<vmem_shared>> -> memref<80x128xf32, #tpu.memory_space<vmem_shared>>
      %dma_start3A_144 = arith.constant 0 : i32
      %dma_start3A_145 = tpu.memref_slice %arg15[%add3A_124, %dma_start3A_144] : memref<10240x128xf32, #tpu.memory_space<vmem_shared>> -> memref<80x128xf32, #tpu.memory_space<vmem_shared>>
      tpu.enqueue_dma source(%dma_start3A_145 : memref<80x128xf32, #tpu.memory_space<vmem_shared>>) target(%arg10 : memref<80x128xf32, #tpu.memory_space<vmem>>) target_semaphore(%run_scoped3A : memref<!tpu.dma_semaphore, #tpu.memory_space<semaphore_mem>>)
      %dma_wait3A_146 = arith.constant 0 : i32
      %dma_wait3A_147 = tpu.memref_slice %arg15[%add3A_124, %dma_wait3A_146] : memref<10240x128xf32, #tpu.memory_space<vmem_shared>> -> memref<80x128xf32, #tpu.memory_space<vmem_shared>>
      %dma_wait3A_148 = arith.constant 0 : i32
      %dma_wait3A_149 = tpu.memref_slice %arg15[%add3A_124, %dma_wait3A_148] : memref<10240x128xf32, #tpu.memory_space<vmem_shared>> -> memref<80x128xf32, #tpu.memory_space<vmem_shared>>
      tpu.wait_dma2 semaphore(%run_scoped3A : memref<!tpu.dma_semaphore, #tpu.memory_space<semaphore_mem>>) src(%dma_wait3A_149 : memref<80x128xf32, #tpu.memory_space<vmem_shared>>) dst(%arg10 : memref<80x128xf32, #tpu.memory_space<vmem>>)
      tpu.yield
    }) : () -> ()
    %mul3A_125 = arith.constant 10240 : i32
    %mul3A_126 = arith.muli %arg0, %mul3A_125 : i32
    %add3A_127 = arith.addi %mul3A_126, %add3A_124 : i32
    "tpu.region"() ({
      %run_scoped3A = tpu.sem_alloc : memref<!tpu.dma_semaphore, #tpu.memory_space<semaphore_mem>>
      %dma_start3A_142 = arith.constant 0 : i32
      %dma_start3A_143 = tpu.memref_slice %arg6[%add3A_127, %dma_start3A_142] : memref<20480x128xf32, #tpu.memory_space<hbm>> -> memref<80x128xf32, #tpu.memory_space<hbm>>
      %dma_start3A_144 = arith.constant 0 : i32
      %dma_start3A_145 = tpu.memref_slice %arg6[%add3A_127, %dma_start3A_144] : memref<20480x128xf32, #tpu.memory_space<hbm>> -> memref<80x128xf32, #tpu.memory_space<hbm>>
      tpu.enqueue_dma source(%arg10 : memref<80x128xf32, #tpu.memory_space<vmem>>) target(%dma_start3A_145 : memref<80x128xf32, #tpu.memory_space<hbm>>) target_semaphore(%run_scoped3A : memref<!tpu.dma_semaphore, #tpu.memory_space<semaphore_mem>>)
      %dma_wait3A_146 = arith.constant 0 : i32
      %dma_wait3A_147 = tpu.memref_slice %arg6[%add3A_127, %dma_wait3A_146] : memref<20480x128xf32, #tpu.memory_space<hbm>> -> memref<80x128xf32, #tpu.memory_space<hbm>>
      %dma_wait3A_148 = arith.constant 0 : i32
      %dma_wait3A_149 = tpu.memref_slice %arg6[%add3A_127, %dma_wait3A_148] : memref<20480x128xf32, #tpu.memory_space<hbm>> -> memref<80x128xf32, #tpu.memory_space<hbm>>
      tpu.wait_dma2 semaphore(%run_scoped3A : memref<!tpu.dma_semaphore, #tpu.memory_space<semaphore_mem>>) src(%arg10 : memref<80x128xf32, #tpu.memory_space<vmem>>) dst(%dma_wait3A_149 : memref<80x128xf32, #tpu.memory_space<hbm>>)
      tpu.yield
    }) : () -> ()
    %mul3A_128 = arith.constant 640 : i32
    %mul3A_129 = arith.muli %arg1, %mul3A_128 : i32
    %add3A_130 = arith.constant 480 : i32
    %add3A_131 = arith.addi %mul3A_129, %add3A_130 : i32
    "tpu.region"() ({
      %run_scoped3A = tpu.sem_alloc : memref<!tpu.dma_semaphore, #tpu.memory_space<semaphore_mem>>
      %dma_start3A_142 = arith.constant 0 : i32
      %dma_start3A_143 = tpu.memref_slice %arg15[%add3A_131, %dma_start3A_142] : memref<10240x128xf32, #tpu.memory_space<vmem_shared>> -> memref<80x128xf32, #tpu.memory_space<vmem_shared>>
      %dma_start3A_144 = arith.constant 0 : i32
      %dma_start3A_145 = tpu.memref_slice %arg15[%add3A_131, %dma_start3A_144] : memref<10240x128xf32, #tpu.memory_space<vmem_shared>> -> memref<80x128xf32, #tpu.memory_space<vmem_shared>>
      tpu.enqueue_dma source(%dma_start3A_145 : memref<80x128xf32, #tpu.memory_space<vmem_shared>>) target(%arg10 : memref<80x128xf32, #tpu.memory_space<vmem>>) target_semaphore(%run_scoped3A : memref<!tpu.dma_semaphore, #tpu.memory_space<semaphore_mem>>)
      %dma_wait3A_146 = arith.constant 0 : i32
      %dma_wait3A_147 = tpu.memref_slice %arg15[%add3A_131, %dma_wait3A_146] : memref<10240x128xf32, #tpu.memory_space<vmem_shared>> -> memref<80x128xf32, #tpu.memory_space<vmem_shared>>
      %dma_wait3A_148 = arith.constant 0 : i32
      %dma_wait3A_149 = tpu.memref_slice %arg15[%add3A_131, %dma_wait3A_148] : memref<10240x128xf32, #tpu.memory_space<vmem_shared>> -> memref<80x128xf32, #tpu.memory_space<vmem_shared>>
      tpu.wait_dma2 semaphore(%run_scoped3A : memref<!tpu.dma_semaphore, #tpu.memory_space<semaphore_mem>>) src(%dma_wait3A_149 : memref<80x128xf32, #tpu.memory_space<vmem_shared>>) dst(%arg10 : memref<80x128xf32, #tpu.memory_space<vmem>>)
      tpu.yield
    }) : () -> ()
    %mul3A_132 = arith.constant 10240 : i32
    %mul3A_133 = arith.muli %arg0, %mul3A_132 : i32
    %add3A_134 = arith.addi %mul3A_133, %add3A_131 : i32
    "tpu.region"() ({
      %run_scoped3A = tpu.sem_alloc : memref<!tpu.dma_semaphore, #tpu.memory_space<semaphore_mem>>
      %dma_start3A_142 = arith.constant 0 : i32
      %dma_start3A_143 = tpu.memref_slice %arg6[%add3A_134, %dma_start3A_142] : memref<20480x128xf32, #tpu.memory_space<hbm>> -> memref<80x128xf32, #tpu.memory_space<hbm>>
      %dma_start3A_144 = arith.constant 0 : i32
      %dma_start3A_145 = tpu.memref_slice %arg6[%add3A_134, %dma_start3A_144] : memref<20480x128xf32, #tpu.memory_space<hbm>> -> memref<80x128xf32, #tpu.memory_space<hbm>>
      tpu.enqueue_dma source(%arg10 : memref<80x128xf32, #tpu.memory_space<vmem>>) target(%dma_start3A_145 : memref<80x128xf32, #tpu.memory_space<hbm>>) target_semaphore(%run_scoped3A : memref<!tpu.dma_semaphore, #tpu.memory_space<semaphore_mem>>)
      %dma_wait3A_146 = arith.constant 0 : i32
      %dma_wait3A_147 = tpu.memref_slice %arg6[%add3A_134, %dma_wait3A_146] : memref<20480x128xf32, #tpu.memory_space<hbm>> -> memref<80x128xf32, #tpu.memory_space<hbm>>
      %dma_wait3A_148 = arith.constant 0 : i32
      %dma_wait3A_149 = tpu.memref_slice %arg6[%add3A_134, %dma_wait3A_148] : memref<20480x128xf32, #tpu.memory_space<hbm>> -> memref<80x128xf32, #tpu.memory_space<hbm>>
      tpu.wait_dma2 semaphore(%run_scoped3A : memref<!tpu.dma_semaphore, #tpu.memory_space<semaphore_mem>>) src(%arg10 : memref<80x128xf32, #tpu.memory_space<vmem>>) dst(%dma_wait3A_149 : memref<80x128xf32, #tpu.memory_space<hbm>>)
      tpu.yield
    }) : () -> ()
    %mul3A_135 = arith.constant 640 : i32
    %mul3A_136 = arith.muli %arg1, %mul3A_135 : i32
    %add3A_137 = arith.constant 560 : i32
    %add3A_138 = arith.addi %mul3A_136, %add3A_137 : i32
    "tpu.region"() ({
      %run_scoped3A = tpu.sem_alloc : memref<!tpu.dma_semaphore, #tpu.memory_space<semaphore_mem>>
      %dma_start3A_142 = arith.constant 0 : i32
      %dma_start3A_143 = tpu.memref_slice %arg15[%add3A_138, %dma_start3A_142] : memref<10240x128xf32, #tpu.memory_space<vmem_shared>> -> memref<80x128xf32, #tpu.memory_space<vmem_shared>>
      %dma_start3A_144 = arith.constant 0 : i32
      %dma_start3A_145 = tpu.memref_slice %arg15[%add3A_138, %dma_start3A_144] : memref<10240x128xf32, #tpu.memory_space<vmem_shared>> -> memref<80x128xf32, #tpu.memory_space<vmem_shared>>
      tpu.enqueue_dma source(%dma_start3A_145 : memref<80x128xf32, #tpu.memory_space<vmem_shared>>) target(%arg10 : memref<80x128xf32, #tpu.memory_space<vmem>>) target_semaphore(%run_scoped3A : memref<!tpu.dma_semaphore, #tpu.memory_space<semaphore_mem>>)
      %dma_wait3A_146 = arith.constant 0 : i32
      %dma_wait3A_147 = tpu.memref_slice %arg15[%add3A_138, %dma_wait3A_146] : memref<10240x128xf32, #tpu.memory_space<vmem_shared>> -> memref<80x128xf32, #tpu.memory_space<vmem_shared>>
      %dma_wait3A_148 = arith.constant 0 : i32
      %dma_wait3A_149 = tpu.memref_slice %arg15[%add3A_138, %dma_wait3A_148] : memref<10240x128xf32, #tpu.memory_space<vmem_shared>> -> memref<80x128xf32, #tpu.memory_space<vmem_shared>>
      tpu.wait_dma2 semaphore(%run_scoped3A : memref<!tpu.dma_semaphore, #tpu.memory_space<semaphore_mem>>) src(%dma_wait3A_149 : memref<80x128xf32, #tpu.memory_space<vmem_shared>>) dst(%arg10 : memref<80x128xf32, #tpu.memory_space<vmem>>)
      tpu.yield
    }) : () -> ()
    %mul3A_139 = arith.constant 10240 : i32
    %mul3A_140 = arith.muli %arg0, %mul3A_139 : i32
    %add3A_141 = arith.addi %mul3A_140, %add3A_138 : i32
    "tpu.region"() ({
      %run_scoped3A = tpu.sem_alloc : memref<!tpu.dma_semaphore, #tpu.memory_space<semaphore_mem>>
      %dma_start3A_142 = arith.constant 0 : i32
      %dma_start3A_143 = tpu.memref_slice %arg6[%add3A_141, %dma_start3A_142] : memref<20480x128xf32, #tpu.memory_space<hbm>> -> memref<80x128xf32, #tpu.memory_space<hbm>>
      %dma_start3A_144 = arith.constant 0 : i32
      %dma_start3A_145 = tpu.memref_slice %arg6[%add3A_141, %dma_start3A_144] : memref<20480x128xf32, #tpu.memory_space<hbm>> -> memref<80x128xf32, #tpu.memory_space<hbm>>
      tpu.enqueue_dma source(%arg10 : memref<80x128xf32, #tpu.memory_space<vmem>>) target(%dma_start3A_145 : memref<80x128xf32, #tpu.memory_space<hbm>>) target_semaphore(%run_scoped3A : memref<!tpu.dma_semaphore, #tpu.memory_space<semaphore_mem>>)
      %dma_wait3A_146 = arith.constant 0 : i32
      %dma_wait3A_147 = tpu.memref_slice %arg6[%add3A_141, %dma_wait3A_146] : memref<20480x128xf32, #tpu.memory_space<hbm>> -> memref<80x128xf32, #tpu.memory_space<hbm>>
      %dma_wait3A_148 = arith.constant 0 : i32
      %dma_wait3A_149 = tpu.memref_slice %arg6[%add3A_141, %dma_wait3A_148] : memref<20480x128xf32, #tpu.memory_space<hbm>> -> memref<80x128xf32, #tpu.memory_space<hbm>>
      tpu.wait_dma2 semaphore(%run_scoped3A : memref<!tpu.dma_semaphore, #tpu.memory_space<semaphore_mem>>) src(%arg10 : memref<80x128xf32, #tpu.memory_space<vmem>>) dst(%dma_wait3A_149 : memref<80x128xf32, #tpu.memory_space<hbm>>)
      tpu.yield
    }) : () -> ()
    return
  }
}

module attributes {stable_mosaic.version = 14 : i64} {
  func.func @_f1_body(%arg0: i32, %arg1: memref<12x12800xf32, #tpu.memory_space<vmem>>, %arg2: memref<128x12xf32, #tpu.memory_space<vmem>>, %arg3: memref<12800x128xf32, #tpu.memory_space<vmem>>) attributes {dimension_semantics = [#tpu.dimension_semantics<arbitrary>], iteration_bounds = array<i64: 25>, scalar_prefetch = 0 : i64, scratch_operands = 0 : i64, tpu.core_type = #tpu.core_type<tc>, window_params = [{transform_indices = @transform_0, window_bounds = array<i64: 12, 12800>}, {pipeline_mode = #tpu.pipeline_mode<synchronous>, transform_indices = @transform_1, window_bounds = array<i64: 128, 12>}, {transform_indices = @transform_2, window_bounds = array<i64: 12800, 128>}]} {
    %get3A = arith.constant 0 : index
    %get3A_0 = arith.constant 0 : index
    %get3A_1 = vector.load %arg1[%get3A, %get3A_0] : memref<12x12800xf32, #tpu.memory_space<vmem>>, vector<12x12800xf32>
    %get3A_2 = arith.constant 0 : index
    %get3A_3 = arith.constant 0 : index
    %get3A_4 = vector.load %arg2[%get3A_2, %get3A_3] : memref<128x12xf32, #tpu.memory_space<vmem>>, vector<128x12xf32>
    %dot_general3A = arith.constant dense<0.000000e+00> : vector<12800x128xf32>
    %dot_general3A_5 = tpu.matmul %get3A_1, %get3A_4, %dot_general3A {dimension_numbers = #tpu.dot_dimension_numbers<[0], [1], [1], [0], [0, 1, 1, 0], [], []>, transpose_lhs_hint = false} : vector<12x12800xf32>, vector<128x12xf32>, vector<12800x128xf32> -> vector<12800x128xf32>
    %swap3A = arith.constant 0 : index
    %swap3A_6 = arith.constant 0 : index
    %swap3A_7 = vector.load %arg3[%swap3A, %swap3A_6] : memref<12800x128xf32, #tpu.memory_space<vmem>>, vector<12800x128xf32>
    tpu.vector_store %arg3[%swap3A, %swap3A_6], %dot_general3A_5 {strides = array<i32>} : memref<12800x128xf32, #tpu.memory_space<vmem>>, vector<12800x128xf32>,
    return
  }
  func.func @transform_0(%arg0: i32) -> (i32, i32) {
    %c0_i32 = arith.constant 0 : i32
    %c0_i32_0 = arith.constant 0 : i32
    return %c0_i32, %arg0 : i32, i32
  }
  func.func @transform_1(%arg0: i32) -> (i32, i32) {
    %c0_i32 = arith.constant 0 : i32
    %c0_i32_0 = arith.constant 0 : i32
    %c0_i32_1 = arith.constant 0 : i32
    return %c0_i32, %c0_i32_0 : i32, i32
  }
  func.func @transform_2(%arg0: i32) -> (i32, i32) {
    %c0_i32 = arith.constant 0 : i32
    %c0_i32_0 = arith.constant 0 : i32
    return %arg0, %c0_i32 : i32, i32
  }
}

module attributes {stable_mosaic.version = 14 : i64} {
  func.func @_pre_body(%arg0: memref<10000x128xf32, #tpu.memory_space<vmem>>, %arg1: memref<128x128xf32, #tpu.memory_space<vmem>>, %arg2: memref<1x128xf32, #tpu.memory_space<vmem>>, %arg3: memref<128x128xf32, #tpu.memory_space<vmem>>, %arg4: memref<128x12xf32, #tpu.memory_space<vmem>>, %arg5: memref<10000x128xf32, #tpu.memory_space<vmem>>, %arg6: memref<128x12xf32, #tpu.memory_space<vmem>>) attributes {dimension_semantics = [], scalar_prefetch = 0 : i64, scratch_operands = 0 : i64, tpu.core_type = #tpu.core_type<tc>} {
    %get3A = arith.constant 0 : index
    %get3A_0 = arith.constant 0 : index
    %get3A_1 = vector.load %arg0[%get3A, %get3A_0] : memref<10000x128xf32, #tpu.memory_space<vmem>>, vector<10000x128xf32>
    %get3A_2 = arith.constant 0 : index
    %get3A_3 = arith.constant 0 : index
    %get3A_4 = vector.load %arg1[%get3A_2, %get3A_3] : memref<128x128xf32, #tpu.memory_space<vmem>>, vector<128x128xf32>
    %dot_general3A = arith.constant dense<0.000000e+00> : vector<10000x128xf32>
    %dot_general3A_5 = tpu.matmul %get3A_1, %get3A_4, %dot_general3A {dimension_numbers = #tpu.dot_dimension_numbers<[1], [1], [0], [0], [0, 0, 1, 0], [], []>, transpose_lhs_hint = false} : vector<10000x128xf32>, vector<128x128xf32>, vector<10000x128xf32> -> vector<10000x128xf32>
    %get3A_6 = arith.constant 0 : index
    %get3A_7 = arith.constant 0 : index
    %get3A_8 = vector.load %arg2[%get3A_6, %get3A_7] : memref<1x128xf32, #tpu.memory_space<vmem>>, vector<1x128xf32>
    %add3A = vector.broadcast %get3A_8 : vector<1x128xf32> to vector<10000x128xf32>
    %add3A_9 = arith.addf %dot_general3A_5, %add3A : vector<10000x128xf32>
    %logistic3A = arith.negf %add3A_9 : vector<10000x128xf32>
    %logistic3A_10 = math.exp %logistic3A : vector<10000x128xf32>
    %logistic3A_11 = arith.constant 1.000000e+00 : f32
    %logistic3A_12 = vector.broadcast %logistic3A_11 : f32 to vector<10000x128xf32>
    %logistic3A_13 = arith.addf %logistic3A_12, %logistic3A_10 : vector<10000x128xf32>
    %logistic3A_14 = arith.divf %logistic3A_12, %logistic3A_13 : vector<10000x128xf32>
    %mul3A = arith.mulf %add3A_9, %logistic3A_14 : vector<10000x128xf32>
    %swap3A = arith.constant 0 : index
    %swap3A_15 = arith.constant 0 : index
    %swap3A_16 = vector.load %arg5[%swap3A, %swap3A_15] : memref<10000x128xf32, #tpu.memory_space<vmem>>, vector<10000x128xf32>
    tpu.vector_store %arg5[%swap3A, %swap3A_15], %mul3A {strides = array<i32>} : memref<10000x128xf32, #tpu.memory_space<vmem>>, vector<10000x128xf32>,
    %get3A_17 = arith.constant 0 : index
    %get3A_18 = arith.constant 0 : index
    %get3A_19 = vector.load %arg3[%get3A_17, %get3A_18] : memref<128x128xf32, #tpu.memory_space<vmem>>, vector<128x128xf32>
    %get3A_20 = arith.constant 0 : index
    %get3A_21 = arith.constant 0 : index
    %get3A_22 = vector.load %arg4[%get3A_20, %get3A_21] : memref<128x12xf32, #tpu.memory_space<vmem>>, vector<128x12xf32>
    %dot_general3A_23 = arith.constant dense<0.000000e+00> : vector<128x12xf32>
    %dot_general3A_24 = tpu.matmul %get3A_19, %get3A_22, %dot_general3A_23 {dimension_numbers = #tpu.dot_dimension_numbers<[1], [0], [0], [1], [0, 0, 1, 1], [], []>, transpose_lhs_hint = false} : vector<128x128xf32>, vector<128x12xf32>, vector<128x12xf32> -> vector<128x12xf32>
    %swap3A_25 = arith.constant 0 : index
    %swap3A_26 = arith.constant 0 : index
    %swap3A_27 = vector.load %arg6[%swap3A_25, %swap3A_26] : memref<128x12xf32, #tpu.memory_space<vmem>>, vector<128x12xf32>
    tpu.vector_store %arg6[%swap3A_25, %swap3A_26], %dot_general3A_24 {strides = array<i32>} : memref<128x12xf32, #tpu.memory_space<vmem>>, vector<128x12xf32>,
    return
  }
}

module attributes {stable_mosaic.version = 14 : i64} {
  func.func @_post_body(%arg0: memref<20480x128xf32, #tpu.memory_space<vmem>>, %arg1: memref<10000x128xf32, #tpu.memory_space<vmem>>, %arg2: memref<1x10000xi32, #tpu.memory_space<vmem>>, %arg3: memref<128x128xf32, #tpu.memory_space<vmem>>, %arg4: memref<128x128xf32, #tpu.memory_space<vmem>>, %arg5: memref<1x128xf32, #tpu.memory_space<vmem>>, %arg6: memref<128x128xf32, #tpu.memory_space<vmem>>, %arg7: memref<1x128xf32, #tpu.memory_space<vmem>>, %arg8: memref<3x128x128xf32, #tpu.memory_space<vmem>>, %arg9: memref<3x1x128xf32, #tpu.memory_space<vmem>>, %arg10: memref<1x128xf32, #tpu.memory_space<vmem>>, %arg11: memref<1x128xf32, #tpu.memory_space<vmem>>, %arg12: memref<1x128xf32, #tpu.memory_space<vmem>>, %arg13: memref<128x128xf32, #tpu.memory_space<vmem>>, %arg14: memref<1x128xf32, #tpu.memory_space<vmem>>, %arg15: memref<10000x128xf32, #tpu.memory_space<vmem>>) attributes {dimension_semantics = [], scalar_prefetch = 0 : i64, scratch_operands = 0 : i64, tpu.core_type = #tpu.core_type<tc>} {
    %get3A = arith.constant 0 : index
    %get3A_0 = arith.constant 0 : index
    %get3A_1 = vector.load %arg1[%get3A, %get3A_0] : memref<10000x128xf32, #tpu.memory_space<vmem>>, vector<10000x128xf32>
    %get3A_2 = arith.constant 0 : index
    %get3A_3 = arith.constant 0 : index
    %get3A_4 = vector.load %arg0[%get3A_2, %get3A_3] : memref<20480x128xf32, #tpu.memory_space<vmem>>, vector<20480x128xf32>
    %slice3A = vector.extract_strided_slice %get3A_4 {offsets = [0, 0], sizes = [10000, 128], strides = [1, 1]} : vector<20480x128xf32> to vector<10000x128xf32>
    %slice3A_5 = vector.extract_strided_slice %get3A_4 {offsets = [10240, 0], sizes = [10000, 128], strides = [1, 1]} : vector<20480x128xf32> to vector<10000x128xf32>
    %add3A = arith.addf %slice3A, %slice3A_5 : vector<10000x128xf32>
    %get3A_6 = arith.constant 0 : index
    %get3A_7 = arith.constant 0 : index
    %get3A_8 = vector.load %arg3[%get3A_6, %get3A_7] : memref<128x128xf32, #tpu.memory_space<vmem>>, vector<128x128xf32>
    %dot_general3A = arith.constant dense<0.000000e+00> : vector<10000x128xf32>
    %dot_general3A_9 = tpu.matmul %add3A, %get3A_8, %dot_general3A {dimension_numbers = #tpu.dot_dimension_numbers<[1], [1], [0], [0], [0, 0, 1, 0], [], []>, transpose_lhs_hint = false} : vector<10000x128xf32>, vector<128x128xf32>, vector<10000x128xf32> -> vector<10000x128xf32>
    %get3A_10 = arith.constant 0 : index
    %get3A_11 = arith.constant 0 : index
    %get3A_12 = vector.load %arg4[%get3A_10, %get3A_11] : memref<128x128xf32, #tpu.memory_space<vmem>>, vector<128x128xf32>
    %dot_general3A_13 = arith.constant dense<0.000000e+00> : vector<10000x128xf32>
    %dot_general3A_14 = tpu.matmul %get3A_1, %get3A_12, %dot_general3A_13 {dimension_numbers = #tpu.dot_dimension_numbers<[1], [1], [0], [0], [0, 0, 1, 0], [], []>, transpose_lhs_hint = false} : vector<10000x128xf32>, vector<128x128xf32>, vector<10000x128xf32> -> vector<10000x128xf32>
    %add3A_15 = arith.addf %dot_general3A_9, %dot_general3A_14 : vector<10000x128xf32>
    %get3A_16 = arith.constant 0 : index
    %get3A_17 = arith.constant 0 : index
    %get3A_18 = vector.load %arg5[%get3A_16, %get3A_17] : memref<1x128xf32, #tpu.memory_space<vmem>>, vector<1x128xf32>
    %add3A_19 = vector.broadcast %get3A_18 : vector<1x128xf32> to vector<10000x128xf32>
    %add3A_20 = arith.addf %add3A_15, %add3A_19 : vector<10000x128xf32>
    %get3A_21 = arith.constant 0 : index
    %get3A_22 = arith.constant 0 : index
    %get3A_23 = vector.load %arg6[%get3A_21, %get3A_22] : memref<128x128xf32, #tpu.memory_space<vmem>>, vector<128x128xf32>
    %dot_general3A_24 = arith.constant dense<0.000000e+00> : vector<10000x128xf32>
    %dot_general3A_25 = tpu.matmul %add3A_20, %get3A_23, %dot_general3A_24 {dimension_numbers = #tpu.dot_dimension_numbers<[1], [1], [0], [0], [0, 0, 1, 0], [], []>, transpose_lhs_hint = false} : vector<10000x128xf32>, vector<128x128xf32>, vector<10000x128xf32> -> vector<10000x128xf32>
    %get3A_26 = arith.constant 0 : index
    %get3A_27 = arith.constant 0 : index
    %get3A_28 = vector.load %arg7[%get3A_26, %get3A_27] : memref<1x128xf32, #tpu.memory_space<vmem>>, vector<1x128xf32>
    %add3A_29 = vector.broadcast %get3A_28 : vector<1x128xf32> to vector<10000x128xf32>
    %add3A_30 = arith.addf %dot_general3A_25, %add3A_29 : vector<10000x128xf32>
    %logistic3A = arith.negf %add3A_30 : vector<10000x128xf32>
    %logistic3A_31 = math.exp %logistic3A : vector<10000x128xf32>
    %logistic3A_32 = arith.constant 1.000000e+00 : f32
    %logistic3A_33 = vector.broadcast %logistic3A_32 : f32 to vector<10000x128xf32>
    %logistic3A_34 = arith.addf %logistic3A_33, %logistic3A_31 : vector<10000x128xf32>
    %logistic3A_35 = arith.divf %logistic3A_33, %logistic3A_34 : vector<10000x128xf32>
    %mul3A = arith.mulf %add3A_30, %logistic3A_35 : vector<10000x128xf32>
    %add3A_36 = arith.addf %mul3A, %get3A_1 : vector<10000x128xf32>
    %get3A_37 = arith.constant 0 : index
    %get3A_38 = arith.constant 0 : index
    %get3A_39 = arith.constant 0 : index
    %get3A_40 = vector.load %arg8[%get3A_37, %get3A_38, %get3A_39] : memref<3x128x128xf32, #tpu.memory_space<vmem>>, vector<1x128x128xf32>
    %get3A_41 = vector.shape_cast %get3A_40 : vector<1x128x128xf32> to vector<128x128xf32>
    %dot_general3A_42 = arith.constant dense<0.000000e+00> : vector<10000x128xf32>
    %dot_general3A_43 = tpu.matmul %add3A_36, %get3A_41, %dot_general3A_42 {dimension_numbers = #tpu.dot_dimension_numbers<[1], [1], [0], [0], [0, 0, 1, 0], [], []>, transpose_lhs_hint = false} : vector<10000x128xf32>, vector<128x128xf32>, vector<10000x128xf32> -> vector<10000x128xf32>
    %get3A_44 = arith.constant 0 : index
    %get3A_45 = arith.constant 0 : index
    %get3A_46 = arith.constant 0 : index
    %get3A_47 = vector.load %arg9[%get3A_44, %get3A_45, %get3A_46] : memref<3x1x128xf32, #tpu.memory_space<vmem>>, vector<1x1x128xf32>
    %get3A_48 = vector.shape_cast %get3A_47 : vector<1x1x128xf32> to vector<1x128xf32>
    %add3A_49 = vector.broadcast %get3A_48 : vector<1x128xf32> to vector<10000x128xf32>
    %add3A_50 = arith.addf %dot_general3A_43, %add3A_49 : vector<10000x128xf32>
    %logistic3A_51 = arith.negf %add3A_50 : vector<10000x128xf32>
    %logistic3A_52 = math.exp %logistic3A_51 : vector<10000x128xf32>
    %logistic3A_53 = arith.constant 1.000000e+00 : f32
    %logistic3A_54 = vector.broadcast %logistic3A_53 : f32 to vector<10000x128xf32>
    %logistic3A_55 = arith.addf %logistic3A_54, %logistic3A_52 : vector<10000x128xf32>
    %logistic3A_56 = arith.divf %logistic3A_54, %logistic3A_55 : vector<10000x128xf32>
    %mul3A_57 = arith.mulf %add3A_50, %logistic3A_56 : vector<10000x128xf32>
    %add3A_58 = arith.addf %mul3A_57, %add3A_36 : vector<10000x128xf32>
    %get3A_59 = arith.constant 1 : index
    %get3A_60 = arith.constant 0 : index
    %get3A_61 = arith.constant 0 : index
    %get3A_62 = vector.load %arg8[%get3A_59, %get3A_60, %get3A_61] : memref<3x128x128xf32, #tpu.memory_space<vmem>>, vector<1x128x128xf32>
    %get3A_63 = vector.shape_cast %get3A_62 : vector<1x128x128xf32> to vector<128x128xf32>
    %dot_general3A_64 = arith.constant dense<0.000000e+00> : vector<10000x128xf32>
    %dot_general3A_65 = tpu.matmul %add3A_58, %get3A_63, %dot_general3A_64 {dimension_numbers = #tpu.dot_dimension_numbers<[1], [1], [0], [0], [0, 0, 1, 0], [], []>, transpose_lhs_hint = false} : vector<10000x128xf32>, vector<128x128xf32>, vector<10000x128xf32> -> vector<10000x128xf32>
    %get3A_66 = arith.constant 1 : index
    %get3A_67 = arith.constant 0 : index
    %get3A_68 = arith.constant 0 : index
    %get3A_69 = vector.load %arg9[%get3A_66, %get3A_67, %get3A_68] : memref<3x1x128xf32, #tpu.memory_space<vmem>>, vector<1x1x128xf32>
    %get3A_70 = vector.shape_cast %get3A_69 : vector<1x1x128xf32> to vector<1x128xf32>
    %add3A_71 = vector.broadcast %get3A_70 : vector<1x128xf32> to vector<10000x128xf32>
    %add3A_72 = arith.addf %dot_general3A_65, %add3A_71 : vector<10000x128xf32>
    %logistic3A_73 = arith.negf %add3A_72 : vector<10000x128xf32>
    %logistic3A_74 = math.exp %logistic3A_73 : vector<10000x128xf32>
    %logistic3A_75 = arith.constant 1.000000e+00 : f32
    %logistic3A_76 = vector.broadcast %logistic3A_75 : f32 to vector<10000x128xf32>
    %logistic3A_77 = arith.addf %logistic3A_76, %logistic3A_74 : vector<10000x128xf32>
    %logistic3A_78 = arith.divf %logistic3A_76, %logistic3A_77 : vector<10000x128xf32>
    %mul3A_79 = arith.mulf %add3A_72, %logistic3A_78 : vector<10000x128xf32>
    %add3A_80 = arith.addf %mul3A_79, %add3A_58 : vector<10000x128xf32>
    %get3A_81 = arith.constant 2 : index
    %get3A_82 = arith.constant 0 : index
    %get3A_83 = arith.constant 0 : index
    %get3A_84 = vector.load %arg8[%get3A_81, %get3A_82, %get3A_83] : memref<3x128x128xf32, #tpu.memory_space<vmem>>, vector<1x128x128xf32>
    %get3A_85 = vector.shape_cast %get3A_84 : vector<1x128x128xf32> to vector<128x128xf32>
    %dot_general3A_86 = arith.constant dense<0.000000e+00> : vector<10000x128xf32>
    %dot_general3A_87 = tpu.matmul %add3A_80, %get3A_85, %dot_general3A_86 {dimension_numbers = #tpu.dot_dimension_numbers<[1], [1], [0], [0], [0, 0, 1, 0], [], []>, transpose_lhs_hint = false} : vector<10000x128xf32>, vector<128x128xf32>, vector<10000x128xf32> -> vector<10000x128xf32>
    %get3A_88 = arith.constant 2 : index
    %get3A_89 = arith.constant 0 : index
    %get3A_90 = arith.constant 0 : index
    %get3A_91 = vector.load %arg9[%get3A_88, %get3A_89, %get3A_90] : memref<3x1x128xf32, #tpu.memory_space<vmem>>, vector<1x1x128xf32>
    %get3A_92 = vector.shape_cast %get3A_91 : vector<1x1x128xf32> to vector<1x128xf32>
    %add3A_93 = vector.broadcast %get3A_92 : vector<1x128xf32> to vector<10000x128xf32>
    %add3A_94 = arith.addf %dot_general3A_87, %add3A_93 : vector<10000x128xf32>
    %logistic3A_95 = arith.negf %add3A_94 : vector<10000x128xf32>
    %logistic3A_96 = math.exp %logistic3A_95 : vector<10000x128xf32>
    %logistic3A_97 = arith.constant 1.000000e+00 : f32
    %logistic3A_98 = vector.broadcast %logistic3A_97 : f32 to vector<10000x128xf32>
    %logistic3A_99 = arith.addf %logistic3A_98, %logistic3A_96 : vector<10000x128xf32>
    %logistic3A_100 = arith.divf %logistic3A_98, %logistic3A_99 : vector<10000x128xf32>
    %mul3A_101 = arith.mulf %add3A_94, %logistic3A_100 : vector<10000x128xf32>
    %add3A_102 = arith.addf %mul3A_101, %add3A_80 : vector<10000x128xf32>
    %get3A_103 = arith.constant 0 : index
    %get3A_104 = arith.constant 0 : index
    %get3A_105 = vector.load %arg2[%get3A_103, %get3A_104] : memref<1x10000xi32, #tpu.memory_space<vmem>>, vector<1x10000xi32>
    %iota3A = tpu.iota {dimensions = array<i32: 0>} : vector<64x10000xi32>
    %eq3A = vector.broadcast %get3A_105 : vector<1x10000xi32> to vector<64x10000xi32>
    %eq3A_106 = arith.cmpi eq, %eq3A, %iota3A : vector<64x10000xi32>
    %convert_element_type3A = arith.extui %eq3A_106 : vector<64x10000xi1> to vector<64x10000xi32>
    %convert_element_type3A_107 = arith.sitofp %convert_element_type3A : vector<64x10000xi32> to vector<64x10000xf32>
    %reduce_sum3A = arith.constant dense<0.000000e+00> : vector<64xf32>
    %reduce_sum3A_108 = vector.multi_reduction <add>, %convert_element_type3A_107, %reduce_sum3A [1] : vector<64x10000xf32> to vector<64xf32>
    %broadcast_in_dim3A = vector.shape_cast %reduce_sum3A_108 : vector<64xf32> to vector<64x1xf32>
    %max3A = arith.constant 1.000000e+00 : f32
    %max3A_109 = vector.broadcast %max3A : f32 to vector<64x1xf32>
    %max3A_110 = arith.maximumf %broadcast_in_dim3A, %max3A_109 : vector<64x1xf32>
    %dot_general3A_111 = arith.constant dense<0.000000e+00> : vector<64x128xf32>
    %dot_general3A_112 = tpu.matmul %convert_element_type3A_107, %add3A_102, %dot_general3A_111 {dimension_numbers = #tpu.dot_dimension_numbers<[1], [0], [0], [1], [0, 0, 1, 1], [], []>, transpose_lhs_hint = false} : vector<64x10000xf32>, vector<10000x128xf32>, vector<64x128xf32> -> vector<64x128xf32>
    %div3A = vector.broadcast %max3A_110 : vector<64x1xf32> to vector<64x128xf32>
    %div3A_113 = arith.divf %dot_general3A_112, %div3A : vector<64x128xf32>
    %dot_general3A_114 = arith.constant dense<0.000000e+00> : vector<10000x128xf32>
    %dot_general3A_115 = tpu.matmul %convert_element_type3A_107, %div3A_113, %dot_general3A_114 {dimension_numbers = #tpu.dot_dimension_numbers<[0], [0], [1], [1], [0, 1, 1, 1], [], []>, transpose_lhs_hint = false} : vector<64x10000xf32>, vector<64x128xf32>, vector<10000x128xf32> -> vector<10000x128xf32>
    %get3A_116 = arith.constant 0 : index
    %get3A_117 = arith.constant 0 : index
    %get3A_118 = vector.load %arg12[%get3A_116, %get3A_117] : memref<1x128xf32, #tpu.memory_space<vmem>>, vector<1x128xf32>
    %mul3A_119 = vector.broadcast %get3A_118 : vector<1x128xf32> to vector<10000x128xf32>
    %mul3A_120 = arith.mulf %mul3A_119, %dot_general3A_115 : vector<10000x128xf32>
    %sub3A = arith.subf %add3A_102, %mul3A_120 : vector<10000x128xf32>
    %mul3A_121 = arith.mulf %sub3A, %sub3A : vector<10000x128xf32>
    %dot_general3A_122 = arith.constant dense<0.000000e+00> : vector<64x128xf32>
    %dot_general3A_123 = tpu.matmul %convert_element_type3A_107, %mul3A_121, %dot_general3A_122 {dimension_numbers = #tpu.dot_dimension_numbers<[1], [0], [0], [1], [0, 0, 1, 1], [], []>, transpose_lhs_hint = false} : vector<64x10000xf32>, vector<10000x128xf32>, vector<64x128xf32> -> vector<64x128xf32>
    %div3A_124 = vector.broadcast %max3A_110 : vector<64x1xf32> to vector<64x128xf32>
    %div3A_125 = arith.divf %dot_general3A_123, %div3A_124 : vector<64x128xf32>
    %dot_general3A_126 = arith.constant dense<0.000000e+00> : vector<10000x128xf32>
    %dot_general3A_127 = tpu.matmul %convert_element_type3A_107, %div3A_125, %dot_general3A_126 {dimension_numbers = #tpu.dot_dimension_numbers<[0], [0], [1], [1], [0, 1, 1, 1], [], []>, transpose_lhs_hint = false} : vector<64x10000xf32>, vector<64x128xf32>, vector<10000x128xf32> -> vector<10000x128xf32>
    %get3A_128 = arith.constant 0 : index
    %get3A_129 = arith.constant 0 : index
    %get3A_130 = vector.load %arg10[%get3A_128, %get3A_129] : memref<1x128xf32, #tpu.memory_space<vmem>>, vector<1x128xf32>
    %mul3A_131 = vector.broadcast %get3A_130 : vector<1x128xf32> to vector<10000x128xf32>
    %mul3A_132 = arith.mulf %mul3A_131, %sub3A : vector<10000x128xf32>
    %add3A_133 = arith.constant 9.99999974E-6 : f32
    %add3A_134 = vector.broadcast %add3A_133 : f32 to vector<10000x128xf32>
    %add3A_135 = arith.addf %dot_general3A_127, %add3A_134 : vector<10000x128xf32>
    %rsqrt3A = math.rsqrt %add3A_135 : vector<10000x128xf32>
    %mul3A_136 = arith.mulf %mul3A_132, %rsqrt3A : vector<10000x128xf32>
    %get3A_137 = arith.constant 0 : index
    %get3A_138 = arith.constant 0 : index
    %get3A_139 = vector.load %arg11[%get3A_137, %get3A_138] : memref<1x128xf32, #tpu.memory_space<vmem>>, vector<1x128xf32>
    %add3A_140 = vector.broadcast %get3A_139 : vector<1x128xf32> to vector<10000x128xf32>
    %add3A_141 = arith.addf %mul3A_136, %add3A_140 : vector<10000x128xf32>
    %get3A_142 = arith.constant 0 : index
    %get3A_143 = arith.constant 0 : index
    %get3A_144 = vector.load %arg13[%get3A_142, %get3A_143] : memref<128x128xf32, #tpu.memory_space<vmem>>, vector<128x128xf32>
    %dot_general3A_145 = arith.constant dense<0.000000e+00> : vector<10000x128xf32>
    %dot_general3A_146 = tpu.matmul %add3A_141, %get3A_144, %dot_general3A_145 {dimension_numbers = #tpu.dot_dimension_numbers<[1], [1], [0], [0], [0, 0, 1, 0], [], []>, transpose_lhs_hint = false} : vector<10000x128xf32>, vector<128x128xf32>, vector<10000x128xf32> -> vector<10000x128xf32>
    %get3A_147 = arith.constant 0 : index
    %get3A_148 = arith.constant 0 : index
    %get3A_149 = vector.load %arg14[%get3A_147, %get3A_148] : memref<1x128xf32, #tpu.memory_space<vmem>>, vector<1x128xf32>
    %add3A_150 = vector.broadcast %get3A_149 : vector<1x128xf32> to vector<10000x128xf32>
    %add3A_151 = arith.addf %dot_general3A_146, %add3A_150 : vector<10000x128xf32>
    %swap3A = arith.constant 0 : index
    %swap3A_152 = arith.constant 0 : index
    %swap3A_153 = vector.load %arg15[%swap3A, %swap3A_152] : memref<10000x128xf32, #tpu.memory_space<vmem>>, vector<10000x128xf32>
    tpu.vector_store %arg15[%swap3A, %swap3A_152], %add3A_151 {strides = array<i32>} : memref<10000x128xf32, #tpu.memory_space<vmem>>, vector<10000x128xf32>,
    return
  }
}

</mosaic_0001>

<sc_bundles>
// kernel: kernel.6.cloned.1.call-start
scs
__scs_entry_jumppad:
0x0: {  	(pc) =	sbr.rel $0x88, $3  }
0x1: {  	(tag) =	ssettag $0x0;
	lr =	simm.s32 $0x1  }
0x2: {  	[smem:$0x3F8D] =	sst lr;
	_ =	strace $0xD0000000  }
0x3: {  	_ = 	snop  }
0x4: {  	_ = 	snop  }
0x5: {  	_ = 	snop  }
0x6: {  	_ = 	snop  }
0x7: {  	_ = 	snop  }
__scs_overlays_trampoline_lowered:
0x8: {  	[smem:$0x3F9C] =	sst s0  }
0x9: {  	[smem:$0x3F9D] =	sst s1  }
0xa: {  	[smem:$0x3F9E] =	sst s2  }
0xb: {  	[smem:$0x3F9F] =	sst s3  }
0xc: {  	[smem:$0x3FA0] =	sst s4  }
0xd: {  	[smem:$0x3FA1] =	sst s5  }
0xe: {  	[smem:$0x3FA2] =	sst s6  }
0xf: {  	[smem:$0x3FA3] =	sst s7  }
0x10: {  	[smem:$0x3FA4] =	sst s8  }
0x11: {  	[smem:$0x3FA5] =	sst s9;
	s0 =	simm.s32 @!p0 $0x0  }
0x12: {  	s1 =	sld [smem:$0x3F8B];
	s0 =	simm.s32 @p0 $0x1  }
0x13: {  	[smem:$0x3FA6] =	sst s0;
	s0 =	simm.s32 @!p1 $0x0  }
0x14: {  	s2 =	sld [smem:$0x3F8A];
	s0 =	simm.s32 @p1 $0x1  }
0x15: {  	[smem:$0x3FA7] =	sst s0;
	s0 =	simm.s32 @!p2 $0x0  }
0x16: {  	s3 =	sld [smem:$0x3FDB];
	s0 =	simm.s32 @p2 $0x1  }
0x17: {  	s4 =	simm.s32 $0x1BF5;
	[smem:$0x3FA9] =	sst s0  }
0x18: {  	s0 =	sld [smem:$0x3F8C];
	_ =	swait.ge [sflag:s4], $0x0  }
0x19: {  	s7 =	sld [smem:$0x3F8D]  }
0x1a: {  	s8 =	sadd.s32 $0xFFFFE003, lr  }
0x1b: {  	s9 =	sadd.s32 $0xFFFFFEF7, lr;
	s5 =	simm.s32 $0xFFFFFFFF;
	p2 =	slt.u32 s8, $0xFFFFF086  }
0x1c: {  	p1 =	slt.u32 s9, $0xF7A;
	s5 =	simm.s32 @!p2 $0x0  }
0x1d: {  	s5 =	simm.s32 @p1 $0x1;
	p0 =	seq.s32 s7, s2  }
0x1e: {  	s7 =	smul.u32 @!p0 $0xF7A, s2;
	p2 =	seq.s32 @!p0 s5, $0x0  }
0x1f: {  	s9 =	smul.u32 $0xF7A, s1;
	s8 =	simm.s32 @!p0 $0x1BF5;
	p2 =	por !p2, p0  }
0x20: {  	[sflag:s8] =	ssyncset.s32 @!p0 $0xFFFFF086;
	s6 =	sadd.s32 @!p0 s3, s7;
	s7 =	simm.s32 @!p0 $0x108  }
0x21: {  	s3 =	sadd.s32 s3, s9;
	s6 =	sadd.s32 @!p0 $0x88, s6;
	s7 =	simm.s32 @p2 $0x1082  }
0x22: {  	[simem:s7], [sflag:s8] =	dma.local @!p0 [hbm:s6], $0xF7A  }
0x23: {  	s9 =	sor.u32 $0xD0000000, s2;
	s6 =	simm.s32 $0x108;
	_ =	swait.ge @!p0 [sflag:s8], $0x0  }
0x24: {  	s3 =	sadd.s32 $0x88, s3;
	s6 =	simm.s32 @!p1 $0x1082;
	[sflag:s4] =	ssyncset.s32 $0xFFFFF086  }
0x25: {  	[simem:s6], [sflag:s4] =	dma.local [hbm:s3], $0xF7A  }
0x26: {  	[smem:$0x3F8D] =	sst s1;
	(tag) =	ssettag s2;
	_ =	strace s9  }
0x27: {  	s1 =	sld [smem:$0x3F9D]  }
0x28: {  	s2 =	sld [smem:$0x3F9E]  }
0x29: {  	s4 =	sld [smem:$0x3FA0]  }
0x2a: {  	p0 =	seq.s32 s5, $0x0;
	s5 =	sld [smem:$0x3FA1]  }
0x2b: {  	s6 =	sld [smem:$0x3FA2]  }
0x2c: {  	s7 =	sld [smem:$0x3FA3]  }
0x2d: {  	s3 =	simm.s32 $0x108;
	s8 =	sld [smem:$0x3FA4]  }
0x2e: {  	s3 =	simm.s32 @!p0 $0x1082;
	s9 =	sld [smem:$0x3FA5]  }
0x2f: {  	lr =	sadd.s32 s0, s3;
	s0 =	sld [smem:$0x3F9C]  }
0x30: {  	s3 =	sld [smem:$0x3F9F]  }
0x31: {  	[smem:$0x3FA8] =	sst s10  }
0x32: {  	s10 =	sld [smem:$0x3FA6];
	_ =	sdelay $0x3  }
0x33: {  	p0 =	seq.s32 s10, $0x1;
	s10 =	sld [smem:$0x3FA8];
	_ =	sdelay $0x3  }
0x34: {  	[smem:$0x3FA8] =	sst s10  }
0x35: {  	s10 =	sld [smem:$0x3FA7];
	_ =	sdelay $0x3  }
0x36: {  	p1 =	seq.s32 s10, $0x1;
	s10 =	sld [smem:$0x3FA8];
	_ =	sdelay $0x3  }
0x37: {  	[smem:$0x3FA8] =	sst s10  }
0x38: {  	s10 =	sld [smem:$0x3FA9]  }
0x39: {  	_ = 	snop;
	(pc) =	sbr.ind lr, $3  }
0x3a: {  	_ = 	snop  }
0x3b: {  	_ = 	snop  }
0x3c: {  	p2 =	seq.s32 s10, $0x1;
	s10 =	sld [smem:$0x3FA8]  }
0x3d: {  	_ =	shalt  }
0x3e: {  	_ =	shalt  }
0x3f: {  	_ =	shalt  }
0x40: {  	_ =	shalt  }
0x41: {  	_ =	shalt  }
0x42: {  	_ =	shalt  }
0x43: {  	_ =	shalt  }
0x44: {  	_ =	shalt  }
0x45: {  	_ =	shalt  }
0x46: {  	_ =	shalt  }
0x47: {  	_ =	shalt  }
0x48: {  	_ =	shalt  }
0x49: {  	_ =	shalt  }
0x4a: {  	_ =	shalt  }
0x4b: {  	_ =	shalt  }
0x4c: {  	_ =	shalt  }
0x4d: {  	_ =	shalt  }
0x4e: {  	_ =	shalt  }
0x4f: {  	_ =	shalt  }
0x50: {  	_ =	shalt  }
0x51: {  	_ =	shalt  }
0x52: {  	_ =	shalt  }
0x53: {  	_ =	shalt  }
0x54: {  	_ =	shalt  }
0x55: {  	_ =	shalt  }
0x56: {  	_ =	shalt  }
0x57: {  	_ =	shalt  }
0x58: {  	_ =	shalt  }
0x59: {  	_ =	shalt  }
0x5a: {  	_ =	shalt  }
0x5b: {  	_ =	shalt  }
0x5c: {  	_ =	shalt  }
0x5d: {  	_ =	shalt  }
0x5e: {  	_ =	shalt  }
0x5f: {  	_ =	shalt  }
0x60: {  	_ =	shalt  }
0x61: {  	_ =	shalt  }
0x62: {  	_ =	shalt  }
0x63: {  	_ =	shalt  }
0x64: {  	_ =	shalt  }
0x65: {  	_ =	shalt  }
0x66: {  	_ =	shalt  }
0x67: {  	_ =	shalt  }
0x68: {  	_ =	shalt  }
0x69: {  	_ =	shalt  }
0x6a: {  	_ =	shalt  }
0x6b: {  	_ =	shalt  }
0x6c: {  	_ =	shalt  }
0x6d: {  	_ =	shalt  }
0x6e: {  	_ =	shalt  }
0x6f: {  	_ =	shalt  }
0x70: {  	_ =	shalt  }
0x71: {  	_ =	shalt  }
0x72: {  	_ =	shalt  }
0x73: {  	_ =	shalt  }
0x74: {  	_ =	shalt  }
0x75: {  	_ =	shalt  }
0x76: {  	_ =	shalt  }
0x77: {  	_ =	shalt  }
0x78: {  	_ =	shalt  }
0x79: {  	_ =	shalt  }
0x7a: {  	_ =	shalt  }
0x7b: {  	_ =	shalt  }
0x7c: {  	_ =	shalt  }
0x7d: {  	_ =	shalt  }
0x7e: {  	_ =	shalt  }
0x7f: {  	_ =	shalt  }
0x80: {  	_ =	shalt  }
0x81: {  	_ =	shalt  }
0x82: {  	_ =	shalt  }
0x83: {  	_ =	shalt  }
0x84: {  	_ =	shalt  }
0x85: {  	_ =	shalt  }
0x86: {  	_ =	shalt  }
0x87: {  	_ =	shalt  }
.Lfunc_end0:
.L_simem_size_0:
called_computation_lowered:
.L_overlay_start_0:
0x88: {  	s2 =	sld [smem:$0x3FD9]  }
0x89: {  	s3 =	sld [smem:$0x3FFE];
	_ =	sdelay $0x1  }
0x8a: {  	s1 =	srdreg.scid  }
0x8b: {  	s0 =	sand.u32 $0x1, s1  }
0x8c: {  	s17 =	sshll.u32 s0, $0xA;
	s2 =	sadd.s32 s3, s2  }
0x8d: {  	s2 =	sadd.s32 s2, s17  }
0x8e: {  	[smem:$0x3FB4] =	sst s2  }
0x8f: {  	_ = 	snop  }
0x90: {  	s2 =	sld [smem:$0x3FD0];
	(tm) =	ssettm $0x1  }
0x91: {  	s18 =	sld [smem:$0x3FFB];
	_ =	sdelay $0x3  }
0x92: {  	_ =	strace s18  }
0x93: {  	s3 =	sld [smem:$0x3FFC];
	_ =	sdelay $0x3  }
0x94: {  	_ =	strace s3  }
0x95: {  	s3 =	sld [smem:$0x3FFD];
	_ =	sdelay $0x3  }
0x96: {  	_ =	strace s3  }
0x97: {  	_ =	strace $0x8FFFFFFF  }
0x98: {  	s19 =	sld [smem:$0x3FDB];
	_ =	sdelay $0x1  }
0x99: {  	s4 =	simm.s32 $_scs_section_size  }
0x9a: {  	s5 =	simm.s32 $_size__tile_overlayer_lowered;
	s6 =	simm.s32 $_tile_overlayer_lowered  }
0x9b: {  	s22 =	simm.s32 $0x1BFF;
	s21 =	sshll.u32 s6, $0x1;
	s3 =	sadd.s32 s4, s19  }
0x9c: {  	s7 =	simm.s32 $0x0;
	s20 =	sshll.u32 s5, $0x1;
	s5 =	sadd.s32 s21, s3  }
0x9d: {  	[timem:s7], [sflag:s22] =	dma.local [hbm:s5], s20  }
0x9e: {  	_ =	swait.ge [sflag:s22], s20  }
0x9f: {  	s4 =	ssub.s32 $0x0, s20;
	[sflag:s22] =	ssyncset.done $0x0  }
0xa0: {  	[sflag:s22] =	ssyncadd.s32 s4;
	_ =	sdelay $0x1  }
0xa1: {  	s23 =	simm.s32 $0x1B8B  }
0xa2: {  	_ =	swait.ge [sflag:s23], $0x1  }
0xa3: {  	[sflag:s23] =	ssyncset.done $0x0  }
0xa4: {  	s25 =	simm.s32 $0x1B8E;
	s24 =	sld [smem:$0x3FFE];
	[sflag:s23] =	ssyncadd.s32 $0xFFFFFFFF  }
0xa5: {  	s26 =	simm.s32 $execute0_lowered;
	[smem:$0x3FD2] =	sst s25  }
0xa6: {  	s5 =	sshll.u32 s26, $0x1;
	_ =	strace $0x80000046;
	[dreg:$0x1] =	wrdreg $0xFFFFFFFF  }
0xa7: {  	s28 =	simm.s32 $_size_execute0_lowered;
	s3 =	sadd.s32 s3, s5;
	[dreg:$0x0] =	wrdreg $0x0  }
0xa8: {  	s5 =	sshll.u32 s28, $0x1;
	[dreg:$0x2] =	wrdreg s3  }
0xa9: {  	[dreg:$0x3] =	wrdreg s5  }
0xaa: {  	[dreg:$0x4] =	wrdreg $0xC0  }
0xab: {  	_ =	task [dreg:s7], $0x5FFFF  }
0xac: {  	[dreg:$0x1] =	wrdreg $0xFFFFFFFF  }
0xad: {  	[dreg:$0x0] =	wrdreg $0x60  }
0xae: {  	[dreg:$0x2] =	wrdreg s2  }
0xaf: {  	[dreg:$0x3] =	wrdreg s24  }
0xb0: {  	[dreg:$0x4] =	wrdreg $0xA2000  }
0xb1: {  	[dreg:$0x5] =	wrdreg $0x9  }
0xb2: {  	_ =	task.clear_ibuf [dreg:s7], $0x6FFFF;
	_ =	strace $0x90000046  }
0xb3: {  	s29 =	simm.s32 $0x9;
	_ =	strace $0x80000048  }
0xb4: {  	_ =	swait.ge [sflag:s29], $0x1  }
0xb5: {  	[sflag:s29] =	ssyncadd.s32 $0xFFFFFFFF  }
0xb6: {  	_ =	strace $0x90000048  }
0xb7: {  	_ =	sfence  }
0xb8: {  	s30 =	sld [smem:$0x0];
	_ =	sdelay $0x2  }
0xb9: {  	s31 =	sshll.u32 s1, $0xD;
	s1 =	sshrl.u32 s1, $0x2  }
0xba: {  	s3 =	sand.u32 $0x4000, s31;
	s1 =	sadd.s32 s1, s30  }
0xbb: {  	s0 =	sor.u32 s3, s0;
	s1 =	sshll.u32 s1, $0x11  }
0xbc: {  	s0 =	sor.u32 s1, s0  }
0xbd: {  	s0 =	sadd.s32 $0x8F2B, s0  }
0xbe: {  	[sflag:s0] =	ssyncadd.remote.s32 $0x1  }
0xbf: {  	_ =	sfence.sel $0xFFFF  }
0xc0: {  	[dreg:$0x0] =	wrdreg $0xFFFFFFFF;
	(pc) =	sbr.abs _section_cstart, $3  }
0xc1: {  	[dreg:$0x1] =	wrdreg $0xFFFFFFFF  }
0xc2: {  	_ =	task.clear_ibuf [dreg:s7], $0x2FFFF;
	_ =	strace $0x9FFFFFFF  }
0xc3: {  	(tm) =	ssettm $0x7FFFFFFF  }
tec
execute0_lowered:
.L_overlay_start_1:
0x0: {  	(tag) =	ssettag $0x1  }
0x1: {  	s1 =	rddreg [dreg:$0x0]  }
0x2: {  	s0 =	rddreg [dreg:$0x1]  }
0x3: {  	s2 =	rddreg [dreg:$0x2];
	s3 =	srdreg.scid  }
0x4: {  	s4 =	simm.s32 $0x0;
	s15 =	stileid.u32;
	s28 =	simm.s32 $0x2  }
0x5: {  	s29 =	simm.s32 $0x3;
	s30 =	simm.s32 $0x5;
	s6 =	sand.u32 $0x1, s3  }
0x6: {  	[smem:$0x7FF] =	sst s4;
	s8 =	smul.u32 $0x280, s15;
	s5 =	sadd.s32 $0x16400, s0  }
0x7: {  	s9 =	sadd.s32 $0x4F8400, s0;
	s3 =	ssub.s32 $0x2, s6;
	s14 =	smul.u32 $0x2800, s6  }
0x8: {  	_ =	strace $0x80000047;
	s6 =	smul.u32 $0x27100, s6;
	s7 =	sshrl.u32 s3, $0x1  }
0x9: {  	s10 =	sor.u32 $0x50, s8;
	s11 =	sadd.s32 $0xA0, s8;
	s12 =	sadd.s32 $0xF0, s8  }
0xa: {  	s13 =	sadd.s32 $0x140, s8;
	s3 =	ssub.s32 s3, s7;
	s7 =	smul.u32 $0x50000, s15  }
0xb: {  	s16 =	sadd.s32 $0x190, s8;
	s17 =	sadd.s32 $0x1E0, s8;
	s15 =	smul.u32 $0x2710, s15  }
0xc: {  	s18 =	sadd.s32 s8, s14;
	s19 =	sadd.s32 s14, s10;
	s8 =	sadd.s32 $0x230, s8  }
0xd: {  	s24 =	sadd.s32 s14, s11;
	s25 =	sadd.s32 s14, s12;
	s26 =	sadd.s32 s14, s13  }
0xe: {  	s21 =	sadd.s32 s14, s16;
	s18 =	sshll.u32 s18, $0x4;
	s19 =	sshll.u32 s19, $0x4  }
0xf: {  	s3 =	smax.u32 s3, $0x1;
	s6 =	sadd.s32 s15, s6;
	s22 =	sadd.s32 s9, s18  }
0x10: {  	s23 =	sadd.s32 s9, s19;
	s15 =	sshll.u32 s24, $0x4;
	s18 =	sshll.u32 s25, $0x4  }
0x11: {  	s19 =	sshll.u32 s26, $0x4;
	s24 =	sshrl.u32 s7, $0x2;
	s25 =	sshll.u32 s10, $0x7  }
0x12: {  	s26 =	sshll.u32 s11, $0x7;
	s10 =	sshll.u32 s13, $0x7;
	[dreg:$0x19] =	wrdreg s3  }
0x13: {  	s11 =	sshll.u32 s16, $0x7;
	s13 =	sshll.u32 s17, $0x7;
	[dreg:$0x4] =	wrdreg s22  }
0x14: {  	s16 =	sshll.u32 s8, $0x7;
	s3 =	simm.s32 $0x6;
	[dreg:$0x5] =	wrdreg s23  }
0x15: {  	s15 =	sadd.s32 s9, s15;
	s18 =	sadd.s32 s9, s18;
	s20 =	sadd.s32 s9, s19  }
0x16: {  	s22 =	sadd.s32 s14, s17;
	s14 =	sadd.s32 s14, s8;
	[dreg:$0x6] =	wrdreg s15  }
0x17: {  	s19 =	sadd.s32 s24, s2;
	s17 =	sshrl.u32 s6, $0x3;
	[dreg:$0x7] =	wrdreg s18  }
0x18: {  	s31 =	sadd.s32 $0xA0, s6;
	s8 =	simm.s32 $0x80;
	[dreg:$0x8] =	wrdreg s20  }
0x19: {  	s15 =	sshll.u32 s21, $0x4;
	s18 =	sshll.u32 s22, $0x4;
	s20 =	sadd.s32 s25, s2  }
0x1a: {  	s14 =	sshll.u32 s14, $0x4;
	s21 =	sadd.s32 s26, s2;
	[dreg:$0xc] =	wrdreg s20  }
0x1b: {  	s22 =	sadd.s32 $0x50, s6;
	s15 =	sadd.s32 s9, s15;
	[dreg:$0xd] =	wrdreg s21  }
0x1c: {  	s23 =	sadd.s32 s9, s18;
	s9 =	sadd.s32 s9, s14;
	[dreg:$0x9] =	wrdreg s15  }
0x1d: {  	s14 =	sadd.s32 $0xC600, s0;
	s24 =	sshrl.u32 s22, $0x3;
	[dreg:$0xa] =	wrdreg s23  }
0x1e: {  	[dreg:$0xb] =	wrdreg s9;
	s9 =	sshll.u32 s12, $0x7;
	s12 =	sadd.s32 s11, s2  }
0x1f: {  	s15 =	sadd.s32 $0x2800, s0;
	s18 =	sadd.s32 s14, s17;
	[dreg:$0x10] =	wrdreg s12  }
0x20: {  	s23 =	sshll.u32 s6, $0x4;
	s25 =	sadd.s32 s14, s24;
	[dreg:$0x13] =	wrdreg s18  }
0x21: {  	s11 =	simm.s32 $0x5180;
	s0 =	sadd.s32 s9, s2;
	[dreg:$0x16] =	wrdreg s25  }
0x22: {  	s7 =	sadd.s32 s15, s17;
	s26 =	sadd.s32 s15, s24;
	[dreg:$0xe] =	wrdreg s0  }
0x23: {  	s9 =	simm.s32 $0x100;
	s12 =	simm.s32 $0x5200;
	[dreg:$0x14] =	wrdreg s7  }
0x24: {  	s24 =	simm.s32 $0x50;
	s0 =	sadd.s32 s10, s2;
	[dreg:$0x17] =	wrdreg s26  }
0x25: {  	s25 =	simm.s32 $0x4;
	s7 =	sadd.s32 s5, s23;
	[dreg:$0xf] =	wrdreg s0  }
0x26: {  	s10 =	simm.s32 $0x5100;
	s0 =	sadd.s32 s13, s2;
	[dreg:$0x15] =	wrdreg s7  }
0x27: {  	s26 =	simm.s32 $0x7A00;
	[dreg:$0x11] =	wrdreg s0;
	s0 =	sadd.s32 s16, s2  }
0x28: {  	s7 =	simm.s32 $0x7;
	[dreg:$0x12] =	wrdreg s0;
	s0 =	sshll.u32 s22, $0x4  }
0x29: {  	s13 =	simm.s32 $0x1;
	s16 =	simm.s32 $0x0;
	s0 =	sadd.s32 s5, s0  }
0x2a: {  	v0 =	vimm.f32 $0.0e+00;
	[dreg:$0x18] =	wrdreg s0;
	s0 =	sadd.s32 $0xF0, s6;
	s6 =	simm.s32 $0x2900  }
.LBB2_1:
0x2b: {  	s17 =	simm.s32 $0x2A00  }
0x2c: {  	[tilespmem:s17+$0xFFFFFF00] =	vst v0  }
0x2d: {  	[tilespmem:s17+$0xF0] =	vst v0  }
0x2e: {  	[tilespmem:s17+$0xE0] =	vst v0  }
0x2f: {  	[tilespmem:s17+$0xD0] =	vst v0  }
0x30: {  	[tilespmem:s17+$0xC0] =	vst v0  }
0x31: {  	[tilespmem:s17+$0xB0] =	vst v0  }
0x32: {  	[tilespmem:s17+$0xA0] =	vst v0  }
0x33: {  	[tilespmem:s17+$0x90] =	vst v0  }
0x34: {  	[tilespmem:s17+$0x80] =	vst v0  }
0x35: {  	[tilespmem:s17+$0x70] =	vst v0  }
0x36: {  	[tilespmem:s17+$0x60] =	vst v0  }
0x37: {  	[tilespmem:s17+$0x50] =	vst v0  }
0x38: {  	[tilespmem:s17+$0x40] =	vst v0  }
0x39: {  	[tilespmem:s17+$0x30] =	vst v0  }
0x3a: {  	[tilespmem:s17+$0x20] =	vst v0  }
0x3b: {  	[tilespmem:s17+$0x10] =	vst v0  }
0x3c: {  	[tilespmem:s17+$0x0] =	vst v0  }
0x3d: {  	[tilespmem:s17+$0xFFFFFFF0] =	vst v0  }
0x3e: {  	[tilespmem:s17+$0xFFFFFFE0] =	vst v0  }
0x3f: {  	[tilespmem:s17+$0xFFFFFFD0] =	vst v0  }
0x40: {  	[tilespmem:s17+$0xFFFFFFC0] =	vst v0  }
0x41: {  	[tilespmem:s17+$0xFFFFFFB0] =	vst v0  }
0x42: {  	[tilespmem:s17+$0xFFFFFFA0] =	vst v0  }
0x43: {  	[tilespmem:s17+$0xFFFFFF90] =	vst v0  }
0x44: {  	[tilespmem:s17+$0xFFFFFF80] =	vst v0  }
0x45: {  	[tilespmem:s17+$0xFFFFFF70] =	vst v0  }
0x46: {  	[tilespmem:s17+$0xFFFFFF60] =	vst v0  }
0x47: {  	[tilespmem:s17+$0xFFFFFF50] =	vst v0  }
0x48: {  	[tilespmem:s17+$0xFFFFFF40] =	vst v0  }
0x49: {  	[tilespmem:s17+$0xFFFFFF30] =	vst v0  }
0x4a: {  	s18 =	simm.s32 $0x0;
	[tilespmem:s17+$0xFFFFFF20] =	vst v0  }
.LBB2_2:
0x4b: {  	s18 =	sadd.s32 $0x4, s18;
	[tilespmem:s17+$0xFFFFFF10] =	vst v0;
	s17 =	sadd.s32 $0x200, s17  }
0x4c: {  	[tilespmem:s17+$0xFFFFFF00] =	vst v0;
	p0 =	slt.u32 s18, $0x4C  }
0x4d: {  	[tilespmem:s17+$0xF0] =	vst v0  }
0x4e: {  	[tilespmem:s17+$0xE0] =	vst v0  }
0x4f: {  	[tilespmem:s17+$0xD0] =	vst v0  }
0x50: {  	[tilespmem:s17+$0xC0] =	vst v0  }
0x51: {  	[tilespmem:s17+$0xB0] =	vst v0  }
0x52: {  	[tilespmem:s17+$0xA0] =	vst v0  }
0x53: {  	[tilespmem:s17+$0x90] =	vst v0  }
0x54: {  	[tilespmem:s17+$0x80] =	vst v0  }
0x55: {  	[tilespmem:s17+$0x70] =	vst v0  }
0x56: {  	[tilespmem:s17+$0x60] =	vst v0  }
0x57: {  	[tilespmem:s17+$0x50] =	vst v0  }
0x58: {  	[tilespmem:s17+$0x40] =	vst v0  }
0x59: {  	[tilespmem:s17+$0x30] =	vst v0  }
0x5a: {  	[tilespmem:s17+$0x20] =	vst v0  }
0x5b: {  	[tilespmem:s17+$0x10] =	vst v0  }
0x5c: {  	[tilespmem:s17+$0x0] =	vst v0  }
0x5d: {  	[tilespmem:s17+$0xFFFFFFF0] =	vst v0  }
0x5e: {  	[tilespmem:s17+$0xFFFFFFE0] =	vst v0  }
0x5f: {  	[tilespmem:s17+$0xFFFFFFD0] =	vst v0  }
0x60: {  	[tilespmem:s17+$0xFFFFFFC0] =	vst v0  }
0x61: {  	[tilespmem:s17+$0xFFFFFFB0] =	vst v0  }
0x62: {  	[tilespmem:s17+$0xFFFFFFA0] =	vst v0  }
0x63: {  	[tilespmem:s17+$0xFFFFFF90] =	vst v0  }
0x64: {  	[tilespmem:s17+$0xFFFFFF80] =	vst v0  }
0x65: {  	[tilespmem:s17+$0xFFFFFF70] =	vst v0  }
.Ltmp0:
0x66: {  	[tilespmem:s17+$0xFFFFFF60] =	vst v0;
	(pc) =	sbr.rel @p0 .LBB2_2-.Ltmp0, $4  }
0x67: {  	[tilespmem:s17+$0xFFFFFF50] =	vst v0  }
0x68: {  	[tilespmem:s17+$0xFFFFFF40] =	vst v0  }
0x69: {  	[tilespmem:s17+$0xFFFFFF30] =	vst v0  }
0x6a: {  	[tilespmem:s17+$0xFFFFFF20] =	vst v0  }
0x6b: {  	[tilespmem:s17+$0xFFFFFF10] =	vst v0  }
0x6c: {  	[spmem:s19] =	stream.linear.scatter [tilespmem:s6], [sflag:$0x7], $0x2800, $0x38;
	[tilespmem:$0x1E200] =	vst v63  }
0x6d: {  	_ =	swait.ge [sflag:s7], $0x2800  }
0x6e: {  	[sflag:s7] =	ssyncset.done $0x0  }
0x6f: {  	[sflag:s7] =	ssyncadd.s32 $0xFFFFD800  }
0x70: {  	[spmem:s20] =	stream.linear.scatter [tilespmem:s6], [sflag:$0x7], $0x2800, $0x38;
	[tilespmem:$0x1E200] =	vst v63  }
0x71: {  	_ =	swait.ge [sflag:s7], $0x2800  }
0x72: {  	[sflag:s7] =	ssyncset.done $0x0  }
0x73: {  	[sflag:s7] =	ssyncadd.s32 $0xFFFFD800  }
0x74: {  	[spmem:s21] =	stream.linear.scatter [tilespmem:s6], [sflag:$0x7], $0x2800, $0x38;
	[tilespmem:$0x1E200] =	vst v63  }
0x75: {  	_ =	swait.ge [sflag:s7], $0x2800  }
0x76: {  	[sflag:s7] =	ssyncset.done $0x0  }
0x77: {  	s22 =	rddreg [dreg:$0xe];
	[sflag:s7] =	ssyncadd.s32 $0xFFFFD800  }
0x78: {  	[spmem:s22] =	stream.linear.scatter [tilespmem:s6], [sflag:$0x7], $0x2800, $0x38;
	[tilespmem:$0x1E200] =	vst v63  }
0x79: {  	_ =	swait.ge [sflag:s7], $0x2800  }
0x7a: {  	[sflag:s7] =	ssyncset.done $0x0  }
0x7b: {  	s18 =	rddreg [dreg:$0xf];
	[sflag:s7] =	ssyncadd.s32 $0xFFFFD800  }
0x7c: {  	[spmem:s18] =	stream.linear.scatter [tilespmem:s6], [sflag:$0x7], $0x2800, $0x38;
	[tilespmem:$0x1E200] =	vst v63  }
0x7d: {  	_ =	swait.ge [sflag:s7], $0x2800  }
0x7e: {  	[sflag:s7] =	ssyncset.done $0x0  }
0x7f: {  	s23 =	smov.u32 s19;
	s19 =	rddreg [dreg:$0x10];
	[sflag:s7] =	ssyncadd.s32 $0xFFFFD800  }
0x80: {  	[spmem:s19] =	stream.linear.scatter [tilespmem:s6], [sflag:$0x7], $0x2800, $0x38;
	[tilespmem:$0x1E200] =	vst v63  }
0x81: {  	_ =	swait.ge [sflag:s7], $0x2800  }
0x82: {  	[sflag:s7] =	ssyncset.done $0x0  }
0x83: {  	s20 =	rddreg [dreg:$0x11];
	[sflag:s7] =	ssyncadd.s32 $0xFFFFD800  }
0x84: {  	[spmem:s20] =	stream.linear.scatter [tilespmem:s6], [sflag:$0x7], $0x2800, $0x38;
	[tilespmem:$0x1E200] =	vst v63  }
0x85: {  	_ =	swait.ge [sflag:s7], $0x2800  }
0x86: {  	[sflag:s7] =	ssyncset.done $0x0  }
0x87: {  	s21 =	rddreg [dreg:$0x12];
	[sflag:s7] =	ssyncadd.s32 $0xFFFFD800  }
0x88: {  	[spmem:s21] =	stream.linear.scatter [tilespmem:s6], [sflag:$0x7], $0x2800, $0x38;
	[tilespmem:$0x1E200] =	vst v63  }
0x89: {  	_ =	swait.ge [sflag:s7], $0x2800  }
0x8a: {  	[sflag:s7] =	ssyncset.done $0x0  }
0x8b: {  	[sflag:s7] =	ssyncadd.s32 $0xFFFFD800  }
0x8c: {  	[bflag:$0x0] =	sbarrier.arrive $0xFFFF  }
0x8d: {  	s17 =	simm.s32 $0x0;
	s18 =	rddreg [dreg:$0x13]  }
0x8e: {  	[tilespmem:s17], [sflag:$0x1] =	stream.linear.gather [hbm4b:s18+s17], $0x50, $0x38;
	[tilespmem:$0x1E200] =	vst v63  }
0x8f: {  	s22 =	rddreg [dreg:$0x14]  }
0x90: {  	[tilespmem:s8], [sflag:$0x1] =	stream.linear.gather [hbm4b:s22+s17], $0x50, $0x38;
	[tilespmem:$0x1E200] =	vst v63  }
0x91: {  	s19 =	rddreg [dreg:$0x15]  }
0x92: {  	[tilespmem:s9], [sflag:$0x1] =	stream.linear.gather [hbm4b:s19+s17], $0x2800, $0x38;
	[tilespmem:$0x1E200] =	vst v63  }
0x93: {  	s20 =	rddreg [dreg:$0x16]  }
0x94: {  	[tilespmem:s10], [sflag:$0x4] =	stream.linear.gather [hbm4b:s20+s17], $0x50, $0x38;
	[tilespmem:$0x1E200] =	vst v63  }
0x95: {  	s21 =	rddreg [dreg:$0x17]  }
0x96: {  	[tilespmem:s11], [sflag:$0x4] =	stream.linear.gather [hbm4b:s21+s17], $0x50, $0x38;
	[tilespmem:$0x1E200] =	vst v63  }
0x97: {  	s22 =	rddreg [dreg:$0x18]  }
0x98: {  	[tilespmem:s12], [sflag:$0x4] =	stream.linear.gather [hbm4b:s22+s17], $0x2800, $0x38;
	[tilespmem:$0x1E200] =	vst v63  }
0x99: {  	_ =	swait.ge [sflag:s13], $0x50  }
0x9a: {  	[sflag:s13] =	ssyncset.done $0x0  }
0x9b: {  	[sflag:s13] =	ssyncadd.s32 $0xFFFFFFB0  }
0x9c: {  	_ =	swait.ge [sflag:s13], $0x50  }
0x9d: {  	[sflag:s13] =	ssyncset.done $0x0  }
0x9e: {  	[sflag:s13] =	ssyncadd.s32 $0xFFFFFFB0  }
0x9f: {  	_ =	swait.ge [sflag:s13], $0x2800  }
0xa0: {  	[sflag:s13] =	ssyncset.done $0x0  }
0xa1: {  	[sflag:s13] =	ssyncadd.s32 $0xFFFFD800  }
0xa2: {  	[tilespmem:s6], [sflag:$0x2] =	stream.indirect.gather [hbm4b:s1+s24], $0x80, s17, s24, $0xb8;
	[tilespmem:$0x1E200] =	vst v63  }
.LBB2_4:
0xa3: {  	_ =	swait.ge [sflag:s25], $0x50  }
0xa4: {  	[sflag:s25] =	ssyncset.done $0x0  }
0xa5: {  	[sflag:s25] =	ssyncadd.s32 $0xFFFFFFB0  }
0xa6: {  	_ =	swait.ge [sflag:s25], $0x50  }
0xa7: {  	[sflag:s25] =	ssyncset.done $0x0  }
0xa8: {  	[sflag:s25] =	ssyncadd.s32 $0xFFFFFFB0  }
0xa9: {  	_ =	swait.ge [sflag:s25], $0x2800  }
0xaa: {  	[sflag:s25] =	ssyncset.done $0x0  }
0xab: {  	[sflag:s25] =	ssyncadd.s32 $0xFFFFD800  }
0xac: {  	[tilespmem:s26], [sflag:$0x5] =	stream.indirect.gather [hbm4b:s1+s24], $0x80, s10, s24, $0xb8;
	[tilespmem:$0x1E200] =	vst v63  }
0xad: {  	_ =	swait.ge [sflag:s28], $0x2800  }
0xae: {  	[sflag:s28] =	ssyncset.done $0x0  }
0xaf: {  	s18 =	simm.s32 $0x2A00;
	[sflag:s28] =	ssyncadd.s32 $0xFFFFD800  }
0xb0: {  	s19 =	simm.s32 $0x200;
	v1 =	vld [tilespmem:s18+$0x80]  }
0xb1: {  	v2 =	vld [tilespmem:s19+$0x80]  }
0xb2: {  	v3 =	vld [tilespmem:s18+$0xFFFFFF80]  }
0xb3: {  	v4 =	vld [tilespmem:s19+$0xFFFFFF80]  }
0xb4: {  	v5 =	vld [tilespmem:s18+$0x0]  }
0xb5: {  	v6 =	vld [tilespmem:s19+$0x0]  }
0xb6: {  	v7 =	vld [tilespmem:s18+$0xFFFFFF00];
	v1 =	vmul.f32 v2, v1  }
0xb7: {  	v2 =	vld [tilespmem:s19+$0xFFFFFF00]  }
0xb8: {  	[tilespmem:s18+$0x80] =	vst v1;
	v1 =	vld [tilespmem:s18+$0x90]  }
0xb9: {  	v3 =	vmul.f32 v4, v3;
	v4 =	vld [tilespmem:s19+$0x90]  }
0xba: {  	v8 =	vld [tilespmem:s18+$0xFFFFFF10]  }
0xbb: {  	[tilespmem:s18+$0xFFFFFF80] =	vst v3;
	v3 =	vmul.f32 v6, v5;
	v5 =	vld [tilespmem:s18+$0xFFFFFF90]  }
0xbc: {  	v6 =	vld [tilespmem:s19+$0xFFFFFF90];
	v2 =	vmul.f32 v2, v7  }
0xbd: {  	[tilespmem:s18+$0x0] =	vst v3;
	v3 =	vld [tilespmem:s18+$0x10]  }
0xbe: {  	v7 =	vld [tilespmem:s19+$0x10];
	[tilespmem:s18+$0xFFFFFF00] =	vst v2;
	v1 =	vmul.f32 v4, v1  }
0xbf: {  	v2 =	vld [tilespmem:s19+$0xFFFFFF10]  }
0xc0: {  	[tilespmem:s18+$0x90] =	vst v1;
	v1 =	vld [tilespmem:s18+$0xA0]  }
0xc1: {  	v4 =	vmul.f32 v6, v5;
	v5 =	vld [tilespmem:s19+$0xA0]  }
0xc2: {  	v6 =	vld [tilespmem:s18+$0xFFFFFF20]  }
0xc3: {  	[tilespmem:s18+$0xFFFFFF90] =	vst v4;
	v3 =	vmul.f32 v7, v3;
	v4 =	vld [tilespmem:s18+$0xFFFFFFA0]  }
0xc4: {  	v7 =	vld [tilespmem:s19+$0xFFFFFFA0];
	v2 =	vmul.f32 v2, v8  }
0xc5: {  	[tilespmem:s18+$0x10] =	vst v3;
	v3 =	vld [tilespmem:s18+$0x20]  }
0xc6: {  	v8 =	vld [tilespmem:s19+$0x20];
	[tilespmem:s18+$0xFFFFFF10] =	vst v2;
	v1 =	vmul.f32 v5, v1  }
0xc7: {  	v2 =	vld [tilespmem:s19+$0xFFFFFF20]  }
0xc8: {  	[tilespmem:s18+$0xA0] =	vst v1;
	v1 =	vld [tilespmem:s18+$0xB0]  }
0xc9: {  	v4 =	vmul.f32 v7, v4;
	v5 =	vld [tilespmem:s19+$0xB0]  }
0xca: {  	v7 =	vld [tilespmem:s18+$0xFFFFFF30]  }
0xcb: {  	[tilespmem:s18+$0xFFFFFFA0] =	vst v4;
	v3 =	vmul.f32 v8, v3;
	v4 =	vld [tilespmem:s18+$0xFFFFFFB0]  }
0xcc: {  	v8 =	vld [tilespmem:s19+$0xFFFFFFB0];
	v2 =	vmul.f32 v2, v6  }
0xcd: {  	[tilespmem:s18+$0x20] =	vst v3;
	v3 =	vld [tilespmem:s18+$0x30]  }
0xce: {  	v6 =	vld [tilespmem:s19+$0x30];
	[tilespmem:s18+$0xFFFFFF20] =	vst v2;
	v1 =	vmul.f32 v5, v1  }
0xcf: {  	v2 =	vld [tilespmem:s19+$0xFFFFFF30]  }
0xd0: {  	[tilespmem:s18+$0xB0] =	vst v1;
	v1 =	vld [tilespmem:s18+$0xC0]  }
0xd1: {  	v4 =	vmul.f32 v8, v4;
	v5 =	vld [tilespmem:s19+$0xC0]  }
0xd2: {  	v8 =	vld [tilespmem:s18+$0xFFFFFF40]  }
0xd3: {  	[tilespmem:s18+$0xFFFFFFB0] =	vst v4;
	v3 =	vmul.f32 v6, v3;
	v4 =	vld [tilespmem:s18+$0xFFFFFFC0]  }
0xd4: {  	v6 =	vld [tilespmem:s19+$0xFFFFFFC0];
	v2 =	vmul.f32 v2, v7  }
0xd5: {  	[tilespmem:s18+$0x30] =	vst v3;
	v3 =	vld [tilespmem:s18+$0x40]  }
0xd6: {  	v7 =	vld [tilespmem:s19+$0x40];
	[tilespmem:s18+$0xFFFFFF30] =	vst v2;
	v1 =	vmul.f32 v5, v1  }
0xd7: {  	v2 =	vld [tilespmem:s19+$0xFFFFFF40]  }
0xd8: {  	[tilespmem:s18+$0xC0] =	vst v1;
	v1 =	vld [tilespmem:s18+$0xD0]  }
0xd9: {  	v4 =	vmul.f32 v6, v4;
	v5 =	vld [tilespmem:s19+$0xD0]  }
0xda: {  	v6 =	vld [tilespmem:s18+$0xFFFFFF50]  }
0xdb: {  	[tilespmem:s18+$0xFFFFFFC0] =	vst v4;
	v3 =	vmul.f32 v7, v3;
	v4 =	vld [tilespmem:s18+$0xFFFFFFD0]  }
0xdc: {  	v7 =	vld [tilespmem:s19+$0xFFFFFFD0];
	v2 =	vmul.f32 v2, v8  }
0xdd: {  	[tilespmem:s18+$0x40] =	vst v3;
	v3 =	vld [tilespmem:s18+$0x50]  }
0xde: {  	v8 =	vld [tilespmem:s19+$0x50];
	[tilespmem:s18+$0xFFFFFF40] =	vst v2;
	v1 =	vmul.f32 v5, v1  }
0xdf: {  	v2 =	vld [tilespmem:s19+$0xFFFFFF50]  }
0xe0: {  	[tilespmem:s18+$0xD0] =	vst v1;
	v1 =	vld [tilespmem:s18+$0xE0]  }
0xe1: {  	v4 =	vmul.f32 v7, v4;
	v5 =	vld [tilespmem:s19+$0xE0]  }
0xe2: {  	v7 =	vld [tilespmem:s18+$0xFFFFFF60]  }
0xe3: {  	[tilespmem:s18+$0xFFFFFFD0] =	vst v4;
	v3 =	vmul.f32 v8, v3;
	v4 =	vld [tilespmem:s18+$0xFFFFFFE0]  }
0xe4: {  	v8 =	vld [tilespmem:s19+$0xFFFFFFE0];
	v2 =	vmul.f32 v2, v6  }
0xe5: {  	[tilespmem:s18+$0x50] =	vst v3;
	v3 =	vld [tilespmem:s18+$0x60]  }
0xe6: {  	v6 =	vld [tilespmem:s19+$0x60];
	[tilespmem:s18+$0xFFFFFF50] =	vst v2;
	v1 =	vmul.f32 v5, v1  }
0xe7: {  	v5 =	vld [tilespmem:s19+$0xFFFFFF60]  }
0xe8: {  	v9 =	vld [tilespmem:s18+$0xF0];
	[tilespmem:s18+$0xE0] =	vst v1  }
0xe9: {  	v2 =	vmul.f32 v8, v4;
	v8 =	vld [tilespmem:s19+$0xF0]  }
0xea: {  	v1 =	vld [tilespmem:s18+$0xFFFFFF70]  }
0xeb: {  	[tilespmem:s18+$0xFFFFFFE0] =	vst v2;
	v3 =	vmul.f32 v6, v3;
	v2 =	vld [tilespmem:s18+$0xFFFFFFF0]  }
0xec: {  	v4 =	vld [tilespmem:s19+$0xFFFFFFF0];
	v5 =	vmul.f32 v5, v7  }
0xed: {  	[tilespmem:s18+$0x60] =	vst v3;
	v3 =	vld [tilespmem:s18+$0x70]  }
0xee: {  	[tilespmem:s18+$0xFFFFFF60] =	vst v5;
	v5 =	vld [tilespmem:s19+$0x70];
	v7 =	vmul.f32 v8, v9  }
0xef: {  	s20 =	simm.s32 $0x0;
	s21 =	simm.s32 $0x2C00;
	v6 =	vld [tilespmem:s19+$0xFFFFFF70]  }
.LBB2_5:
0xf0: {  	v8 =	vld [tilespmem:s21+$0x80];
	[tilespmem:s18+$0xF0] =	vst v7;
	s19 =	sadd.s32 $0x200, s19  }
0xf1: {  	s20 =	sadd.s32 $0x4, s20;
	v7 =	vld [tilespmem:s19+$0x80];
	v2 =	vmul.f32 v4, v2  }
0xf2: {  	p0 =	slt.u32 s20, $0x4C;
	v4 =	vld [tilespmem:s19+$0xFFFFFF00]  }
0xf3: {  	v9 =	vld [tilespmem:s21+$0xFFFFFF80];
	[tilespmem:s18+$0xFFFFFFF0] =	vst v2;
	v2 =	vmul.f32 v5, v3  }
0xf4: {  	v3 =	vld [tilespmem:s19+$0xFFFFFF80];
	v1 =	vmul.f32 v6, v1  }
0xf5: {  	v5 =	vld [tilespmem:s21+$0x0];
	[tilespmem:s18+$0x70] =	vst v2  }
0xf6: {  	v2 =	vld [tilespmem:s19+$0x0];
	v6 =	vmul.f32 v7, v8;
	[tilespmem:s18+$0xFFFFFF70] =	vst v1;
	s18 =	smov.u32 s21  }
0xf7: {  	v1 =	vld [tilespmem:s21+$0xFFFFFF00]  }
0xf8: {  	[tilespmem:s21+$0x80] =	vst v6;
	v6 =	vld [tilespmem:s21+$0x90]  }
0xf9: {  	v3 =	vmul.f32 v3, v9;
	v7 =	vld [tilespmem:s19+$0x90]  }
0xfa: {  	v8 =	vld [tilespmem:s21+$0xFFFFFF10]  }
0xfb: {  	[tilespmem:s21+$0xFFFFFF80] =	vst v3;
	v3 =	vld [tilespmem:s21+$0xFFFFFF90];
	v2 =	vmul.f32 v2, v5  }
0xfc: {  	v1 =	vmul.f32 v4, v1;
	v4 =	vld [tilespmem:s19+$0xFFFFFF90]  }
0xfd: {  	[tilespmem:s21+$0x0] =	vst v2;
	v2 =	vld [tilespmem:s21+$0x10]  }
0xfe: {  	[tilespmem:s21+$0xFFFFFF00] =	vst v1;
	v1 =	vld [tilespmem:s19+$0x10];
	v5 =	vmul.f32 v7, v6  }
0xff: {  	v6 =	vld [tilespmem:s19+$0xFFFFFF10]  }
0x100: {  	[tilespmem:s21+$0x90] =	vst v5;
	v5 =	vld [tilespmem:s21+$0xA0]  }
0x101: {  	v3 =	vmul.f32 v4, v3;
	v4 =	vld [tilespmem:s19+$0xA0]  }
0x102: {  	v7 =	vld [tilespmem:s21+$0xFFFFFF20]  }
0x103: {  	[tilespmem:s21+$0xFFFFFF90] =	vst v3;
	v3 =	vld [tilespmem:s21+$0xFFFFFFA0];
	v1 =	vmul.f32 v1, v2  }
0x104: {  	v2 =	vmul.f32 v6, v8;
	v6 =	vld [tilespmem:s19+$0xFFFFFFA0]  }
0x105: {  	[tilespmem:s21+$0x10] =	vst v1;
	v1 =	vld [tilespmem:s21+$0x20]  }
0x106: {  	[tilespmem:s21+$0xFFFFFF10] =	vst v2;
	v2 =	vld [tilespmem:s19+$0x20];
	v4 =	vmul.f32 v4, v5  }
0x107: {  	v5 =	vld [tilespmem:s19+$0xFFFFFF20]  }
0x108: {  	[tilespmem:s21+$0xA0] =	vst v4;
	v4 =	vld [tilespmem:s21+$0xB0]  }
0x109: {  	v3 =	vmul.f32 v6, v3;
	v6 =	vld [tilespmem:s19+$0xB0]  }
0x10a: {  	v8 =	vld [tilespmem:s21+$0xFFFFFF30]  }
0x10b: {  	[tilespmem:s21+$0xFFFFFFA0] =	vst v3;
	v3 =	vld [tilespmem:s21+$0xFFFFFFB0];
	v1 =	vmul.f32 v2, v1  }
0x10c: {  	v2 =	vmul.f32 v5, v7;
	v5 =	vld [tilespmem:s19+$0xFFFFFFB0]  }
0x10d: {  	[tilespmem:s21+$0x20] =	vst v1;
	v1 =	vld [tilespmem:s21+$0x30]  }
0x10e: {  	[tilespmem:s21+$0xFFFFFF20] =	vst v2;
	v2 =	vld [tilespmem:s19+$0x30];
	v4 =	vmul.f32 v6, v4  }
0x10f: {  	v6 =	vld [tilespmem:s19+$0xFFFFFF30]  }
0x110: {  	[tilespmem:s21+$0xB0] =	vst v4;
	v4 =	vld [tilespmem:s21+$0xC0]  }
0x111: {  	v3 =	vmul.f32 v5, v3;
	v5 =	vld [tilespmem:s19+$0xC0]  }
0x112: {  	v7 =	vld [tilespmem:s21+$0xFFFFFF40]  }
0x113: {  	[tilespmem:s21+$0xFFFFFFB0] =	vst v3;
	v3 =	vld [tilespmem:s21+$0xFFFFFFC0];
	v1 =	vmul.f32 v2, v1  }
0x114: {  	v2 =	vmul.f32 v6, v8;
	v6 =	vld [tilespmem:s19+$0xFFFFFFC0]  }
0x115: {  	[tilespmem:s21+$0x30] =	vst v1;
	v1 =	vld [tilespmem:s21+$0x40]  }
0x116: {  	[tilespmem:s21+$0xFFFFFF30] =	vst v2;
	v2 =	vld [tilespmem:s19+$0x40];
	v4 =	vmul.f32 v5, v4  }
0x117: {  	v5 =	vld [tilespmem:s19+$0xFFFFFF40]  }
0x118: {  	[tilespmem:s21+$0xC0] =	vst v4;
	v4 =	vld [tilespmem:s21+$0xD0]  }
0x119: {  	v3 =	vmul.f32 v6, v3;
	v6 =	vld [tilespmem:s19+$0xD0]  }
0x11a: {  	v8 =	vld [tilespmem:s21+$0xFFFFFF50]  }
0x11b: {  	[tilespmem:s21+$0xFFFFFFC0] =	vst v3;
	v3 =	vld [tilespmem:s21+$0xFFFFFFD0];
	v1 =	vmul.f32 v2, v1  }
0x11c: {  	v2 =	vmul.f32 v5, v7;
	v5 =	vld [tilespmem:s19+$0xFFFFFFD0]  }
0x11d: {  	[tilespmem:s21+$0x40] =	vst v1;
	v1 =	vld [tilespmem:s21+$0x50]  }
0x11e: {  	[tilespmem:s21+$0xFFFFFF40] =	vst v2;
	v2 =	vld [tilespmem:s19+$0x50];
	v4 =	vmul.f32 v6, v4  }
0x11f: {  	v6 =	vld [tilespmem:s19+$0xFFFFFF50]  }
0x120: {  	[tilespmem:s21+$0xD0] =	vst v4;
	v4 =	vld [tilespmem:s21+$0xE0]  }
0x121: {  	v3 =	vmul.f32 v5, v3;
	v5 =	vld [tilespmem:s19+$0xE0]  }
0x122: {  	v7 =	vld [tilespmem:s21+$0xFFFFFF60]  }
0x123: {  	[tilespmem:s21+$0xFFFFFFD0] =	vst v3;
	v3 =	vld [tilespmem:s21+$0xFFFFFFE0];
	v1 =	vmul.f32 v2, v1  }
0x124: {  	v2 =	vmul.f32 v6, v8;
	v6 =	vld [tilespmem:s19+$0xFFFFFFE0]  }
0x125: {  	[tilespmem:s21+$0x50] =	vst v1;
	v8 =	vld [tilespmem:s21+$0x60]  }
0x126: {  	[tilespmem:s21+$0xFFFFFF50] =	vst v2;
	v9 =	vld [tilespmem:s19+$0x60];
	v1 =	vmul.f32 v5, v4  }
0x127: {  	v4 =	vld [tilespmem:s19+$0xFFFFFF60]  }
0x128: {  	[tilespmem:s21+$0xE0] =	vst v1;
	v10 =	vld [tilespmem:s21+$0xF0]  }
0x129: {  	v2 =	vmul.f32 v6, v3;
	v6 =	vld [tilespmem:s19+$0xF0]  }
0x12a: {  	v1 =	vld [tilespmem:s21+$0xFFFFFF70]  }
.Ltmp1:
0x12b: {  	[tilespmem:s21+$0xFFFFFFE0] =	vst v2;
	v2 =	vld [tilespmem:s21+$0xFFFFFFF0];
	v3 =	vmul.f32 v9, v8;
	(pc) =	sbr.rel @p0 .LBB2_5-.Ltmp1, $4  }
0x12c: {  	v5 =	vmul.f32 v4, v7;
	v4 =	vld [tilespmem:s19+$0xFFFFFFF0]  }
0x12d: {  	[tilespmem:s21+$0x60] =	vst v3;
	v3 =	vld [tilespmem:s21+$0x70]  }
0x12e: {  	[tilespmem:s21+$0xFFFFFF60] =	vst v5;
	v5 =	vld [tilespmem:s19+$0x70];
	v7 =	vmul.f32 v6, v10  }
0x12f: {  	s21 =	sadd.s32 $0x200, s21;
	v6 =	vld [tilespmem:s19+$0xFFFFFF70]  }
0x130: {  	_ =	sdelay $0x1  }
0x131: {  	v2 =	vmul.f32 v4, v2  }
0x132: {  	[tilespmem:s18+$0xF0] =	vst v7;
	v3 =	vmul.f32 v5, v3  }
0x133: {  	[tilespmem:s18+$0xFFFFFFF0] =	vst v2;
	v1 =	vmul.f32 v6, v1  }
0x134: {  	[tilespmem:s18+$0x70] =	vst v3  }
0x135: {  	[tilespmem:s18+$0xFFFFFF70] =	vst v1;
	s18 =	smul.u32 $0xA0, s17  }
0x136: {  	[spmem:s2] =	stream.indirect.scatter.add.f32 [tilespmem:s6], [sflag:$0x3], $0x80, s8, s24, $0xb8;
	[tilespmem:$0x1E200] =	vst v63  }
0x137: {  	_ =	swait.ge [sflag:s29], $0x2800;
	s19 =	sadd.s32 s18, s31  }
0x138: {  	[sflag:s29] =	ssyncset.done $0x0;
	s20 =	sshrl.u32 s19, $0x3  }
0x139: {  	[sflag:s29] =	ssyncadd.s32 $0xFFFFD800;
	s21 =	sadd.s32 s14, s20  }
0x13a: {  	[tilespmem:s4], [sflag:$0x1] =	stream.linear.gather [hbm4b:s21+s4], $0x50, $0x38;
	[tilespmem:$0x1E200] =	vst v63  }
0x13b: {  	s19 =	sshll.u32 s19, $0x4;
	s20 =	sadd.s32 s15, s20  }
0x13c: {  	[tilespmem:s8], [sflag:$0x1] =	stream.linear.gather [hbm4b:s20+s4], $0x50, $0x38;
	[tilespmem:$0x1E200] =	vst v63  }
0x13d: {  	s19 =	sadd.s32 s5, s19  }
0x13e: {  	[tilespmem:s9], [sflag:$0x1] =	stream.linear.gather [hbm4b:s19+s4], $0x2800, $0x38;
	[tilespmem:$0x1E200] =	vst v63  }
0x13f: {  	_ =	swait.ge [sflag:s30], $0x2800  }
0x140: {  	[sflag:s30] =	ssyncset.done $0x0  }
0x141: {  	s19 =	simm.s32 $0x7B00;
	[sflag:s30] =	ssyncadd.s32 $0xFFFFD800  }
0x142: {  	s20 =	simm.s32 $0x5300;
	v1 =	vld [tilespmem:s19+$0x80]  }
0x143: {  	v2 =	vld [tilespmem:s20+$0x80]  }
0x144: {  	v3 =	vld [tilespmem:s19+$0xFFFFFF80]  }
0x145: {  	v4 =	vld [tilespmem:s20+$0xFFFFFF80]  }
0x146: {  	v5 =	vld [tilespmem:s19+$0x0]  }
0x147: {  	v6 =	vld [tilespmem:s20+$0x0]  }
0x148: {  	v7 =	vld [tilespmem:s19+$0xFFFFFF00];
	v1 =	vmul.f32 v2, v1  }
0x149: {  	v2 =	vld [tilespmem:s20+$0xFFFFFF00]  }
0x14a: {  	[tilespmem:s19+$0x80] =	vst v1;
	v1 =	vld [tilespmem:s19+$0x90]  }
0x14b: {  	v3 =	vmul.f32 v4, v3;
	v4 =	vld [tilespmem:s20+$0x90]  }
0x14c: {  	v8 =	vld [tilespmem:s19+$0xFFFFFF10]  }
0x14d: {  	[tilespmem:s19+$0xFFFFFF80] =	vst v3;
	v3 =	vmul.f32 v6, v5;
	v5 =	vld [tilespmem:s19+$0xFFFFFF90]  }
0x14e: {  	v6 =	vld [tilespmem:s20+$0xFFFFFF90];
	v2 =	vmul.f32 v2, v7  }
0x14f: {  	[tilespmem:s19+$0x0] =	vst v3;
	v3 =	vld [tilespmem:s19+$0x10]  }
0x150: {  	v7 =	vld [tilespmem:s20+$0x10];
	[tilespmem:s19+$0xFFFFFF00] =	vst v2;
	v1 =	vmul.f32 v4, v1  }
0x151: {  	v2 =	vld [tilespmem:s20+$0xFFFFFF10]  }
0x152: {  	[tilespmem:s19+$0x90] =	vst v1;
	v1 =	vld [tilespmem:s19+$0xA0]  }
0x153: {  	v4 =	vmul.f32 v6, v5;
	v5 =	vld [tilespmem:s20+$0xA0]  }
0x154: {  	v6 =	vld [tilespmem:s19+$0xFFFFFF20]  }
0x155: {  	[tilespmem:s19+$0xFFFFFF90] =	vst v4;
	v3 =	vmul.f32 v7, v3;
	v4 =	vld [tilespmem:s19+$0xFFFFFFA0]  }
0x156: {  	v7 =	vld [tilespmem:s20+$0xFFFFFFA0];
	v2 =	vmul.f32 v2, v8  }
0x157: {  	[tilespmem:s19+$0x10] =	vst v3;
	v3 =	vld [tilespmem:s19+$0x20]  }
0x158: {  	v8 =	vld [tilespmem:s20+$0x20];
	[tilespmem:s19+$0xFFFFFF10] =	vst v2;
	v1 =	vmul.f32 v5, v1  }
0x159: {  	v2 =	vld [tilespmem:s20+$0xFFFFFF20]  }
0x15a: {  	[tilespmem:s19+$0xA0] =	vst v1;
	v1 =	vld [tilespmem:s19+$0xB0]  }
0x15b: {  	v4 =	vmul.f32 v7, v4;
	v5 =	vld [tilespmem:s20+$0xB0]  }
0x15c: {  	v7 =	vld [tilespmem:s19+$0xFFFFFF30]  }
0x15d: {  	[tilespmem:s19+$0xFFFFFFA0] =	vst v4;
	v3 =	vmul.f32 v8, v3;
	v4 =	vld [tilespmem:s19+$0xFFFFFFB0]  }
0x15e: {  	v8 =	vld [tilespmem:s20+$0xFFFFFFB0];
	v2 =	vmul.f32 v2, v6  }
0x15f: {  	[tilespmem:s19+$0x20] =	vst v3;
	v3 =	vld [tilespmem:s19+$0x30]  }
0x160: {  	v6 =	vld [tilespmem:s20+$0x30];
	[tilespmem:s19+$0xFFFFFF20] =	vst v2;
	v1 =	vmul.f32 v5, v1  }
0x161: {  	v2 =	vld [tilespmem:s20+$0xFFFFFF30]  }
0x162: {  	[tilespmem:s19+$0xB0] =	vst v1;
	v1 =	vld [tilespmem:s19+$0xC0]  }
0x163: {  	v4 =	vmul.f32 v8, v4;
	v5 =	vld [tilespmem:s20+$0xC0]  }
0x164: {  	v8 =	vld [tilespmem:s19+$0xFFFFFF40]  }
0x165: {  	[tilespmem:s19+$0xFFFFFFB0] =	vst v4;
	v3 =	vmul.f32 v6, v3;
	v4 =	vld [tilespmem:s19+$0xFFFFFFC0]  }
0x166: {  	v6 =	vld [tilespmem:s20+$0xFFFFFFC0];
	v2 =	vmul.f32 v2, v7  }
0x167: {  	[tilespmem:s19+$0x30] =	vst v3;
	v3 =	vld [tilespmem:s19+$0x40]  }
0x168: {  	v7 =	vld [tilespmem:s20+$0x40];
	[tilespmem:s19+$0xFFFFFF30] =	vst v2;
	v1 =	vmul.f32 v5, v1  }
0x169: {  	v2 =	vld [tilespmem:s20+$0xFFFFFF40]  }
0x16a: {  	[tilespmem:s19+$0xC0] =	vst v1;
	v1 =	vld [tilespmem:s19+$0xD0]  }
0x16b: {  	v4 =	vmul.f32 v6, v4;
	v5 =	vld [tilespmem:s20+$0xD0]  }
0x16c: {  	v6 =	vld [tilespmem:s19+$0xFFFFFF50]  }
0x16d: {  	[tilespmem:s19+$0xFFFFFFC0] =	vst v4;
	v3 =	vmul.f32 v7, v3;
	v4 =	vld [tilespmem:s19+$0xFFFFFFD0]  }
0x16e: {  	v7 =	vld [tilespmem:s20+$0xFFFFFFD0];
	v2 =	vmul.f32 v2, v8  }
0x16f: {  	[tilespmem:s19+$0x40] =	vst v3;
	v3 =	vld [tilespmem:s19+$0x50]  }
0x170: {  	v8 =	vld [tilespmem:s20+$0x50];
	[tilespmem:s19+$0xFFFFFF40] =	vst v2;
	v1 =	vmul.f32 v5, v1  }
0x171: {  	v2 =	vld [tilespmem:s20+$0xFFFFFF50]  }
0x172: {  	[tilespmem:s19+$0xD0] =	vst v1;
	v1 =	vld [tilespmem:s19+$0xE0]  }
0x173: {  	v4 =	vmul.f32 v7, v4;
	v5 =	vld [tilespmem:s20+$0xE0]  }
0x174: {  	v7 =	vld [tilespmem:s19+$0xFFFFFF60]  }
0x175: {  	[tilespmem:s19+$0xFFFFFFD0] =	vst v4;
	v3 =	vmul.f32 v8, v3;
	v4 =	vld [tilespmem:s19+$0xFFFFFFE0]  }
0x176: {  	v8 =	vld [tilespmem:s20+$0xFFFFFFE0];
	v2 =	vmul.f32 v2, v6  }
0x177: {  	[tilespmem:s19+$0x50] =	vst v3;
	v3 =	vld [tilespmem:s19+$0x60]  }
0x178: {  	v6 =	vld [tilespmem:s20+$0x60];
	[tilespmem:s19+$0xFFFFFF50] =	vst v2;
	v1 =	vmul.f32 v5, v1  }
0x179: {  	v5 =	vld [tilespmem:s20+$0xFFFFFF60]  }
0x17a: {  	v9 =	vld [tilespmem:s19+$0xF0];
	[tilespmem:s19+$0xE0] =	vst v1  }
0x17b: {  	v2 =	vmul.f32 v8, v4;
	v8 =	vld [tilespmem:s20+$0xF0]  }
0x17c: {  	v1 =	vld [tilespmem:s19+$0xFFFFFF70]  }
0x17d: {  	[tilespmem:s19+$0xFFFFFFE0] =	vst v2;
	v3 =	vmul.f32 v6, v3;
	v2 =	vld [tilespmem:s19+$0xFFFFFFF0]  }
0x17e: {  	v4 =	vld [tilespmem:s20+$0xFFFFFFF0];
	v5 =	vmul.f32 v5, v7  }
0x17f: {  	[tilespmem:s19+$0x60] =	vst v3;
	v3 =	vld [tilespmem:s19+$0x70]  }
0x180: {  	[tilespmem:s19+$0xFFFFFF60] =	vst v5;
	v5 =	vld [tilespmem:s20+$0x70];
	v7 =	vmul.f32 v8, v9  }
0x181: {  	s22 =	simm.s32 $0x7D00;
	s21 =	simm.s32 $0x0;
	v6 =	vld [tilespmem:s20+$0xFFFFFF70]  }
.LBB2_7:
0x182: {  	v8 =	vld [tilespmem:s22+$0x80];
	[tilespmem:s19+$0xF0] =	vst v7;
	s20 =	sadd.s32 $0x200, s20  }
0x183: {  	s21 =	sadd.s32 $0x4, s21;
	v7 =	vld [tilespmem:s20+$0x80];
	v2 =	vmul.f32 v4, v2  }
0x184: {  	p0 =	slt.u32 s21, $0x4C;
	v4 =	vld [tilespmem:s20+$0xFFFFFF00]  }
0x185: {  	v9 =	vld [tilespmem:s22+$0xFFFFFF80];
	[tilespmem:s19+$0xFFFFFFF0] =	vst v2;
	v2 =	vmul.f32 v5, v3  }
0x186: {  	v3 =	vld [tilespmem:s20+$0xFFFFFF80];
	v1 =	vmul.f32 v6, v1  }
0x187: {  	v5 =	vld [tilespmem:s22+$0x0];
	[tilespmem:s19+$0x70] =	vst v2  }
0x188: {  	v2 =	vld [tilespmem:s20+$0x0];
	v6 =	vmul.f32 v7, v8;
	[tilespmem:s19+$0xFFFFFF70] =	vst v1;
	s19 =	smov.u32 s22  }
0x189: {  	v1 =	vld [tilespmem:s22+$0xFFFFFF00]  }
0x18a: {  	[tilespmem:s22+$0x80] =	vst v6;
	v6 =	vld [tilespmem:s22+$0x90]  }
0x18b: {  	v3 =	vmul.f32 v3, v9;
	v7 =	vld [tilespmem:s20+$0x90]  }
0x18c: {  	v8 =	vld [tilespmem:s22+$0xFFFFFF10]  }
0x18d: {  	[tilespmem:s22+$0xFFFFFF80] =	vst v3;
	v3 =	vld [tilespmem:s22+$0xFFFFFF90];
	v2 =	vmul.f32 v2, v5  }
0x18e: {  	v1 =	vmul.f32 v4, v1;
	v4 =	vld [tilespmem:s20+$0xFFFFFF90]  }
0x18f: {  	[tilespmem:s22+$0x0] =	vst v2;
	v2 =	vld [tilespmem:s22+$0x10]  }
0x190: {  	[tilespmem:s22+$0xFFFFFF00] =	vst v1;
	v1 =	vld [tilespmem:s20+$0x10];
	v5 =	vmul.f32 v7, v6  }
0x191: {  	v6 =	vld [tilespmem:s20+$0xFFFFFF10]  }
0x192: {  	[tilespmem:s22+$0x90] =	vst v5;
	v5 =	vld [tilespmem:s22+$0xA0]  }
0x193: {  	v3 =	vmul.f32 v4, v3;
	v4 =	vld [tilespmem:s20+$0xA0]  }
0x194: {  	v7 =	vld [tilespmem:s22+$0xFFFFFF20]  }
0x195: {  	[tilespmem:s22+$0xFFFFFF90] =	vst v3;
	v3 =	vld [tilespmem:s22+$0xFFFFFFA0];
	v1 =	vmul.f32 v1, v2  }
0x196: {  	v2 =	vmul.f32 v6, v8;
	v6 =	vld [tilespmem:s20+$0xFFFFFFA0]  }
0x197: {  	[tilespmem:s22+$0x10] =	vst v1;
	v1 =	vld [tilespmem:s22+$0x20]  }
0x198: {  	[tilespmem:s22+$0xFFFFFF10] =	vst v2;
	v2 =	vld [tilespmem:s20+$0x20];
	v4 =	vmul.f32 v4, v5  }
0x199: {  	v5 =	vld [tilespmem:s20+$0xFFFFFF20]  }
0x19a: {  	[tilespmem:s22+$0xA0] =	vst v4;
	v4 =	vld [tilespmem:s22+$0xB0]  }
0x19b: {  	v3 =	vmul.f32 v6, v3;
	v6 =	vld [tilespmem:s20+$0xB0]  }
0x19c: {  	v8 =	vld [tilespmem:s22+$0xFFFFFF30]  }
0x19d: {  	[tilespmem:s22+$0xFFFFFFA0] =	vst v3;
	v3 =	vld [tilespmem:s22+$0xFFFFFFB0];
	v1 =	vmul.f32 v2, v1  }
0x19e: {  	v2 =	vmul.f32 v5, v7;
	v5 =	vld [tilespmem:s20+$0xFFFFFFB0]  }
0x19f: {  	[tilespmem:s22+$0x20] =	vst v1;
	v1 =	vld [tilespmem:s22+$0x30]  }
0x1a0: {  	[tilespmem:s22+$0xFFFFFF20] =	vst v2;
	v2 =	vld [tilespmem:s20+$0x30];
	v4 =	vmul.f32 v6, v4  }
0x1a1: {  	v6 =	vld [tilespmem:s20+$0xFFFFFF30]  }
0x1a2: {  	[tilespmem:s22+$0xB0] =	vst v4;
	v4 =	vld [tilespmem:s22+$0xC0]  }
0x1a3: {  	v3 =	vmul.f32 v5, v3;
	v5 =	vld [tilespmem:s20+$0xC0]  }
0x1a4: {  	v7 =	vld [tilespmem:s22+$0xFFFFFF40]  }
0x1a5: {  	[tilespmem:s22+$0xFFFFFFB0] =	vst v3;
	v3 =	vld [tilespmem:s22+$0xFFFFFFC0];
	v1 =	vmul.f32 v2, v1  }
0x1a6: {  	v2 =	vmul.f32 v6, v8;
	v6 =	vld [tilespmem:s20+$0xFFFFFFC0]  }
0x1a7: {  	[tilespmem:s22+$0x30] =	vst v1;
	v1 =	vld [tilespmem:s22+$0x40]  }
0x1a8: {  	[tilespmem:s22+$0xFFFFFF30] =	vst v2;
	v2 =	vld [tilespmem:s20+$0x40];
	v4 =	vmul.f32 v5, v4  }
0x1a9: {  	v5 =	vld [tilespmem:s20+$0xFFFFFF40]  }
0x1aa: {  	[tilespmem:s22+$0xC0] =	vst v4;
	v4 =	vld [tilespmem:s22+$0xD0]  }
0x1ab: {  	v3 =	vmul.f32 v6, v3;
	v6 =	vld [tilespmem:s20+$0xD0]  }
0x1ac: {  	v8 =	vld [tilespmem:s22+$0xFFFFFF50]  }
0x1ad: {  	[tilespmem:s22+$0xFFFFFFC0] =	vst v3;
	v3 =	vld [tilespmem:s22+$0xFFFFFFD0];
	v1 =	vmul.f32 v2, v1  }
0x1ae: {  	v2 =	vmul.f32 v5, v7;
	v5 =	vld [tilespmem:s20+$0xFFFFFFD0]  }
0x1af: {  	[tilespmem:s22+$0x40] =	vst v1;
	v1 =	vld [tilespmem:s22+$0x50]  }
0x1b0: {  	[tilespmem:s22+$0xFFFFFF40] =	vst v2;
	v2 =	vld [tilespmem:s20+$0x50];
	v4 =	vmul.f32 v6, v4  }
0x1b1: {  	v6 =	vld [tilespmem:s20+$0xFFFFFF50]  }
0x1b2: {  	[tilespmem:s22+$0xD0] =	vst v4;
	v4 =	vld [tilespmem:s22+$0xE0]  }
0x1b3: {  	v3 =	vmul.f32 v5, v3;
	v5 =	vld [tilespmem:s20+$0xE0]  }
0x1b4: {  	v7 =	vld [tilespmem:s22+$0xFFFFFF60]  }
0x1b5: {  	[tilespmem:s22+$0xFFFFFFD0] =	vst v3;
	v3 =	vld [tilespmem:s22+$0xFFFFFFE0];
	v1 =	vmul.f32 v2, v1  }
0x1b6: {  	v2 =	vmul.f32 v6, v8;
	v6 =	vld [tilespmem:s20+$0xFFFFFFE0]  }
0x1b7: {  	[tilespmem:s22+$0x50] =	vst v1;
	v8 =	vld [tilespmem:s22+$0x60]  }
0x1b8: {  	[tilespmem:s22+$0xFFFFFF50] =	vst v2;
	v9 =	vld [tilespmem:s20+$0x60];
	v1 =	vmul.f32 v5, v4  }
0x1b9: {  	v4 =	vld [tilespmem:s20+$0xFFFFFF60]  }
0x1ba: {  	[tilespmem:s22+$0xE0] =	vst v1;
	v10 =	vld [tilespmem:s22+$0xF0]  }
0x1bb: {  	v2 =	vmul.f32 v6, v3;
	v6 =	vld [tilespmem:s20+$0xF0]  }
0x1bc: {  	v1 =	vld [tilespmem:s22+$0xFFFFFF70]  }
.Ltmp2:
0x1bd: {  	[tilespmem:s22+$0xFFFFFFE0] =	vst v2;
	v2 =	vld [tilespmem:s22+$0xFFFFFFF0];
	v3 =	vmul.f32 v9, v8;
	(pc) =	sbr.rel @p0 .LBB2_7-.Ltmp2, $4  }
0x1be: {  	v5 =	vmul.f32 v4, v7;
	v4 =	vld [tilespmem:s20+$0xFFFFFFF0]  }
0x1bf: {  	[tilespmem:s22+$0x60] =	vst v3;
	v3 =	vld [tilespmem:s22+$0x70]  }
0x1c0: {  	[tilespmem:s22+$0xFFFFFF60] =	vst v5;
	v5 =	vld [tilespmem:s20+$0x70];
	v7 =	vmul.f32 v6, v10  }
0x1c1: {  	s22 =	sadd.s32 $0x200, s22;
	v6 =	vld [tilespmem:s20+$0xFFFFFF70]  }
0x1c2: {  	_ =	sdelay $0x1  }
0x1c3: {  	v2 =	vmul.f32 v4, v2  }
0x1c4: {  	[tilespmem:s19+$0xF0] =	vst v7;
	v3 =	vmul.f32 v5, v3  }
0x1c5: {  	[tilespmem:s19+$0xFFFFFFF0] =	vst v2;
	v1 =	vmul.f32 v6, v1  }
0x1c6: {  	[tilespmem:s19+$0x70] =	vst v3  }
0x1c7: {  	[tilespmem:s19+$0xFFFFFF70] =	vst v1  }
0x1c8: {  	[spmem:s2] =	stream.indirect.scatter.add.f32 [tilespmem:s26], [sflag:$0x6], $0x80, s11, s24, $0xb8;
	[tilespmem:$0x1E200] =	vst v63  }
0x1c9: {  	_ =	swait.ge [sflag:s13], $0x50  }
0x1ca: {  	[sflag:s13] =	ssyncset.done $0x0  }
0x1cb: {  	[sflag:s13] =	ssyncadd.s32 $0xFFFFFFB0  }
0x1cc: {  	_ =	swait.ge [sflag:s13], $0x50  }
0x1cd: {  	[sflag:s13] =	ssyncset.done $0x0  }
0x1ce: {  	[sflag:s13] =	ssyncadd.s32 $0xFFFFFFB0  }
0x1cf: {  	_ =	swait.ge [sflag:s13], $0x2800  }
0x1d0: {  	p0 =	seq.s32 s17, $0x3D;
	[sflag:s13] =	ssyncset.done $0x0  }
.Ltmp3:
0x1d1: {  	[sflag:s13] =	ssyncadd.s32 $0xFFFFD800;
	(pc) =	sbr.rel @p0 .LBB2_10-.Ltmp3, $4  }
0x1d2: {  	[tilespmem:s6], [sflag:$0x2] =	stream.indirect.gather [hbm4b:s1+s24], $0x80, s4, s24, $0xb8;
	[tilespmem:$0x1E200] =	vst v63  }
0x1d3: {  	_ =	swait.ge [sflag:s3], $0x2800  }
0x1d4: {  	[sflag:s3] =	ssyncset.done $0x0  }
0x1d5: {  	[sflag:s3] =	ssyncadd.s32 $0xFFFFD800  }
0x1d6: {  	s18 =	sadd.s32 s18, s0  }
0x1d7: {  	s19 =	sshrl.u32 s18, $0x3  }
0x1d8: {  	s20 =	sadd.s32 s14, s19  }
0x1d9: {  	[tilespmem:s10], [sflag:$0x4] =	stream.linear.gather [hbm4b:s20+s4], $0x50, $0x38;
	[tilespmem:$0x1E200] =	vst v63  }
.Ltmp4:
0x1da: {  	_ = 	snop;
	(pc) =	sbr.rel .LBB2_4-.Ltmp4, $4  }
0x1db: {  	s18 =	sshll.u32 s18, $0x4;
	s19 =	sadd.s32 s15, s19  }
0x1dc: {  	[tilespmem:s11], [sflag:$0x4] =	stream.linear.gather [hbm4b:s19+s4], $0x50, $0x38;
	[tilespmem:$0x1E200] =	vst v63  }
0x1dd: {  	s17 =	sadd.s32 $0x1, s17;
	s18 =	sadd.s32 s5, s18  }
0x1de: {  	[tilespmem:s12], [sflag:$0x4] =	stream.linear.gather [hbm4b:s18+s4], $0x2800, $0x38;
	[tilespmem:$0x1E200] =	vst v63  }
.LBB2_10:
0x1df: {  	_ =	swait.ge [sflag:s28], $0x2800  }
0x1e0: {  	[sflag:s28] =	ssyncset.done $0x0  }
0x1e1: {  	s17 =	simm.s32 $0x2A00;
	[sflag:s28] =	ssyncadd.s32 $0xFFFFD800  }
0x1e2: {  	s18 =	simm.s32 $0x200;
	v1 =	vld [tilespmem:s17+$0x80]  }
0x1e3: {  	v2 =	vld [tilespmem:s18+$0x80]  }
0x1e4: {  	v3 =	vld [tilespmem:s17+$0xFFFFFF80]  }
0x1e5: {  	v4 =	vld [tilespmem:s18+$0xFFFFFF80]  }
0x1e6: {  	v5 =	vld [tilespmem:s17+$0x0]  }
0x1e7: {  	v6 =	vld [tilespmem:s18+$0x0]  }
0x1e8: {  	v7 =	vld [tilespmem:s17+$0xFFFFFF00];
	v1 =	vmul.f32 v2, v1  }
0x1e9: {  	v2 =	vld [tilespmem:s18+$0xFFFFFF00]  }
0x1ea: {  	[tilespmem:s17+$0x80] =	vst v1;
	v1 =	vld [tilespmem:s17+$0x90]  }
0x1eb: {  	v3 =	vmul.f32 v4, v3;
	v4 =	vld [tilespmem:s18+$0x90]  }
0x1ec: {  	v8 =	vld [tilespmem:s17+$0xFFFFFF10]  }
0x1ed: {  	[tilespmem:s17+$0xFFFFFF80] =	vst v3;
	v3 =	vmul.f32 v6, v5;
	v5 =	vld [tilespmem:s17+$0xFFFFFF90]  }
0x1ee: {  	v6 =	vld [tilespmem:s18+$0xFFFFFF90];
	v2 =	vmul.f32 v2, v7  }
0x1ef: {  	[tilespmem:s17+$0x0] =	vst v3;
	v3 =	vld [tilespmem:s17+$0x10]  }
0x1f0: {  	v7 =	vld [tilespmem:s18+$0x10];
	[tilespmem:s17+$0xFFFFFF00] =	vst v2;
	v1 =	vmul.f32 v4, v1  }
0x1f1: {  	v2 =	vld [tilespmem:s18+$0xFFFFFF10]  }
0x1f2: {  	[tilespmem:s17+$0x90] =	vst v1;
	v1 =	vld [tilespmem:s17+$0xA0]  }
0x1f3: {  	v4 =	vmul.f32 v6, v5;
	v5 =	vld [tilespmem:s18+$0xA0]  }
0x1f4: {  	v6 =	vld [tilespmem:s17+$0xFFFFFF20]  }
0x1f5: {  	[tilespmem:s17+$0xFFFFFF90] =	vst v4;
	v3 =	vmul.f32 v7, v3;
	v4 =	vld [tilespmem:s17+$0xFFFFFFA0]  }
0x1f6: {  	v7 =	vld [tilespmem:s18+$0xFFFFFFA0];
	v2 =	vmul.f32 v2, v8  }
0x1f7: {  	[tilespmem:s17+$0x10] =	vst v3;
	v3 =	vld [tilespmem:s17+$0x20]  }
0x1f8: {  	v8 =	vld [tilespmem:s18+$0x20];
	[tilespmem:s17+$0xFFFFFF10] =	vst v2;
	v1 =	vmul.f32 v5, v1  }
0x1f9: {  	v2 =	vld [tilespmem:s18+$0xFFFFFF20]  }
0x1fa: {  	[tilespmem:s17+$0xA0] =	vst v1;
	v1 =	vld [tilespmem:s17+$0xB0]  }
0x1fb: {  	v4 =	vmul.f32 v7, v4;
	v5 =	vld [tilespmem:s18+$0xB0]  }
0x1fc: {  	v7 =	vld [tilespmem:s17+$0xFFFFFF30]  }
0x1fd: {  	[tilespmem:s17+$0xFFFFFFA0] =	vst v4;
	v3 =	vmul.f32 v8, v3;
	v4 =	vld [tilespmem:s17+$0xFFFFFFB0]  }
0x1fe: {  	v8 =	vld [tilespmem:s18+$0xFFFFFFB0];
	v2 =	vmul.f32 v2, v6  }
0x1ff: {  	[tilespmem:s17+$0x20] =	vst v3;
	v3 =	vld [tilespmem:s17+$0x30]  }
0x200: {  	v6 =	vld [tilespmem:s18+$0x30];
	[tilespmem:s17+$0xFFFFFF20] =	vst v2;
	v1 =	vmul.f32 v5, v1  }
0x201: {  	v2 =	vld [tilespmem:s18+$0xFFFFFF30]  }
0x202: {  	[tilespmem:s17+$0xB0] =	vst v1;
	v1 =	vld [tilespmem:s17+$0xC0]  }
0x203: {  	v4 =	vmul.f32 v8, v4;
	v5 =	vld [tilespmem:s18+$0xC0]  }
0x204: {  	v8 =	vld [tilespmem:s17+$0xFFFFFF40]  }
0x205: {  	[tilespmem:s17+$0xFFFFFFB0] =	vst v4;
	v3 =	vmul.f32 v6, v3;
	v4 =	vld [tilespmem:s17+$0xFFFFFFC0]  }
0x206: {  	v6 =	vld [tilespmem:s18+$0xFFFFFFC0];
	v2 =	vmul.f32 v2, v7  }
0x207: {  	[tilespmem:s17+$0x30] =	vst v3;
	v3 =	vld [tilespmem:s17+$0x40]  }
0x208: {  	v7 =	vld [tilespmem:s18+$0x40];
	[tilespmem:s17+$0xFFFFFF30] =	vst v2;
	v1 =	vmul.f32 v5, v1  }
0x209: {  	v2 =	vld [tilespmem:s18+$0xFFFFFF40]  }
0x20a: {  	[tilespmem:s17+$0xC0] =	vst v1;
	v1 =	vld [tilespmem:s17+$0xD0]  }
0x20b: {  	v4 =	vmul.f32 v6, v4;
	v5 =	vld [tilespmem:s18+$0xD0]  }
0x20c: {  	v6 =	vld [tilespmem:s17+$0xFFFFFF50]  }
0x20d: {  	[tilespmem:s17+$0xFFFFFFC0] =	vst v4;
	v3 =	vmul.f32 v7, v3;
	v4 =	vld [tilespmem:s17+$0xFFFFFFD0]  }
0x20e: {  	v7 =	vld [tilespmem:s18+$0xFFFFFFD0];
	v2 =	vmul.f32 v2, v8  }
0x20f: {  	[tilespmem:s17+$0x40] =	vst v3;
	v3 =	vld [tilespmem:s17+$0x50]  }
0x210: {  	v8 =	vld [tilespmem:s18+$0x50];
	[tilespmem:s17+$0xFFFFFF40] =	vst v2;
	v1 =	vmul.f32 v5, v1  }
0x211: {  	v2 =	vld [tilespmem:s18+$0xFFFFFF50]  }
0x212: {  	[tilespmem:s17+$0xD0] =	vst v1;
	v1 =	vld [tilespmem:s17+$0xE0]  }
0x213: {  	v4 =	vmul.f32 v7, v4;
	v5 =	vld [tilespmem:s18+$0xE0]  }
0x214: {  	v7 =	vld [tilespmem:s17+$0xFFFFFF60]  }
0x215: {  	[tilespmem:s17+$0xFFFFFFD0] =	vst v4;
	v3 =	vmul.f32 v8, v3;
	v4 =	vld [tilespmem:s17+$0xFFFFFFE0]  }
0x216: {  	v8 =	vld [tilespmem:s18+$0xFFFFFFE0];
	v2 =	vmul.f32 v2, v6  }
0x217: {  	[tilespmem:s17+$0x50] =	vst v3;
	v3 =	vld [tilespmem:s17+$0x60]  }
0x218: {  	v6 =	vld [tilespmem:s18+$0x60];
	[tilespmem:s17+$0xFFFFFF50] =	vst v2;
	v1 =	vmul.f32 v5, v1  }
0x219: {  	v5 =	vld [tilespmem:s18+$0xFFFFFF60]  }
0x21a: {  	v9 =	vld [tilespmem:s17+$0xF0];
	[tilespmem:s17+$0xE0] =	vst v1  }
0x21b: {  	v2 =	vmul.f32 v8, v4;
	v8 =	vld [tilespmem:s18+$0xF0]  }
0x21c: {  	v1 =	vld [tilespmem:s17+$0xFFFFFF70]  }
0x21d: {  	[tilespmem:s17+$0xFFFFFFE0] =	vst v2;
	v3 =	vmul.f32 v6, v3;
	v2 =	vld [tilespmem:s17+$0xFFFFFFF0]  }
0x21e: {  	v4 =	vld [tilespmem:s18+$0xFFFFFFF0];
	v5 =	vmul.f32 v5, v7  }
0x21f: {  	[tilespmem:s17+$0x60] =	vst v3;
	v3 =	vld [tilespmem:s17+$0x70]  }
0x220: {  	[tilespmem:s17+$0xFFFFFF60] =	vst v5;
	v5 =	vld [tilespmem:s18+$0x70];
	v7 =	vmul.f32 v8, v9  }
0x221: {  	s19 =	simm.s32 $0x0;
	s20 =	simm.s32 $0x2C00;
	v6 =	vld [tilespmem:s18+$0xFFFFFF70]  }
.LBB2_11:
0x222: {  	v8 =	vld [tilespmem:s20+$0x80];
	[tilespmem:s17+$0xF0] =	vst v7;
	s18 =	sadd.s32 $0x200, s18  }
0x223: {  	s19 =	sadd.s32 $0x4, s19;
	v7 =	vld [tilespmem:s18+$0x80];
	v2 =	vmul.f32 v4, v2  }
0x224: {  	p0 =	slt.u32 s19, $0x4C;
	v4 =	vld [tilespmem:s18+$0xFFFFFF00]  }
0x225: {  	v9 =	vld [tilespmem:s20+$0xFFFFFF80];
	[tilespmem:s17+$0xFFFFFFF0] =	vst v2;
	v2 =	vmul.f32 v5, v3  }
0x226: {  	v3 =	vld [tilespmem:s18+$0xFFFFFF80];
	v1 =	vmul.f32 v6, v1  }
0x227: {  	v5 =	vld [tilespmem:s20+$0x0];
	[tilespmem:s17+$0x70] =	vst v2  }
0x228: {  	v2 =	vld [tilespmem:s18+$0x0];
	v6 =	vmul.f32 v7, v8;
	[tilespmem:s17+$0xFFFFFF70] =	vst v1;
	s17 =	smov.u32 s20  }
0x229: {  	v1 =	vld [tilespmem:s20+$0xFFFFFF00]  }
0x22a: {  	[tilespmem:s20+$0x80] =	vst v6;
	v6 =	vld [tilespmem:s20+$0x90]  }
0x22b: {  	v3 =	vmul.f32 v3, v9;
	v7 =	vld [tilespmem:s18+$0x90]  }
0x22c: {  	v8 =	vld [tilespmem:s20+$0xFFFFFF10]  }
0x22d: {  	[tilespmem:s20+$0xFFFFFF80] =	vst v3;
	v3 =	vld [tilespmem:s20+$0xFFFFFF90];
	v2 =	vmul.f32 v2, v5  }
0x22e: {  	v1 =	vmul.f32 v4, v1;
	v4 =	vld [tilespmem:s18+$0xFFFFFF90]  }
0x22f: {  	[tilespmem:s20+$0x0] =	vst v2;
	v2 =	vld [tilespmem:s20+$0x10]  }
0x230: {  	[tilespmem:s20+$0xFFFFFF00] =	vst v1;
	v1 =	vld [tilespmem:s18+$0x10];
	v5 =	vmul.f32 v7, v6  }
0x231: {  	v6 =	vld [tilespmem:s18+$0xFFFFFF10]  }
0x232: {  	[tilespmem:s20+$0x90] =	vst v5;
	v5 =	vld [tilespmem:s20+$0xA0]  }
0x233: {  	v3 =	vmul.f32 v4, v3;
	v4 =	vld [tilespmem:s18+$0xA0]  }
0x234: {  	v7 =	vld [tilespmem:s20+$0xFFFFFF20]  }
0x235: {  	[tilespmem:s20+$0xFFFFFF90] =	vst v3;
	v3 =	vld [tilespmem:s20+$0xFFFFFFA0];
	v1 =	vmul.f32 v1, v2  }
0x236: {  	v2 =	vmul.f32 v6, v8;
	v6 =	vld [tilespmem:s18+$0xFFFFFFA0]  }
0x237: {  	[tilespmem:s20+$0x10] =	vst v1;
	v1 =	vld [tilespmem:s20+$0x20]  }
0x238: {  	[tilespmem:s20+$0xFFFFFF10] =	vst v2;
	v2 =	vld [tilespmem:s18+$0x20];
	v4 =	vmul.f32 v4, v5  }
0x239: {  	v5 =	vld [tilespmem:s18+$0xFFFFFF20]  }
0x23a: {  	[tilespmem:s20+$0xA0] =	vst v4;
	v4 =	vld [tilespmem:s20+$0xB0]  }
0x23b: {  	v3 =	vmul.f32 v6, v3;
	v6 =	vld [tilespmem:s18+$0xB0]  }
0x23c: {  	v8 =	vld [tilespmem:s20+$0xFFFFFF30]  }
0x23d: {  	[tilespmem:s20+$0xFFFFFFA0] =	vst v3;
	v3 =	vld [tilespmem:s20+$0xFFFFFFB0];
	v1 =	vmul.f32 v2, v1  }
0x23e: {  	v2 =	vmul.f32 v5, v7;
	v5 =	vld [tilespmem:s18+$0xFFFFFFB0]  }
0x23f: {  	[tilespmem:s20+$0x20] =	vst v1;
	v1 =	vld [tilespmem:s20+$0x30]  }
0x240: {  	[tilespmem:s20+$0xFFFFFF20] =	vst v2;
	v2 =	vld [tilespmem:s18+$0x30];
	v4 =	vmul.f32 v6, v4  }
0x241: {  	v6 =	vld [tilespmem:s18+$0xFFFFFF30]  }
0x242: {  	[tilespmem:s20+$0xB0] =	vst v4;
	v4 =	vld [tilespmem:s20+$0xC0]  }
0x243: {  	v3 =	vmul.f32 v5, v3;
	v5 =	vld [tilespmem:s18+$0xC0]  }
0x244: {  	v7 =	vld [tilespmem:s20+$0xFFFFFF40]  }
0x245: {  	[tilespmem:s20+$0xFFFFFFB0] =	vst v3;
	v3 =	vld [tilespmem:s20+$0xFFFFFFC0];
	v1 =	vmul.f32 v2, v1  }
0x246: {  	v2 =	vmul.f32 v6, v8;
	v6 =	vld [tilespmem:s18+$0xFFFFFFC0]  }
0x247: {  	[tilespmem:s20+$0x30] =	vst v1;
	v1 =	vld [tilespmem:s20+$0x40]  }
0x248: {  	[tilespmem:s20+$0xFFFFFF30] =	vst v2;
	v2 =	vld [tilespmem:s18+$0x40];
	v4 =	vmul.f32 v5, v4  }
0x249: {  	v5 =	vld [tilespmem:s18+$0xFFFFFF40]  }
0x24a: {  	[tilespmem:s20+$0xC0] =	vst v4;
	v4 =	vld [tilespmem:s20+$0xD0]  }
0x24b: {  	v3 =	vmul.f32 v6, v3;
	v6 =	vld [tilespmem:s18+$0xD0]  }
0x24c: {  	v8 =	vld [tilespmem:s20+$0xFFFFFF50]  }
0x24d: {  	[tilespmem:s20+$0xFFFFFFC0] =	vst v3;
	v3 =	vld [tilespmem:s20+$0xFFFFFFD0];
	v1 =	vmul.f32 v2, v1  }
0x24e: {  	v2 =	vmul.f32 v5, v7;
	v5 =	vld [tilespmem:s18+$0xFFFFFFD0]  }
0x24f: {  	[tilespmem:s20+$0x40] =	vst v1;
	v1 =	vld [tilespmem:s20+$0x50]  }
0x250: {  	[tilespmem:s20+$0xFFFFFF40] =	vst v2;
	v2 =	vld [tilespmem:s18+$0x50];
	v4 =	vmul.f32 v6, v4  }
0x251: {  	v6 =	vld [tilespmem:s18+$0xFFFFFF50]  }
0x252: {  	[tilespmem:s20+$0xD0] =	vst v4;
	v4 =	vld [tilespmem:s20+$0xE0]  }
0x253: {  	v3 =	vmul.f32 v5, v3;
	v5 =	vld [tilespmem:s18+$0xE0]  }
0x254: {  	v7 =	vld [tilespmem:s20+$0xFFFFFF60]  }
0x255: {  	[tilespmem:s20+$0xFFFFFFD0] =	vst v3;
	v3 =	vld [tilespmem:s20+$0xFFFFFFE0];
	v1 =	vmul.f32 v2, v1  }
0x256: {  	v2 =	vmul.f32 v6, v8;
	v6 =	vld [tilespmem:s18+$0xFFFFFFE0]  }
0x257: {  	[tilespmem:s20+$0x50] =	vst v1;
	v8 =	vld [tilespmem:s20+$0x60]  }
0x258: {  	[tilespmem:s20+$0xFFFFFF50] =	vst v2;
	v9 =	vld [tilespmem:s18+$0x60];
	v1 =	vmul.f32 v5, v4  }
0x259: {  	v4 =	vld [tilespmem:s18+$0xFFFFFF60]  }
0x25a: {  	[tilespmem:s20+$0xE0] =	vst v1;
	v10 =	vld [tilespmem:s20+$0xF0]  }
0x25b: {  	v2 =	vmul.f32 v6, v3;
	v6 =	vld [tilespmem:s18+$0xF0]  }
0x25c: {  	v1 =	vld [tilespmem:s20+$0xFFFFFF70]  }
.Ltmp5:
0x25d: {  	[tilespmem:s20+$0xFFFFFFE0] =	vst v2;
	v2 =	vld [tilespmem:s20+$0xFFFFFFF0];
	v3 =	vmul.f32 v9, v8;
	(pc) =	sbr.rel @p0 .LBB2_11-.Ltmp5, $4  }
0x25e: {  	v5 =	vmul.f32 v4, v7;
	v4 =	vld [tilespmem:s18+$0xFFFFFFF0]  }
0x25f: {  	[tilespmem:s20+$0x60] =	vst v3;
	v3 =	vld [tilespmem:s20+$0x70]  }
0x260: {  	[tilespmem:s20+$0xFFFFFF60] =	vst v5;
	v5 =	vld [tilespmem:s18+$0x70];
	v7 =	vmul.f32 v6, v10  }
0x261: {  	s20 =	sadd.s32 $0x200, s20;
	v6 =	vld [tilespmem:s18+$0xFFFFFF70]  }
0x262: {  	_ =	sdelay $0x1  }
0x263: {  	v2 =	vmul.f32 v4, v2  }
0x264: {  	[tilespmem:s17+$0xF0] =	vst v7;
	v3 =	vmul.f32 v5, v3  }
0x265: {  	[tilespmem:s17+$0xFFFFFFF0] =	vst v2;
	v1 =	vmul.f32 v6, v1  }
0x266: {  	[tilespmem:s17+$0x70] =	vst v3  }
0x267: {  	[tilespmem:s17+$0xFFFFFF70] =	vst v1  }
0x268: {  	[spmem:s2] =	stream.indirect.scatter.add.f32 [tilespmem:s6], [sflag:$0x3], $0x80, s8, s24, $0xb8;
	[tilespmem:$0x1E200] =	vst v63  }
0x269: {  	_ =	swait.ge [sflag:s29], $0x2800  }
0x26a: {  	[sflag:s29] =	ssyncset.done $0x0  }
0x26b: {  	[sflag:s29] =	ssyncadd.s32 $0xFFFFD800  }
0x26c: {  	[bflag:$0x0] =	sbarrier.arrive $0xFFFF  }
0x26d: {  	[tilespmem:s6], [sflag:$0x7] =	stream.linear.gather [spmem:s23], $0x2800, $0x38;
	[tilespmem:$0x1E200] =	vst v63  }
0x26e: {  	_ =	swait.ge [sflag:s7], $0x2800  }
0x26f: {  	[sflag:s7] =	ssyncset.done $0x0  }
0x270: {  	s22 =	rddreg [dreg:$0x4];
	[sflag:s7] =	ssyncadd.s32 $0xFFFFD800  }
0x271: {  	[hbm4b:s22+s4] =	stream.linear.scatter [tilespmem:s6], [sflag:$0x7], $0x2800, $0x38;
	[tilespmem:$0x1E200] =	vst v63  }
0x272: {  	_ =	swait.ge [sflag:s7], $0x2800  }
0x273: {  	[sflag:s7] =	ssyncset.done $0x0  }
0x274: {  	s20 =	rddreg [dreg:$0xc];
	[sflag:s7] =	ssyncadd.s32 $0xFFFFD800  }
0x275: {  	[tilespmem:s6], [sflag:$0x7] =	stream.linear.gather [spmem:s20], $0x2800, $0x38;
	[tilespmem:$0x1E200] =	vst v63  }
0x276: {  	_ =	swait.ge [sflag:s7], $0x2800  }
0x277: {  	[sflag:s7] =	ssyncset.done $0x0  }
0x278: {  	s19 =	smov.u32 s23;
	s23 =	rddreg [dreg:$0x5];
	[sflag:s7] =	ssyncadd.s32 $0xFFFFD800  }
0x279: {  	[hbm4b:s23+s4] =	stream.linear.scatter [tilespmem:s6], [sflag:$0x7], $0x2800, $0x38;
	[tilespmem:$0x1E200] =	vst v63  }
0x27a: {  	_ =	swait.ge [sflag:s7], $0x2800  }
0x27b: {  	[sflag:s7] =	ssyncset.done $0x0  }
0x27c: {  	s21 =	rddreg [dreg:$0xd];
	[sflag:s7] =	ssyncadd.s32 $0xFFFFD800  }
0x27d: {  	[tilespmem:s6], [sflag:$0x7] =	stream.linear.gather [spmem:s21], $0x2800, $0x38;
	[tilespmem:$0x1E200] =	vst v63  }
0x27e: {  	_ =	swait.ge [sflag:s7], $0x2800  }
0x27f: {  	[sflag:s7] =	ssyncset.done $0x0  }
0x280: {  	s18 =	rddreg [dreg:$0x6];
	[sflag:s7] =	ssyncadd.s32 $0xFFFFD800  }
0x281: {  	[hbm4b:s18+s4] =	stream.linear.scatter [tilespmem:s6], [sflag:$0x7], $0x2800, $0x38;
	[tilespmem:$0x1E200] =	vst v63  }
0x282: {  	_ =	swait.ge [sflag:s7], $0x2800  }
0x283: {  	[sflag:s7] =	ssyncset.done $0x0  }
0x284: {  	s22 =	rddreg [dreg:$0xe];
	[sflag:s7] =	ssyncadd.s32 $0xFFFFD800  }
0x285: {  	[tilespmem:s6], [sflag:$0x7] =	stream.linear.gather [spmem:s22], $0x2800, $0x38;
	[tilespmem:$0x1E200] =	vst v63  }
0x286: {  	_ =	swait.ge [sflag:s7], $0x2800  }
0x287: {  	[sflag:s7] =	ssyncset.done $0x0  }
0x288: {  	s23 =	rddreg [dreg:$0x7];
	[sflag:s7] =	ssyncadd.s32 $0xFFFFD800  }
0x289: {  	[hbm4b:s23+s4] =	stream.linear.scatter [tilespmem:s6], [sflag:$0x7], $0x2800, $0x38;
	[tilespmem:$0x1E200] =	vst v63  }
0x28a: {  	_ =	swait.ge [sflag:s7], $0x2800  }
0x28b: {  	[sflag:s7] =	ssyncset.done $0x0  }
0x28c: {  	s18 =	rddreg [dreg:$0xf];
	[sflag:s7] =	ssyncadd.s32 $0xFFFFD800  }
0x28d: {  	[tilespmem:s6], [sflag:$0x7] =	stream.linear.gather [spmem:s18], $0x2800, $0x38;
	[tilespmem:$0x1E200] =	vst v63  }
0x28e: {  	_ =	swait.ge [sflag:s7], $0x2800  }
0x28f: {  	[sflag:s7] =	ssyncset.done $0x0  }
0x290: {  	s22 =	rddreg [dreg:$0x8];
	[sflag:s7] =	ssyncadd.s32 $0xFFFFD800  }
0x291: {  	[hbm4b:s22+s4] =	stream.linear.scatter [tilespmem:s6], [sflag:$0x7], $0x2800, $0x38;
	[tilespmem:$0x1E200] =	vst v63  }
0x292: {  	_ =	swait.ge [sflag:s7], $0x2800  }
0x293: {  	[sflag:s7] =	ssyncset.done $0x0  }
0x294: {  	s23 =	rddreg [dreg:$0x10];
	[sflag:s7] =	ssyncadd.s32 $0xFFFFD800  }
0x295: {  	[tilespmem:s6], [sflag:$0x7] =	stream.linear.gather [spmem:s23], $0x2800, $0x38;
	[tilespmem:$0x1E200] =	vst v63  }
0x296: {  	_ =	swait.ge [sflag:s7], $0x2800  }
0x297: {  	[sflag:s7] =	ssyncset.done $0x0  }
0x298: {  	s18 =	rddreg [dreg:$0x9];
	[sflag:s7] =	ssyncadd.s32 $0xFFFFD800  }
0x299: {  	[hbm4b:s18+s4] =	stream.linear.scatter [tilespmem:s6], [sflag:$0x7], $0x2800, $0x38;
	[tilespmem:$0x1E200] =	vst v63  }
0x29a: {  	_ =	swait.ge [sflag:s7], $0x2800  }
0x29b: {  	[sflag:s7] =	ssyncset.done $0x0  }
0x29c: {  	s22 =	rddreg [dreg:$0x11];
	[sflag:s7] =	ssyncadd.s32 $0xFFFFD800  }
0x29d: {  	[tilespmem:s6], [sflag:$0x7] =	stream.linear.gather [spmem:s22], $0x2800, $0x38;
	[tilespmem:$0x1E200] =	vst v63  }
0x29e: {  	_ =	swait.ge [sflag:s7], $0x2800  }
0x29f: {  	[sflag:s7] =	ssyncset.done $0x0  }
0x2a0: {  	s23 =	rddreg [dreg:$0xa];
	[sflag:s7] =	ssyncadd.s32 $0xFFFFD800  }
0x2a1: {  	[hbm4b:s23+s4] =	stream.linear.scatter [tilespmem:s6], [sflag:$0x7], $0x2800, $0x38;
	[tilespmem:$0x1E200] =	vst v63  }
0x2a2: {  	_ =	swait.ge [sflag:s7], $0x2800  }
0x2a3: {  	[sflag:s7] =	ssyncset.done $0x0  }
0x2a4: {  	s18 =	rddreg [dreg:$0x12];
	[sflag:s7] =	ssyncadd.s32 $0xFFFFD800  }
0x2a5: {  	[tilespmem:s6], [sflag:$0x7] =	stream.linear.gather [spmem:s18], $0x2800, $0x38;
	[tilespmem:$0x1E200] =	vst v63  }
0x2a6: {  	_ =	swait.ge [sflag:s7], $0x2800  }
0x2a7: {  	[sflag:s7] =	ssyncset.done $0x0  }
0x2a8: {  	s22 =	rddreg [dreg:$0xb];
	[sflag:s7] =	ssyncadd.s32 $0xFFFFD800  }
0x2a9: {  	[hbm4b:s22+s4] =	stream.linear.scatter [tilespmem:s6], [sflag:$0x7], $0x2800, $0x38;
	[tilespmem:$0x1E200] =	vst v63  }
0x2aa: {  	_ =	swait.ge [sflag:s7], $0x2800  }
0x2ab: {  	s16 =	sadd.s32 $0x1, s16;
	s23 =	rddreg [dreg:$0x19]  }
0x2ac: {  	p0 =	sne.s32 s16, s23  }
.Ltmp6:
0x2ad: {  	_ = 	snop;
	(pc) =	sbr.rel @p0 .LBB2_1-.Ltmp6, $3  }
0x2ae: {  	_ =	sdelay $0x1  }
0x2af: {  	[sflag:s7] =	ssyncset.done $0x0  }
0x2b0: {  	[sflag:s7] =	ssyncadd.s32 $0xFFFFD800  }
0x2b1: {  	_ =	sfence.sel $0x180000  }
0x2b2: {  	[bflag:$0x0] =	sbarrier.arrive $0xFFFF  }
0x2b3: {  	_ =	strace $0x90000047  }
0x2b4: {  	s0 =	stileid.u32;
	[bflag:$0x2] =	sbarrier.arrive $0xFFFF  }
0x2b5: {  	p0 =	sne.s32 s0, $0x0;
	s0 =	rddreg [dreg:$0x3]  }
0x2b6: {  	s0 =	sadd.s32 @!p0 $0x100000, s0  }
0x2b7: {  	[sflag:s0] =	ssyncadd.tile.s32 @!p0 $0x1;
	_ =	shalt  }
.Lfunc_end2:
_tile_overlayer_lowered:
.L_overlay_start_2:
0x2b8: {  	(tag) =	ssettag $0x2  }
0x2b9: {  	s0 =	rddreg [dreg:$0x0];
	s2 =	stileid.u32  }
0x2ba: {  	s1 =	rddreg [dreg:$0x1];
	p0 =	sne.s32 s2, $0x0  }
0x2bb: {  	s3 =	rddreg [dreg:$0x2];
	[bflag:$0x3] =	sbarrier.arrive $0xFFFF;
	s2 =	simm.s32 @!p0 $0x1C07  }
0x2bc: {  	[timem:s3], [sflag:s2] =	dma.local @!p0 [hbm:s0], s1  }
0x2bd: {  	s0 =	simm.s32 @!p0 $0x7  }
0x2be: {  	_ =	swait.ge @!p0 [sflag:s0], s1  }
0x2bf: {  	s1 =	ssub.s32 @!p0 $0x0, s1;
	[sflag:s0] =	ssyncset.done @!p0 $0x0  }
0x2c0: {  	[sflag:s0] =	ssyncadd.s32 @!p0 s1  }
0x2c1: {  	[bflag:$0x3] =	sbarrier.arrive $0xFFFF  }
0x2c2: {  	_ =	shalt  }

</sc_bundles>
